<compile_context>
chip_gen: v7x
topology: tpu7x:2x2x1
jax: 0.10.2.dev20260603
libtpu: 0.0.44.dev20260713+nightly
codegen_flags: <defaults>
</compile_context>

<pallas_src>
import functools

import jax
import jax.numpy as jnp
from jax import lax
from jax.experimental import pallas as pl
from jax.experimental.pallas import tpu as pltpu
from jax.experimental.pallas import tpu_sc as plsc

NC = 2
NS = 16
LANES = 16

_MESH = plsc.VectorSubcoreMesh(
    core_axis_name="c", subcore_axis_name="s", num_cores=NC, num_subcores=NS)


def _zero_vmem(buf, rows):
    z = jnp.zeros((LANES,), jnp.float32)

    def body(i, _):
        r = i // 8
        k = i % 8
        buf[r, pl.ds(k * LANES, LANES)] = z
        return 0

    lax.fori_loop(0, rows * 8, body, 0)


def _sc_agg_call(col2d, row2d, h_lo, h_hi, n_pad, want_deg):
    kbt = col2d.shape[0] // NS
    rpt = n_pad // NS
    zrows = 8
    nbuf = 2
    chunk = 32
    assert kbt % chunk == 0 and chunk % nbuf == 0 and rpt % zrows == 0

    out_type = [
        jax.ShapeDtypeStruct((n_pad, 128), jnp.float32),
        jax.ShapeDtypeStruct((n_pad, 128), jnp.float32),
    ]
    if want_deg:
        out_type.append(jax.ShapeDtypeStruct((n_pad,), jnp.float32))

    scratch = [
        pltpu.VMEM((chunk, 128), jnp.int32),
        pltpu.VMEM((chunk, 128), jnp.int32),
        pltpu.VMEM((zrows, 128), jnp.float32),
        pltpu.VMEM((128,), jnp.float32),
        pltpu.VMEM_SHARED((n_pad, 128), jnp.float32),
        pltpu.VMEM_SHARED((n_pad,), jnp.float32),
    ]
    scratch += [pltpu.VMEM((128, 128), jnp.float32) for _ in range(nbuf)]
    scratch += [pltpu.SemaphoreType.DMA for _ in range(nbuf)]

    def body(col_hbm, row_hbm, hlo_hbm, hhi_hbm, *rest):
        if want_deg:
            (alo_hbm, ahi_hbm, deg_hbm, colb, rowb, zbuf, onesb,
             acc_s, deg_s) = rest[:9]
            rings = rest[9:]
        else:
            (alo_hbm, ahi_hbm, colb, rowb, zbuf, onesb,
             acc_s, deg_s) = rest[:8]
            rings = rest[8:]
        rows_v = rings[:nbuf]
        sems = rings[nbuf:]
        c = lax.axis_index("c")
        s = lax.axis_index("s")

        _zero_vmem(zbuf, zrows)
        one = jnp.ones((LANES,), jnp.float32)
        for k in range(8):
            onesb[pl.ds(k * LANES, LANES)] = one

        def zc(k, _):
            pltpu.sync_copy(zbuf, acc_s.at[pl.ds(s * rpt + k * zrows, zrows)])
            return 0
        lax.fori_loop(0, rpt // zrows, zc, 0)

        def zd(k, _):
            pltpu.sync_copy(zbuf.at[0], deg_s.at[pl.ds(s * rpt + k * 128, 128)])
            return 0
        lax.fori_loop(0, rpt // 128, zd, 0)
        plsc.subcore_barrier()

        def run(h_hbm, with_deg):
            def cb(q, _):
                blk0 = s * kbt + q * chunk
                pltpu.sync_copy(col_hbm.at[pl.ds(blk0, chunk)], colb)
                pltpu.sync_copy(row_hbm.at[pl.ds(blk0, chunk)], rowb)

                for b in range(nbuf):
                    pltpu.async_copy(h_hbm.at[colb.at[b]], rows_v[b], sems[b])

                def step(tt, _):
                    for b in range(nbuf):
                        j = tt * nbuf + b
                        pltpu.make_async_copy(
                            h_hbm.at[colb.at[0]], rows_v[b], sems[b]).wait()
                        pltpu.sync_copy(rows_v[b], acc_s.at[rowb.at[j]],
                                        add=True)
                        if with_deg:
                            pltpu.sync_copy(onesb, deg_s.at[rowb.at[j]],
                                            add=True)

                        @pl.when(j + nbuf < chunk)
                        def _():
                            pltpu.async_copy(
                                h_hbm.at[colb.at[j + nbuf]], rows_v[b],
                                sems[b])
                    return 0

                lax.fori_loop(0, chunk // nbuf, step, 0)
                return 0

            lax.fori_loop(0, kbt // chunk, cb, 0)

        @pl.when(c == 0)
        def _():
            run(hlo_hbm, want_deg)

        @pl.when(c == 1)
        def _():
            run(hhi_hbm, False)

        plsc.subcore_barrier()

        @pl.when(c == 0)
        def _():
            pltpu.sync_copy(acc_s.at[pl.ds(s * rpt, rpt)],
                            alo_hbm.at[pl.ds(s * rpt, rpt)])
            if want_deg:
                pltpu.sync_copy(deg_s.at[pl.ds(s * rpt, rpt)],
                                deg_hbm.at[pl.ds(s * rpt, rpt)])

        @pl.when(c == 1)
        def _():
            pltpu.sync_copy(acc_s.at[pl.ds(s * rpt, rpt)],
                            ahi_hbm.at[pl.ds(s * rpt, rpt)])

    fn = pl.kernel(body, out_type=tuple(out_type), mesh=_MESH,
                   scratch_types=tuple(scratch))
    return fn(col2d, row2d, h_lo, h_hi)


def _sc_pair_gather_call(e0_2d, e1_2d, za, zb):
    nw = NC * NS
    kbw = e0_2d.shape[0] // nw
    d_pad = e0_2d.shape[0] * 128
    dt = za.dtype

    nbuf = 2
    assert kbw % nbuf == 0

    out_type = (
        jax.ShapeDtypeStruct((d_pad, 128), dt),
        jax.ShapeDtypeStruct((d_pad, 128), dt),
    )
    scratch = (
        pltpu.VMEM((kbw, 128), jnp.int32),
        pltpu.VMEM((kbw, 128), jnp.int32),
        pltpu.VMEM((128, 128), dt),
        pltpu.VMEM((128, 128), dt),
        pltpu.VMEM((128, 128), dt),
        pltpu.VMEM((128, 128), dt),
        pltpu.SemaphoreType.DMA,
        pltpu.SemaphoreType.DMA,
        pltpu.SemaphoreType.DMA,
        pltpu.SemaphoreType.DMA,
        pltpu.SemaphoreType.DMA,
        pltpu.SemaphoreType.DMA,
        pltpu.SemaphoreType.DMA,
        pltpu.SemaphoreType.DMA,
    )

    def body(e0_hbm, e1_hbm, za_hbm, zb_hbm, fi_hbm, fj_hbm,
             e0b, e1b, zi0, zi1, zj0, zj1,
             gsi0, gsi1, gsj0, gsj1, wsi0, wsi1, wsj0, wsj1):
        zi = (zi0, zi1)
        zj = (zj0, zj1)
        gsi = (gsi0, gsi1)
        gsj = (gsj0, gsj1)
        wsi = (wsi0, wsi1)
        wsj = (wsj0, wsj1)
        c = lax.axis_index("c")
        s = lax.axis_index("s")
        wid = s * NC + c
        blk0 = wid * kbw
        pltpu.sync_copy(e0_hbm.at[pl.ds(blk0, kbw)], e0b)
        pltpu.sync_copy(e1_hbm.at[pl.ds(blk0, kbw)], e1b)

        for b in range(nbuf):
            pltpu.async_copy(za_hbm.at[e0b.at[b]], zi[b], gsi[b])
            pltpu.async_copy(zb_hbm.at[e1b.at[b]], zj[b], gsj[b])

        def step(tt, _):
            for b in range(nbuf):
                j = tt * nbuf + b
                pltpu.make_async_copy(
                    za_hbm.at[e0b.at[0]], zi[b], gsi[b]).wait()
                pltpu.async_copy(
                    zi[b], fi_hbm.at[pl.ds((blk0 + j) * 128, 128)], wsi[b])
                pltpu.make_async_copy(
                    zb_hbm.at[e1b.at[0]], zj[b], gsj[b]).wait()
                pltpu.async_copy(
                    zj[b], fj_hbm.at[pl.ds((blk0 + j) * 128, 128)], wsj[b])

                @pl.when(j + nbuf < kbw)
                def _():
                    pltpu.make_async_copy(
                        zi[b], fi_hbm.at[pl.ds(0, 128)], wsi[b]).wait()
                    pltpu.async_copy(za_hbm.at[e0b.at[j + nbuf]], zi[b], gsi[b])
                    pltpu.make_async_copy(
                        zj[b], fj_hbm.at[pl.ds(0, 128)], wsj[b]).wait()
                    pltpu.async_copy(zb_hbm.at[e1b.at[j + nbuf]], zj[b], gsj[b])
            return 0

        lax.fori_loop(0, kbw // nbuf, step, 0)

        for b in range(nbuf):
            pltpu.make_async_copy(
                zi[b], fi_hbm.at[pl.ds(0, 128)], wsi[b]).wait()
            pltpu.make_async_copy(
                zj[b], fj_hbm.at[pl.ds(0, 128)], wsj[b]).wait()

    fn = pl.kernel(body, out_type=out_type, mesh=_MESH,
                   scratch_types=scratch)
    return fn(e0_2d, e1_2d, za, zb)



def _tc_input_proj(x, w_in, b_in):
    n, _ = x.shape
    bn = 1000

    def body(x_ref, w_ref, b_ref, lo_ref, hi_ref):
        h = jnp.dot(x_ref[...], w_ref[...],
                    preferred_element_type=jnp.float32) + b_ref[...]
        lo_ref[...] = h[:, :128]
        hi_ref[...] = h[:, 128:]

    return pl.pallas_call(
        body,
        grid=(n // bn,),
        in_specs=[
            pl.BlockSpec((bn, x.shape[1]), lambda i: (i, 0)),
            pl.BlockSpec(w_in.shape, lambda i: (0, 0)),
            pl.BlockSpec(b_in.shape, lambda i: (0, 0)),
        ],
        out_specs=[
            pl.BlockSpec((bn, 128), lambda i: (i, 0)),
            pl.BlockSpec((bn, 128), lambda i: (i, 0)),
        ],
        out_shape=[
            jax.ShapeDtypeStruct((n, 128), jnp.float32),
            jax.ShapeDtypeStruct((n, 128), jnp.float32),
        ],
    )(x, w_in, b_in)


def _f32_to_bf16_bits(x):
    u = lax.bitcast_convert_type(x, jnp.uint32)
    r = u + jnp.uint32(0x7FFF) + ((u >> 16) & jnp.uint32(1))
    return r >> 16


def _pack_f16(t):
    rl = _f32_to_bf16_bits(t[:, :128])
    rh = _f32_to_bf16_bits(t[:, 128:])
    return lax.bitcast_convert_type(rl | (rh << 16), jnp.int32)


def _tc_conv_update(h_lo, h_hi, a_lo, a_hi, deg, w_c, b_c, g, be,
                    w_a=None, b_a=None, w_b=None, b_b=None):
    n = h_lo.shape[0]
    bn = 1000
    final = w_a is not None

    def body(hl, hh, al, ah, dg, wc, bc, gr, br, *rest):
        if final:
            wa, ba, wb, bb, apk_ref, bpk_ref = rest
        else:
            lo_ref, hi_ref = rest
        inv = 1.0 / jnp.maximum(dg[...], 1.0)
        alo = al[...] * inv
        ahi = ah[...] * inv
        t = (jnp.dot(alo, wc[:128, :], preferred_element_type=jnp.float32)
             + jnp.dot(ahi, wc[128:, :], preferred_element_type=jnp.float32)
             + bc[...])
        h = jnp.concatenate([hl[...], hh[...]], axis=1) + t
        m = jnp.mean(h, axis=1, keepdims=True)
        v = jnp.mean((h - m) ** 2, axis=1, keepdims=True)
        h = (h - m) * lax.rsqrt(v + 1e-5) * gr[...] + br[...]
        h = jnp.maximum(h, 0.0)
        if final:
            a = jnp.dot(h, wa[...],
                        preferred_element_type=jnp.float32) + ba[...]
            b = jnp.dot(h, wb[...],
                        preferred_element_type=jnp.float32) + bb[...]
            apk_ref[...] = _pack_f16(a)
            bpk_ref[...] = _pack_f16(b)
        else:
            lo_ref[...] = h[:, :128]
            hi_ref[...] = h[:, 128:]

    in_specs = [
        pl.BlockSpec((bn, 128), lambda i: (i, 0)),
        pl.BlockSpec((bn, 128), lambda i: (i, 0)),
        pl.BlockSpec((bn, 128), lambda i: (i, 0)),
        pl.BlockSpec((bn, 128), lambda i: (i, 0)),
        pl.BlockSpec((bn, 1), lambda i: (i, 0)),
        pl.BlockSpec(w_c.shape, lambda i: (0, 0)),
        pl.BlockSpec(b_c.shape, lambda i: (0, 0)),
        pl.BlockSpec(g.shape, lambda i: (0, 0)),
        pl.BlockSpec(be.shape, lambda i: (0, 0)),
    ]
    args = [h_lo, h_hi, a_lo, a_hi, deg, w_c, b_c, g, be]
    if final:
        in_specs += [
            pl.BlockSpec(w_a.shape, lambda i: (0, 0)),
            pl.BlockSpec(b_a.shape, lambda i: (0, 0)),
            pl.BlockSpec(w_b.shape, lambda i: (0, 0)),
            pl.BlockSpec(b_b.shape, lambda i: (0, 0)),
        ]
        args += [w_a, b_a, w_b, b_b]
        out_specs = [
            pl.BlockSpec((bn, 128), lambda i: (i, 0)),
            pl.BlockSpec((bn, 128), lambda i: (i, 0)),
        ]
        out_shape = [
            jax.ShapeDtypeStruct((n, 128), jnp.int32),
            jax.ShapeDtypeStruct((n, 128), jnp.int32),
        ]
    else:
        out_specs = [
            pl.BlockSpec((bn, 128), lambda i: (i, 0)),
            pl.BlockSpec((bn, 128), lambda i: (i, 0)),
        ]
        out_shape = [
            jax.ShapeDtypeStruct((n, 128), jnp.float32),
            jax.ShapeDtypeStruct((n, 128), jnp.float32),
        ]

    return pl.pallas_call(
        body, grid=(n // bn,), in_specs=in_specs,
        out_specs=out_specs, out_shape=out_shape,
    )(*args)


def _unpack_f16(v):
    vu = lax.bitcast_convert_type(v, jnp.uint32)
    lo = lax.bitcast_convert_type(vu << 16, jnp.float32)
    hi = lax.bitcast_convert_type(vu & jnp.uint32(0xFFFF0000), jnp.float32)
    return lo, hi


def _tc_decoder(fi, fj, b1a, b1b, w2a, w2b, b2, w3, b3):
    e = fi.shape[0]
    be_blk = 2560

    def body(fi_ref, fj_ref, b1a_ref, b1b_ref, w2a_ref, w2b_ref, b2_ref,
             w3_ref, b3_ref, out_ref):
        alo, ahi = _unpack_f16(fi_ref[...])
        blo, bhi = _unpack_f16(fj_ref[...])
        hlo = jnp.maximum(alo + blo + b1a_ref[...], 0.0)
        hhi = jnp.maximum(ahi + bhi + b1b_ref[...], 0.0)
        h = (jnp.dot(hlo, w2a_ref[...], preferred_element_type=jnp.float32)
             + jnp.dot(hhi, w2b_ref[...], preferred_element_type=jnp.float32)
             + b2_ref[...])
        h = jnp.maximum(h, 0.0)
        s = jnp.dot(h, w3_ref[...], preferred_element_type=jnp.float32) \
            + b3_ref[...]
        out_ref[...] = s.reshape(1, -1)

    return pl.pallas_call(
        body,
        grid=(e // be_blk,),
        in_specs=[
            pl.BlockSpec((be_blk, 128), lambda i: (i, 0)),
            pl.BlockSpec((be_blk, 128), lambda i: (i, 0)),
            pl.BlockSpec(b1a.shape, lambda i: (0, 0)),
            pl.BlockSpec(b1b.shape, lambda i: (0, 0)),
            pl.BlockSpec(w2a.shape, lambda i: (0, 0)),
            pl.BlockSpec(w2b.shape, lambda i: (0, 0)),
            pl.BlockSpec(b2.shape, lambda i: (0, 0)),
            pl.BlockSpec(w3.shape, lambda i: (0, 0)),
            pl.BlockSpec(b3.shape, lambda i: (0, 0)),
        ],
        out_specs=pl.BlockSpec((1, be_blk), lambda i: (0, i)),
        out_shape=jax.ShapeDtypeStruct((1, e), jnp.float32),
    )(fi, fj, b1a, b1b, w2a, w2b, b2, w3, b3)


def _pad_idx_2d(idx, per_worker_blocks, workers, fill):
    total = workers * per_worker_blocks * 128
    pad = total - idx.shape[0]
    idx = jnp.concatenate(
        [idx, jnp.full((pad,), fill, jnp.int32)]) if pad else idx
    return idx.reshape(-1, 128)


def kernel(x, edge_index, edge_label_index, W_in, b_in, W_c0, b_c0, W_c1,
           b_c1, g0, be0, g1, be1, W_out, b_out, W_m1, b_m1, W_m2, b_m2,
           W_m3, b_m3):
    n = x.shape[0]
    e = edge_index.shape[1]
    n_pad = ((n + NS * 128 - 1) // (NS * 128)) * NS * 128

    row = edge_index[0]
    col = edge_index[1]
    kbt = -(-((e + NS * 128 - 1) // (NS * 128)) // 8) * 8
    col2d = _pad_idx_2d(col, kbt, NS, 0)
    row2d = _pad_idx_2d(row, kbt, NS, n_pad - 1)

    e0 = edge_label_index[0]
    e1 = edge_label_index[1]
    kbw = -(-((e + NC * NS * 128 - 1) // (NC * NS * 128)) // 8) * 8
    e0_2d = _pad_idx_2d(e0, kbw, NC * NS, 0)
    e1_2d = _pad_idx_2d(e1, kbw, NC * NS, 0)

    b_in2 = b_in.reshape(1, -1)
    h_lo, h_hi = _tc_input_proj(x, W_in, b_in2)

    a_lo, a_hi, deg = _sc_agg_call(col2d, row2d, h_lo, h_hi, n_pad, True)
    deg_n = deg[:n].reshape(n, 1)
    h_lo, h_hi = _tc_conv_update(
        h_lo, h_hi, a_lo[:n], a_hi[:n], deg_n, W_c0, b_c0.reshape(1, -1),
        g0.reshape(1, -1), be0.reshape(1, -1))

    a_lo, a_hi = _sc_agg_call(col2d, row2d, h_lo, h_hi, n_pad, False)

    hp = lax.Precision.HIGHEST
    w_a = jnp.matmul(W_out, W_m1[:128], precision=hp)
    b_a = jnp.matmul(b_out, W_m1[:128], precision=hp)
    w_b = jnp.matmul(W_out, W_m1[128:], precision=hp)
    b_b = jnp.matmul(b_out, W_m1[128:], precision=hp)
    apk, bpk = _tc_conv_update(
        h_lo, h_hi, a_lo[:n], a_hi[:n], deg_n, W_c1, b_c1.reshape(1, -1),
        g1.reshape(1, -1), be1.reshape(1, -1),
        w_a=w_a, b_a=b_a.reshape(1, -1), w_b=w_b, b_b=b_b.reshape(1, -1))

    fi, fj = _sc_pair_gather_call(e0_2d, e1_2d, apk, bpk)

    scores2d = _tc_decoder(
        fi[:e], fj[:e], b_m1[:128].reshape(1, -1), b_m1[128:].reshape(1, -1),
        W_m2[:128], W_m2[128:], b_m2.reshape(1, -1), W_m3,
        b_m3.reshape(1, -1))
    return scores2d[0]

# --- scband reference (transcript-rebuilt; emitter-appended) ---
"""Pipeline reference for scband-link-predictor-16037407883985 (READ-ONLY COPY).

The authoritative reference and input builder live on the scoring server;
editing this copy changes nothing except your own understanding.
"""

import jax, jax.numpy as jnp
import numpy as np

N = 10000
E = 320000
D_IN = 128
H = 256
D_EMB = 128


def _layernorm(x, g, b):
    m = x.mean(axis=-1, keepdims=True)
    v = ((x - m) ** 2).mean(axis=-1, keepdims=True)
    return (x - m) / jnp.sqrt(v + 1e-5) * g + b


def setup_inputs(seed: int = 0) -> dict:
    key = jax.random.key(seed)
    ks = jax.random.split(key, 16)
    def rn(k, shape, scale):
        return jax.random.normal(k, shape, dtype=jnp.float32) * scale
    inp = {}
    inp["x"] = rn(ks[0], (N, D_IN), 1.0)
    inp["edge_index"] = jax.random.randint(ks[1], (2, E), 0, N, dtype=jnp.int32)
    inp["edge_label_index"] = jax.random.randint(ks[2], (2, E), 0, N, dtype=jnp.int32)
    # encoder params
    inp["W_in"] = rn(ks[3], (D_IN, H), 1.0 / np.sqrt(D_IN))
    inp["b_in"] = jnp.zeros((H,), jnp.float32)
    inp["W_c0"] = rn(ks[4], (H, H), 1.0 / np.sqrt(H))
    inp["b_c0"] = jnp.zeros((H,), jnp.float32)
    inp["W_c1"] = rn(ks[5], (H, H), 1.0 / np.sqrt(H))
    inp["b_c1"] = jnp.zeros((H,), jnp.float32)
    inp["g0"] = jnp.ones((H,), jnp.float32)
    inp["be0"] = jnp.zeros((H,), jnp.float32)
    inp["g1"] = jnp.ones((H,), jnp.float32)
    inp["be1"] = jnp.zeros((H,), jnp.float32)
    inp["W_out"] = rn(ks[6], (H, D_EMB), 1.0 / np.sqrt(H))
    inp["b_out"] = jnp.zeros((D_EMB,), jnp.float32)
    # decoder MLP params: (2*D_EMB -> H -> H//2 -> 1)
    inp["W_m1"] = rn(ks[7], (2 * D_EMB, H), 1.0 / np.sqrt(2 * D_EMB))
    inp["b_m1"] = jnp.zeros((H,), jnp.float32)
    inp["W_m2"] = rn(ks[8], (H, H // 2), 1.0 / np.sqrt(H))
    inp["b_m2"] = jnp.zeros((H // 2,), jnp.float32)
    inp["W_m3"] = rn(ks[9], (H // 2, 1), 1.0 / np.sqrt(H // 2))
    inp["b_m3"] = jnp.zeros((1,), jnp.float32)
    return inp


def reference(x, edge_index, edge_label_index, W_in, b_in, W_c0, b_c0, W_c1, b_c1,
              g0, be0, g1, be1, W_out, b_out, W_m1, b_m1, W_m2, b_m2, W_m3, b_m3):
    # LinkPredictionEncoder (gcn), dropout in eval mode (identity)
    h = x @ W_in + b_in
    row = edge_index[0]
    col = edge_index[1]
    conv_W = [W_c0, W_c1]
    conv_b = [b_c0, b_c1]
    ln_g = [g0, g1]
    ln_b = [be0, be1]
    for i in range(2):
        messages = h[col]                                   # gather [E, H]
        aggregated = jax.ops.segment_sum(messages, row, num_segments=N)  # scatter-add
        degree = jax.ops.segment_sum(jnp.ones((E,), jnp.float32), row, num_segments=N)
        degree = jnp.clip(degree, 1.0, None)[:, None]
        aggregated = aggregated / degree
        h_new = aggregated @ conv_W[i] + conv_b[i]
        h = h + h_new
        h = _layernorm(h, ln_g[i], ln_b[i])
        h = jax.nn.relu(h)
    z = h @ W_out + b_out                                   # [N, D_EMB]
    # LinkPredictionDecoder (mlp)
    z_i = z[edge_label_index[0]]                            # gather [E, D_EMB]
    z_j = z[edge_label_index[1]]
    feat = jnp.concatenate([z_i, z_j], axis=-1)             # [E, 2*D_EMB]
    hdec = jax.nn.relu(feat @ W_m1 + b_m1)
    hdec = jax.nn.relu(hdec @ W_m2 + b_m2)
    scores = (hdec @ W_m3 + b_m3)[:, 0]                     # [E]
    return scores

if __name__ == "__main__":
    import jax
    _d = setup_inputs()
    print(jax.jit(kernel)(*tuple(_d.values())))

</pallas_src>

<mosaic_0001>
#map = affine_map<(d0, d1) -> (0, 0)>
module attributes {stable_mosaic.version = 14 : i64} {
  func.func @body(%arg0: i32, %arg1: i32, %arg2: memref<2560x128xi32, #tpu.memory_space<hbm>>, %arg3: memref<2560x128xi32, #tpu.memory_space<hbm>>, %arg4: memref<10000x128xf32, #tpu.memory_space<hbm>>, %arg5: memref<10000x128xf32, #tpu.memory_space<hbm>>, %arg6: memref<10240x128xf32, #tpu.memory_space<hbm>>, %arg7: memref<10240x128xf32, #tpu.memory_space<hbm>>, %arg8: memref<32x128xi32, #tpu.memory_space<vmem>>, %arg9: memref<32x128xi32, #tpu.memory_space<vmem>>, %arg10: memref<8x128xf32, #tpu.memory_space<vmem>>, %arg11: memref<128xf32, #tpu.memory_space<vmem>>, %arg12: memref<10240x128xf32, #tpu.memory_space<vmem_shared>>, %arg13: memref<10240xf32, #tpu.memory_space<vmem_shared>>, %arg14: memref<128x128xf32, #tpu.memory_space<vmem>>, %arg15: memref<128x128xf32, #tpu.memory_space<vmem>>, %arg16: memref<!tpu.dma_semaphore, #tpu.memory_space<semaphore_mem>>, %arg17: memref<!tpu.dma_semaphore, #tpu.memory_space<semaphore_mem>>) attributes {dimension_semantics = [#tpu.dimension_semantics<core_parallel>, #tpu.dimension_semantics<subcore_parallel>], iteration_bounds = array<i64: 2, 16>, scalar_prefetch = 0 : i64, scratch_operands = 10 : i64, tpu.core_type = #tpu.core_type<sc_vector_subcore>, window_params = [{transform_indices = #map}, {transform_indices = #map}, {transform_indices = #map}, {transform_indices = #map}, {transform_indices = #map}, {transform_indices = #map}]} {
    %broadcast_in_dim3A = arith.constant 0.000000e+00 : f32
    %broadcast_in_dim3A_0 = vector.broadcast %broadcast_in_dim3A : f32 to vector<16xf32>
    %scan3A = arith.constant 0 : i32
    %scan3A_1 = arith.constant 0 : i32
    %scan3A_2 = arith.constant 64 : i32
    %scan3A_3 = arith.addi %scan3A_1, %scan3A_2 : i32
    %scan3A_4 = arith.constant 1 : i32
    %scan3A_5 = scf.for %scan3A_72 = %scan3A_1 to %scan3A_3 step %scan3A_4 iter_args(%scan3A_73 = %scan3A) -> (i32)  : i32 {
      %jit3A = arith.constant 8 : i32
      %div3A = arith.divsi %scan3A_72, %jit3A : i32
      %sign3A = arith.constant 0 : i32
      %sign3A_74 = arith.cmpi sgt, %scan3A_72, %sign3A : i32
      %sign3A_75 = arith.extui %sign3A_74 : i1 to i32
      %sign3A_76 = arith.constant 0 : i32
      %sign3A_77 = arith.cmpi slt, %scan3A_72, %sign3A_76 : i32
      %sign3A_78 = arith.extui %sign3A_77 : i1 to i32
      %sign3A_79 = arith.subi %sign3A_75, %sign3A_78 : i32
      %sign3A_80 = arith.constant 0 : i32
      %sign3A_81 = arith.cmpi sgt, %jit3A, %sign3A_80 : i32
      %sign3A_82 = arith.extui %sign3A_81 : i1 to i32
      %sign3A_83 = arith.constant 0 : i32
      %sign3A_84 = arith.cmpi slt, %jit3A, %sign3A_83 : i32
      %sign3A_85 = arith.extui %sign3A_84 : i1 to i32
      %sign3A_86 = arith.subi %sign3A_82, %sign3A_85 : i32
      %ne3A = arith.cmpi ne, %sign3A_79, %sign3A_86 : i32
      %rem3A = arith.remsi %scan3A_72, %jit3A : i32
      %ne3A_87 = arith.constant 0 : i32
      %ne3A_88 = arith.cmpi ne, %rem3A, %ne3A_87 : i32
      %and3A = arith.andi %ne3A, %ne3A_88 : i1
      %sub3A = arith.constant 1 : i32
      %sub3A_89 = arith.subi %div3A, %sub3A : i32
      %select_n3A = arith.select %and3A, %sub3A_89, %div3A : i32
      %jit3A_90 = arith.constant 8 : i32
      %eq3A_91 = arith.constant 0 : i32
      %eq3A_92 = arith.cmpi eq, %jit3A_90, %eq3A_91 : i32
      %jit3A_93 = arith.constant 1 : i32
      %select_n3A_94 = arith.select %eq3A_92, %jit3A_93, %jit3A_90 : i32
      %rem3A_95 = arith.remsi %scan3A_72, %select_n3A_94 : i32
      %ne3A_96 = arith.constant 0 : i32
      %ne3A_97 = arith.cmpi ne, %rem3A_95, %ne3A_96 : i32
      %lt3A = arith.constant 0 : i32
      %lt3A_98 = arith.cmpi slt, %rem3A_95, %lt3A : i32
      %lt3A_99 = arith.constant 0 : i32
      %lt3A_100 = arith.cmpi slt, %select_n3A_94, %lt3A_99 : i32
      %ne3A_101 = arith.xori %lt3A_98, %lt3A_100 : i1
      %and3A_102 = arith.andi %ne3A_101, %ne3A_97 : i1
      %add3A = arith.addi %rem3A_95, %select_n3A_94 : i32
      %select_n3A_103 = arith.select %and3A_102, %add3A, %rem3A_95 : i32
      %mul3A = arith.constant 16 : i32
      %mul3A_104 = arith.muli %select_n3A_103, %mul3A : i32
      %swap3A_105 = arith.index_cast %select_n3A : i32 to index
      %swap3A_106 = arith.index_cast %mul3A_104 : i32 to index
      %swap3A_107 = tpu.vector_load %arg10[%swap3A_105, %swap3A_106] {strides = array<i32>} : memref<8x128xf32, #tpu.memory_space<vmem>>, vector<1x16xf32>,
      %swap3A_108 = vector.shape_cast %swap3A_107 : vector<1x16xf32> to vector<16xf32>
      %swap3A_109 = vector.shape_cast %broadcast_in_dim3A_0 : vector<16xf32> to vector<1x16xf32>
      tpu.vector_store %arg10[%swap3A_105, %swap3A_106], %swap3A_109 {strides = array<i32>} : memref<8x128xf32, #tpu.memory_space<vmem>>, vector<1x16xf32>,
      %scan3A_110 = arith.constant 0 : i32
      scf.yield %scan3A_110 : i32
    }
    %scan3A_6 = arith.constant 64 : i32
    %broadcast_in_dim3A_7 = arith.constant 1.000000e+00 : f32
    %broadcast_in_dim3A_8 = vector.broadcast %broadcast_in_dim3A_7 : f32 to vector<16xf32>
    %swap3A = arith.constant 0 : index
    %swap3A_9 = tpu.vector_load %arg11[%swap3A] {strides = array<i32>} : memref<128xf32, #tpu.memory_space<vmem>>, vector<16xf32>,
    %swap3A_10 = vector.shape_cast %swap3A_9 : vector<16xf32> to vector<16xf32>
    %swap3A_11 = vector.shape_cast %broadcast_in_dim3A_8 : vector<16xf32> to vector<16xf32>
    tpu.vector_store %arg11[%swap3A], %swap3A_11 {strides = array<i32>} : memref<128xf32, #tpu.memory_space<vmem>>, vector<16xf32>,
    %swap3A_12 = arith.constant 16 : index
    %swap3A_13 = tpu.vector_load %arg11[%swap3A_12] {strides = array<i32>} : memref<128xf32, #tpu.memory_space<vmem>>, vector<16xf32>,
    %swap3A_14 = vector.shape_cast %swap3A_13 : vector<16xf32> to vector<16xf32>
    %swap3A_15 = vector.shape_cast %broadcast_in_dim3A_8 : vector<16xf32> to vector<16xf32>
    tpu.vector_store %arg11[%swap3A_12], %swap3A_15 {strides = array<i32>} : memref<128xf32, #tpu.memory_space<vmem>>, vector<16xf32>,
    %swap3A_16 = arith.constant 32 : index
    %swap3A_17 = tpu.vector_load %arg11[%swap3A_16] {strides = array<i32>} : memref<128xf32, #tpu.memory_space<vmem>>, vector<16xf32>,
    %swap3A_18 = vector.shape_cast %swap3A_17 : vector<16xf32> to vector<16xf32>
    %swap3A_19 = vector.shape_cast %broadcast_in_dim3A_8 : vector<16xf32> to vector<16xf32>
    tpu.vector_store %arg11[%swap3A_16], %swap3A_19 {strides = array<i32>} : memref<128xf32, #tpu.memory_space<vmem>>, vector<16xf32>,
    %swap3A_20 = arith.constant 48 : index
    %swap3A_21 = tpu.vector_load %arg11[%swap3A_20] {strides = array<i32>} : memref<128xf32, #tpu.memory_space<vmem>>, vector<16xf32>,
    %swap3A_22 = vector.shape_cast %swap3A_21 : vector<16xf32> to vector<16xf32>
    %swap3A_23 = vector.shape_cast %broadcast_in_dim3A_8 : vector<16xf32> to vector<16xf32>
    tpu.vector_store %arg11[%swap3A_20], %swap3A_23 {strides = array<i32>} : memref<128xf32, #tpu.memory_space<vmem>>, vector<16xf32>,
    %swap3A_24 = arith.constant 64 : index
    %swap3A_25 = tpu.vector_load %arg11[%swap3A_24] {strides = array<i32>} : memref<128xf32, #tpu.memory_space<vmem>>, vector<16xf32>,
    %swap3A_26 = vector.shape_cast %swap3A_25 : vector<16xf32> to vector<16xf32>
    %swap3A_27 = vector.shape_cast %broadcast_in_dim3A_8 : vector<16xf32> to vector<16xf32>
    tpu.vector_store %arg11[%swap3A_24], %swap3A_27 {strides = array<i32>} : memref<128xf32, #tpu.memory_space<vmem>>, vector<16xf32>,
    %swap3A_28 = arith.constant 80 : index
    %swap3A_29 = tpu.vector_load %arg11[%swap3A_28] {strides = array<i32>} : memref<128xf32, #tpu.memory_space<vmem>>, vector<16xf32>,
    %swap3A_30 = vector.shape_cast %swap3A_29 : vector<16xf32> to vector<16xf32>
    %swap3A_31 = vector.shape_cast %broadcast_in_dim3A_8 : vector<16xf32> to vector<16xf32>
    tpu.vector_store %arg11[%swap3A_28], %swap3A_31 {strides = array<i32>} : memref<128xf32, #tpu.memory_space<vmem>>, vector<16xf32>,
    %swap3A_32 = arith.constant 96 : index
    %swap3A_33 = tpu.vector_load %arg11[%swap3A_32] {strides = array<i32>} : memref<128xf32, #tpu.memory_space<vmem>>, vector<16xf32>,
    %swap3A_34 = vector.shape_cast %swap3A_33 : vector<16xf32> to vector<16xf32>
    %swap3A_35 = vector.shape_cast %broadcast_in_dim3A_8 : vector<16xf32> to vector<16xf32>
    tpu.vector_store %arg11[%swap3A_32], %swap3A_35 {strides = array<i32>} : memref<128xf32, #tpu.memory_space<vmem>>, vector<16xf32>,
    %swap3A_36 = arith.constant 112 : index
    %swap3A_37 = tpu.vector_load %arg11[%swap3A_36] {strides = array<i32>} : memref<128xf32, #tpu.memory_space<vmem>>, vector<16xf32>,
    %swap3A_38 = vector.shape_cast %swap3A_37 : vector<16xf32> to vector<16xf32>
    %swap3A_39 = vector.shape_cast %broadcast_in_dim3A_8 : vector<16xf32> to vector<16xf32>
    tpu.vector_store %arg11[%swap3A_36], %swap3A_39 {strides = array<i32>} : memref<128xf32, #tpu.memory_space<vmem>>, vector<16xf32>,
    %scan3A_40 = arith.constant 0 : i32
    %scan3A_41 = arith.constant 0 : i32
    %scan3A_42 = arith.constant 80 : i32
    %scan3A_43 = arith.addi %scan3A_41, %scan3A_42 : i32
    %scan3A_44 = arith.constant 1 : i32
    %scan3A_45 = scf.for %scan3A_72 = %scan3A_41 to %scan3A_43 step %scan3A_44 iter_args(%scan3A_73 = %scan3A_40) -> (i32)  : i32 {
      %mul3A = arith.constant 640 : i32
      %mul3A_74 = arith.muli %arg1, %mul3A : i32
      %mul3A_75 = arith.constant 8 : i32
      %mul3A_76 = arith.muli %scan3A_72, %mul3A_75 : i32
      %add3A = arith.addi %mul3A_74, %mul3A_76 : i32
      "tpu.region"() ({
        %run_scoped3A = tpu.sem_alloc : memref<!tpu.dma_semaphore, #tpu.memory_space<semaphore_mem>>
        %dma_start3A = arith.constant 0 : i32
        %dma_start3A_78 = tpu.memref_slice %arg12[%add3A, %dma_start3A] : memref<10240x128xf32, #tpu.memory_space<vmem_shared>> -> memref<8x128xf32, #tpu.memory_space<vmem_shared>>
        %dma_start3A_79 = arith.constant 0 : i32
        %dma_start3A_80 = tpu.memref_slice %arg12[%add3A, %dma_start3A_79] : memref<10240x128xf32, #tpu.memory_space<vmem_shared>> -> memref<8x128xf32, #tpu.memory_space<vmem_shared>>
        tpu.enqueue_dma source(%arg10 : memref<8x128xf32, #tpu.memory_space<vmem>>) target(%dma_start3A_80 : memref<8x128xf32, #tpu.memory_space<vmem_shared>>) target_semaphore(%run_scoped3A : memref<!tpu.dma_semaphore, #tpu.memory_space<semaphore_mem>>)
        %dma_wait3A = arith.constant 0 : i32
        %dma_wait3A_81 = tpu.memref_slice %arg12[%add3A, %dma_wait3A] : memref<10240x128xf32, #tpu.memory_space<vmem_shared>> -> memref<8x128xf32, #tpu.memory_space<vmem_shared>>
        %dma_wait3A_82 = arith.constant 0 : i32
        %dma_wait3A_83 = tpu.memref_slice %arg12[%add3A, %dma_wait3A_82] : memref<10240x128xf32, #tpu.memory_space<vmem_shared>> -> memref<8x128xf32, #tpu.memory_space<vmem_shared>>
        tpu.wait_dma2 semaphore(%run_scoped3A : memref<!tpu.dma_semaphore, #tpu.memory_space<semaphore_mem>>) src(%arg10 : memref<8x128xf32, #tpu.memory_space<vmem>>) dst(%dma_wait3A_83 : memref<8x128xf32, #tpu.memory_space<vmem_shared>>)
        tpu.yield
      }) : () -> ()
      %scan3A_77 = arith.constant 0 : i32
      scf.yield %scan3A_77 : i32
    }
    %scan3A_46 = arith.constant 80 : i32
    %scan3A_47 = arith.constant 0 : i32
    %scan3A_48 = arith.constant 0 : i32
    %scan3A_49 = arith.constant 5 : i32
    %scan3A_50 = arith.addi %scan3A_48, %scan3A_49 : i32
    %scan3A_51 = arith.constant 1 : i32
    %scan3A_52 = scf.for %scan3A_72 = %scan3A_48 to %scan3A_50 step %scan3A_51 iter_args(%scan3A_73 = %scan3A_47) -> (i32)  : i32 {
      %mul3A = arith.constant 640 : i32
      %mul3A_74 = arith.muli %arg1, %mul3A : i32
      %mul3A_75 = arith.constant 128 : i32
      %mul3A_76 = arith.muli %scan3A_72, %mul3A_75 : i32
      %add3A = arith.addi %mul3A_74, %mul3A_76 : i32
      %run_scoped3A = arith.constant 0 : i32
      "tpu.region"() ({
        %run_scoped3A_78 = tpu.sem_alloc : memref<!tpu.dma_semaphore, #tpu.memory_space<semaphore_mem>>
        %dma_start3A = arith.constant 0 : i32
        %dma_start3A_79 = tpu.memref_slice %arg10[%run_scoped3A, %dma_start3A] : memref<8x128xf32, #tpu.memory_space<vmem>> -> memref<1x128xf32, #tpu.memory_space<vmem>>
        %dma_start3A_80 = tpu.memref_squeeze %dma_start3A_79 : memref<1x128xf32, #tpu.memory_space<vmem>> -> memref<128xf32, #tpu.memory_space<vmem>>
        %dma_start3A_81 = tpu.memref_slice %arg13[%add3A] : memref<10240xf32, #tpu.memory_space<vmem_shared>> -> memref<128xf32, #tpu.memory_space<vmem_shared>>
        %dma_start3A_82 = tpu.memref_slice %arg13[%add3A] : memref<10240xf32, #tpu.memory_space<vmem_shared>> -> memref<128xf32, #tpu.memory_space<vmem_shared>>
        %dma_start3A_83 = arith.constant 0 : i32
        %dma_start3A_84 = tpu.memref_slice %arg10[%run_scoped3A, %dma_start3A_83] : memref<8x128xf32, #tpu.memory_space<vmem>> -> memref<1x128xf32, #tpu.memory_space<vmem>>
        %dma_start3A_85 = tpu.memref_squeeze %dma_start3A_84 : memref<1x128xf32, #tpu.memory_space<vmem>> -> memref<128xf32, #tpu.memory_space<vmem>>
        tpu.enqueue_dma source(%dma_start3A_85 : memref<128xf32, #tpu.memory_space<vmem>>) target(%dma_start3A_82 : memref<128xf32, #tpu.memory_space<vmem_shared>>) target_semaphore(%run_scoped3A_78 : memref<!tpu.dma_semaphore, #tpu.memory_space<semaphore_mem>>)
        %dma_wait3A = arith.constant 0 : i32
        %dma_wait3A_86 = tpu.memref_slice %arg10[%run_scoped3A, %dma_wait3A] : memref<8x128xf32, #tpu.memory_space<vmem>> -> memref<1x128xf32, #tpu.memory_space<vmem>>
        %dma_wait3A_87 = tpu.memref_squeeze %dma_wait3A_86 : memref<1x128xf32, #tpu.memory_space<vmem>> -> memref<128xf32, #tpu.memory_space<vmem>>
        %dma_wait3A_88 = tpu.memref_slice %arg13[%add3A] : memref<10240xf32, #tpu.memory_space<vmem_shared>> -> memref<128xf32, #tpu.memory_space<vmem_shared>>
        %dma_wait3A_89 = tpu.memref_slice %arg13[%add3A] : memref<10240xf32, #tpu.memory_space<vmem_shared>> -> memref<128xf32, #tpu.memory_space<vmem_shared>>
        %dma_wait3A_90 = arith.constant 0 : i32
        %dma_wait3A_91 = tpu.memref_slice %arg10[%run_scoped3A, %dma_wait3A_90] : memref<8x128xf32, #tpu.memory_space<vmem>> -> memref<1x128xf32, #tpu.memory_space<vmem>>
        %dma_wait3A_92 = tpu.memref_squeeze %dma_wait3A_91 : memref<1x128xf32, #tpu.memory_space<vmem>> -> memref<128xf32, #tpu.memory_space<vmem>>
        tpu.wait_dma2 semaphore(%run_scoped3A_78 : memref<!tpu.dma_semaphore, #tpu.memory_space<semaphore_mem>>) src(%dma_wait3A_92 : memref<128xf32, #tpu.memory_space<vmem>>) dst(%dma_wait3A_89 : memref<128xf32, #tpu.memory_space<vmem_shared>>)
        tpu.yield
      }) : () -> ()
      %scan3A_77 = arith.constant 0 : i32
      scf.yield %scan3A_77 : i32
    }
    %scan3A_53 = arith.constant 5 : i32
    %barrier3A = arith.constant 0 : index
    tpu.barrier barrier_id(%barrier3A)
    %eq3A = arith.constant 0 : i32
    %eq3A_54 = arith.cmpi eq, %arg0, %eq3A : i32
    %convert_element_type3A = arith.extui %eq3A_54 : i1 to i32
    %cond3A = arith.constant 0 : i32
    %cond3A_55 = arith.cmpi ne, %convert_element_type3A, %cond3A : i32
    scf.if %cond3A_55 {
      %scan3A_72 = arith.constant 0 : i32
      %scan3A_73 = arith.constant 0 : i32
      %scan3A_74 = arith.constant 5 : i32
      %scan3A_75 = arith.addi %scan3A_73, %scan3A_74 : i32
      %scan3A_76 = arith.constant 1 : i32
      %scan3A_77 = scf.for %scan3A_79 = %scan3A_73 to %scan3A_75 step %scan3A_76 iter_args(%scan3A_80 = %scan3A_72) -> (i32)  : i32 {
        %mul3A = arith.constant 160 : i32
        %mul3A_81 = arith.muli %arg1, %mul3A : i32
        %mul3A_82 = arith.constant 32 : i32
        %mul3A_83 = arith.muli %scan3A_79, %mul3A_82 : i32
        %add3A = arith.addi %mul3A_81, %mul3A_83 : i32
        "tpu.region"() ({
          %run_scoped3A = tpu.sem_alloc : memref<!tpu.dma_semaphore, #tpu.memory_space<semaphore_mem>>
          %dma_start3A_105 = arith.constant 0 : i32
          %dma_start3A_106 = tpu.memref_slice %arg2[%add3A, %dma_start3A_105] : memref<2560x128xi32, #tpu.memory_space<hbm>> -> memref<32x128xi32, #tpu.memory_space<hbm>>
          %dma_start3A_107 = arith.constant 0 : i32
          %dma_start3A_108 = tpu.memref_slice %arg2[%add3A, %dma_start3A_107] : memref<2560x128xi32, #tpu.memory_space<hbm>> -> memref<32x128xi32, #tpu.memory_space<hbm>>
          tpu.enqueue_dma source(%dma_start3A_108 : memref<32x128xi32, #tpu.memory_space<hbm>>) target(%arg8 : memref<32x128xi32, #tpu.memory_space<vmem>>) target_semaphore(%run_scoped3A : memref<!tpu.dma_semaphore, #tpu.memory_space<semaphore_mem>>)
          %dma_wait3A = arith.constant 0 : i32
          %dma_wait3A_109 = tpu.memref_slice %arg2[%add3A, %dma_wait3A] : memref<2560x128xi32, #tpu.memory_space<hbm>> -> memref<32x128xi32, #tpu.memory_space<hbm>>
          %dma_wait3A_110 = arith.constant 0 : i32
          %dma_wait3A_111 = tpu.memref_slice %arg2[%add3A, %dma_wait3A_110] : memref<2560x128xi32, #tpu.memory_space<hbm>> -> memref<32x128xi32, #tpu.memory_space<hbm>>
          tpu.wait_dma2 semaphore(%run_scoped3A : memref<!tpu.dma_semaphore, #tpu.memory_space<semaphore_mem>>) src(%dma_wait3A_111 : memref<32x128xi32, #tpu.memory_space<hbm>>) dst(%arg8 : memref<32x128xi32, #tpu.memory_space<vmem>>)
          tpu.yield
        }) : () -> ()
        "tpu.region"() ({
          %run_scoped3A = tpu.sem_alloc : memref<!tpu.dma_semaphore, #tpu.memory_space<semaphore_mem>>
          %dma_start3A_105 = arith.constant 0 : i32
          %dma_start3A_106 = tpu.memref_slice %arg3[%add3A, %dma_start3A_105] : memref<2560x128xi32, #tpu.memory_space<hbm>> -> memref<32x128xi32, #tpu.memory_space<hbm>>
          %dma_start3A_107 = arith.constant 0 : i32
          %dma_start3A_108 = tpu.memref_slice %arg3[%add3A, %dma_start3A_107] : memref<2560x128xi32, #tpu.memory_space<hbm>> -> memref<32x128xi32, #tpu.memory_space<hbm>>
          tpu.enqueue_dma source(%dma_start3A_108 : memref<32x128xi32, #tpu.memory_space<hbm>>) target(%arg9 : memref<32x128xi32, #tpu.memory_space<vmem>>) target_semaphore(%run_scoped3A : memref<!tpu.dma_semaphore, #tpu.memory_space<semaphore_mem>>)
          %dma_wait3A = arith.constant 0 : i32
          %dma_wait3A_109 = tpu.memref_slice %arg3[%add3A, %dma_wait3A] : memref<2560x128xi32, #tpu.memory_space<hbm>> -> memref<32x128xi32, #tpu.memory_space<hbm>>
          %dma_wait3A_110 = arith.constant 0 : i32
          %dma_wait3A_111 = tpu.memref_slice %arg3[%add3A, %dma_wait3A_110] : memref<2560x128xi32, #tpu.memory_space<hbm>> -> memref<32x128xi32, #tpu.memory_space<hbm>>
          tpu.wait_dma2 semaphore(%run_scoped3A : memref<!tpu.dma_semaphore, #tpu.memory_space<semaphore_mem>>) src(%dma_wait3A_111 : memref<32x128xi32, #tpu.memory_space<hbm>>) dst(%arg9 : memref<32x128xi32, #tpu.memory_space<vmem>>)
          tpu.yield
        }) : () -> ()
        %dma_start3A = arith.constant 0 : i32
        %dma_start3A_84 = arith.constant 0 : i32
        %dma_start3A_85 = tpu.memref_slice %arg8[%dma_start3A, %dma_start3A_84] : memref<32x128xi32, #tpu.memory_space<vmem>> -> memref<1x128xi32, #tpu.memory_space<vmem>>
        %dma_start3A_86 = tpu.memref_squeeze %dma_start3A_85 : memref<1x128xi32, #tpu.memory_space<vmem>> -> memref<128xi32, #tpu.memory_space<vmem>>
        %dma_start3A_87 = arith.constant 0 : i32
        %dma_start3A_88 = arith.constant 0 : i32
        %dma_start3A_89 = tpu.memref_slice %arg4[%dma_start3A_87, %dma_start3A_88] : memref<10000x128xf32, #tpu.memory_space<hbm>> -> memref<10000x128xf32, #tpu.memory_space<hbm>>
        tpu.enqueue_indirect_dma source(%dma_start3A_89 : memref<10000x128xf32, #tpu.memory_space<hbm>>) target(%arg14 : memref<128x128xf32, #tpu.memory_space<vmem>>) offsets(%dma_start3A_86 : memref<128xi32, #tpu.memory_space<vmem>>) semaphore(%arg16 : memref<!tpu.dma_semaphore, #tpu.memory_space<semaphore_mem>>)
        %dma_start3A_90 = arith.constant 1 : i32
        %dma_start3A_91 = arith.constant 0 : i32
        %dma_start3A_92 = tpu.memref_slice %arg8[%dma_start3A_90, %dma_start3A_91] : memref<32x128xi32, #tpu.memory_space<vmem>> -> memref<1x128xi32, #tpu.memory_space<vmem>>
        %dma_start3A_93 = tpu.memref_squeeze %dma_start3A_92 : memref<1x128xi32, #tpu.memory_space<vmem>> -> memref<128xi32, #tpu.memory_space<vmem>>
        %dma_start3A_94 = arith.constant 0 : i32
        %dma_start3A_95 = arith.constant 0 : i32
        %dma_start3A_96 = tpu.memref_slice %arg4[%dma_start3A_94, %dma_start3A_95] : memref<10000x128xf32, #tpu.memory_space<hbm>> -> memref<10000x128xf32, #tpu.memory_space<hbm>>
        tpu.enqueue_indirect_dma source(%dma_start3A_96 : memref<10000x128xf32, #tpu.memory_space<hbm>>) target(%arg15 : memref<128x128xf32, #tpu.memory_space<vmem>>) offsets(%dma_start3A_93 : memref<128xi32, #tpu.memory_space<vmem>>) semaphore(%arg17 : memref<!tpu.dma_semaphore, #tpu.memory_space<semaphore_mem>>)
        %scan3A_97 = arith.constant 0 : i32
        %scan3A_98 = arith.constant 0 : i32
        %scan3A_99 = arith.constant 16 : i32
        %scan3A_100 = arith.addi %scan3A_98, %scan3A_99 : i32
        %scan3A_101 = arith.constant 1 : i32
        %scan3A_102 = scf.for %scan3A_105 = %scan3A_98 to %scan3A_100 step %scan3A_101 iter_args(%scan3A_106 = %scan3A_97) -> (i32)  : i32 {
          %mul3A_107 = arith.constant 2 : i32
          %mul3A_108 = arith.muli %scan3A_105, %mul3A_107 : i32
          %add3A_109 = arith.constant 0 : i32
          %add3A_110 = arith.addi %mul3A_108, %add3A_109 : i32
          %dma_wait3A = arith.constant 0 : i32
          %dma_wait3A_111 = arith.constant 0 : i32
          %dma_wait3A_112 = tpu.memref_slice %arg8[%dma_wait3A, %dma_wait3A_111] : memref<32x128xi32, #tpu.memory_space<vmem>> -> memref<1x128xi32, #tpu.memory_space<vmem>>
          %dma_wait3A_113 = tpu.memref_squeeze %dma_wait3A_112 : memref<1x128xi32, #tpu.memory_space<vmem>> -> memref<128xi32, #tpu.memory_space<vmem>>
          %dma_wait3A_114 = arith.constant 0 : i32
          %dma_wait3A_115 = arith.constant 0 : i32
          %dma_wait3A_116 = tpu.memref_slice %arg4[%dma_wait3A_114, %dma_wait3A_115] : memref<10000x128xf32, #tpu.memory_space<hbm>> -> memref<10000x128xf32, #tpu.memory_space<hbm>>
          tpu.wait_indirect_dma semaphore(%arg16 : memref<!tpu.dma_semaphore, #tpu.memory_space<semaphore_mem>>) src(%dma_wait3A_116 : memref<10000x128xf32, #tpu.memory_space<hbm>>) dst(%arg14 : memref<128x128xf32, #tpu.memory_space<vmem>>)
          "tpu.region"() ({
            %run_scoped3A = tpu.sem_alloc : memref<!tpu.dma_semaphore, #tpu.memory_space<semaphore_mem>>
            %dma_start3A_142 = arith.constant 0 : i32
            %dma_start3A_143 = tpu.memref_slice %arg9[%add3A_110, %dma_start3A_142] : memref<32x128xi32, #tpu.memory_space<vmem>> -> memref<1x128xi32, #tpu.memory_space<vmem>>
            %dma_start3A_144 = tpu.memref_squeeze %dma_start3A_143 : memref<1x128xi32, #tpu.memory_space<vmem>> -> memref<128xi32, #tpu.memory_space<vmem>>
            %dma_start3A_145 = arith.constant 0 : i32
            %dma_start3A_146 = arith.constant 0 : i32
            %dma_start3A_147 = tpu.memref_slice %arg12[%dma_start3A_145, %dma_start3A_146] : memref<10240x128xf32, #tpu.memory_space<vmem_shared>> -> memref<10240x128xf32, #tpu.memory_space<vmem_shared>>
            tpu.enqueue_indirect_dma source(%arg14 : memref<128x128xf32, #tpu.memory_space<vmem>>) target(%dma_start3A_147 : memref<10240x128xf32, #tpu.memory_space<vmem_shared>>) offsets(%dma_start3A_144 : memref<128xi32, #tpu.memory_space<vmem>>) semaphore(%run_scoped3A : memref<!tpu.dma_semaphore, #tpu.memory_space<semaphore_mem>>) {add = true}
            %dma_wait3A_148 = arith.constant 0 : i32
            %dma_wait3A_149 = tpu.memref_slice %arg9[%add3A_110, %dma_wait3A_148] : memref<32x128xi32, #tpu.memory_space<vmem>> -> memref<1x128xi32, #tpu.memory_space<vmem>>
            %dma_wait3A_150 = tpu.memref_squeeze %dma_wait3A_149 : memref<1x128xi32, #tpu.memory_space<vmem>> -> memref<128xi32, #tpu.memory_space<vmem>>
            %dma_wait3A_151 = arith.constant 0 : i32
            %dma_wait3A_152 = arith.constant 0 : i32
            %dma_wait3A_153 = tpu.memref_slice %arg12[%dma_wait3A_151, %dma_wait3A_152] : memref<10240x128xf32, #tpu.memory_space<vmem_shared>> -> memref<10240x128xf32, #tpu.memory_space<vmem_shared>>
            tpu.wait_indirect_dma semaphore(%run_scoped3A : memref<!tpu.dma_semaphore, #tpu.memory_space<semaphore_mem>>) src(%arg14 : memref<128x128xf32, #tpu.memory_space<vmem>>) dst(%dma_wait3A_153 : memref<10240x128xf32, #tpu.memory_space<vmem_shared>>)
            tpu.yield
          }) : () -> ()
          %add3A_117 = arith.constant 2 : i32
          %add3A_118 = arith.addi %add3A_110, %add3A_117 : i32
          %lt3A = arith.constant 32 : i32
          %lt3A_119 = arith.cmpi slt, %add3A_118, %lt3A : i32
          %convert_element_type3A_120 = arith.extui %lt3A_119 : i1 to i32
          %cond3A_121 = arith.constant 0 : i32
          %cond3A_122 = arith.cmpi ne, %convert_element_type3A_120, %cond3A_121 : i32
          scf.if %cond3A_122 {
            %add3A_142 = arith.constant 2 : i32
            %add3A_143 = arith.addi %add3A_110, %add3A_142 : i32
            %dma_start3A_144 = arith.constant 0 : i32
            %dma_start3A_145 = tpu.memref_slice %arg8[%add3A_143, %dma_start3A_144] : memref<32x128xi32, #tpu.memory_space<vmem>> -> memref<1x128xi32, #tpu.memory_space<vmem>>
            %dma_start3A_146 = tpu.memref_squeeze %dma_start3A_145 : memref<1x128xi32, #tpu.memory_space<vmem>> -> memref<128xi32, #tpu.memory_space<vmem>>
            %dma_start3A_147 = arith.constant 0 : i32
            %dma_start3A_148 = arith.constant 0 : i32
            %dma_start3A_149 = tpu.memref_slice %arg4[%dma_start3A_147, %dma_start3A_148] : memref<10000x128xf32, #tpu.memory_space<hbm>> -> memref<10000x128xf32, #tpu.memory_space<hbm>>
            tpu.enqueue_indirect_dma source(%dma_start3A_149 : memref<10000x128xf32, #tpu.memory_space<hbm>>) target(%arg14 : memref<128x128xf32, #tpu.memory_space<vmem>>) offsets(%dma_start3A_146 : memref<128xi32, #tpu.memory_space<vmem>>) semaphore(%arg16 : memref<!tpu.dma_semaphore, #tpu.memory_space<semaphore_mem>>)
          } else {
          }
          %mul3A_123 = arith.constant 2 : i32
          %mul3A_124 = arith.muli %scan3A_105, %mul3A_123 : i32
          %add3A_125 = arith.constant 1 : i32
          %add3A_126 = arith.addi %mul3A_124, %add3A_125 : i32
          %dma_wait3A_127 = arith.constant 0 : i32
          %dma_wait3A_128 = arith.constant 0 : i32
          %dma_wait3A_129 = tpu.memref_slice %arg8[%dma_wait3A_127, %dma_wait3A_128] : memref<32x128xi32, #tpu.memory_space<vmem>> -> memref<1x128xi32, #tpu.memory_space<vmem>>
          %dma_wait3A_130 = tpu.memref_squeeze %dma_wait3A_129 : memref<1x128xi32, #tpu.memory_space<vmem>> -> memref<128xi32, #tpu.memory_space<vmem>>
          %dma_wait3A_131 = arith.constant 0 : i32
          %dma_wait3A_132 = arith.constant 0 : i32
          %dma_wait3A_133 = tpu.memref_slice %arg4[%dma_wait3A_131, %dma_wait3A_132] : memref<10000x128xf32, #tpu.memory_space<hbm>> -> memref<10000x128xf32, #tpu.memory_space<hbm>>
          tpu.wait_indirect_dma semaphore(%arg17 : memref<!tpu.dma_semaphore, #tpu.memory_space<semaphore_mem>>) src(%dma_wait3A_133 : memref<10000x128xf32, #tpu.memory_space<hbm>>) dst(%arg15 : memref<128x128xf32, #tpu.memory_space<vmem>>)
          "tpu.region"() ({
            %run_scoped3A = tpu.sem_alloc : memref<!tpu.dma_semaphore, #tpu.memory_space<semaphore_mem>>
            %dma_start3A_142 = arith.constant 0 : i32
            %dma_start3A_143 = tpu.memref_slice %arg9[%add3A_126, %dma_start3A_142] : memref<32x128xi32, #tpu.memory_space<vmem>> -> memref<1x128xi32, #tpu.memory_space<vmem>>
            %dma_start3A_144 = tpu.memref_squeeze %dma_start3A_143 : memref<1x128xi32, #tpu.memory_space<vmem>> -> memref<128xi32, #tpu.memory_space<vmem>>
            %dma_start3A_145 = arith.constant 0 : i32
            %dma_start3A_146 = arith.constant 0 : i32
            %dma_start3A_147 = tpu.memref_slice %arg12[%dma_start3A_145, %dma_start3A_146] : memref<10240x128xf32, #tpu.memory_space<vmem_shared>> -> memref<10240x128xf32, #tpu.memory_space<vmem_shared>>
            tpu.enqueue_indirect_dma source(%arg15 : memref<128x128xf32, #tpu.memory_space<vmem>>) target(%dma_start3A_147 : memref<10240x128xf32, #tpu.memory_space<vmem_shared>>) offsets(%dma_start3A_144 : memref<128xi32, #tpu.memory_space<vmem>>) semaphore(%run_scoped3A : memref<!tpu.dma_semaphore, #tpu.memory_space<semaphore_mem>>) {add = true}
            %dma_wait3A_148 = arith.constant 0 : i32
            %dma_wait3A_149 = tpu.memref_slice %arg9[%add3A_126, %dma_wait3A_148] : memref<32x128xi32, #tpu.memory_space<vmem>> -> memref<1x128xi32, #tpu.memory_space<vmem>>
            %dma_wait3A_150 = tpu.memref_squeeze %dma_wait3A_149 : memref<1x128xi32, #tpu.memory_space<vmem>> -> memref<128xi32, #tpu.memory_space<vmem>>
            %dma_wait3A_151 = arith.constant 0 : i32
            %dma_wait3A_152 = arith.constant 0 : i32
            %dma_wait3A_153 = tpu.memref_slice %arg12[%dma_wait3A_151, %dma_wait3A_152] : memref<10240x128xf32, #tpu.memory_space<vmem_shared>> -> memref<10240x128xf32, #tpu.memory_space<vmem_shared>>
            tpu.wait_indirect_dma semaphore(%run_scoped3A : memref<!tpu.dma_semaphore, #tpu.memory_space<semaphore_mem>>) src(%arg15 : memref<128x128xf32, #tpu.memory_space<vmem>>) dst(%dma_wait3A_153 : memref<10240x128xf32, #tpu.memory_space<vmem_shared>>)
            tpu.yield
          }) : () -> ()
          %add3A_134 = arith.constant 2 : i32
          %add3A_135 = arith.addi %add3A_126, %add3A_134 : i32
          %lt3A_136 = arith.constant 32 : i32
          %lt3A_137 = arith.cmpi slt, %add3A_135, %lt3A_136 : i32
          %convert_element_type3A_138 = arith.extui %lt3A_137 : i1 to i32
          %cond3A_139 = arith.constant 0 : i32
          %cond3A_140 = arith.cmpi ne, %convert_element_type3A_138, %cond3A_139 : i32
          scf.if %cond3A_140 {
            %add3A_142 = arith.constant 2 : i32
            %add3A_143 = arith.addi %add3A_126, %add3A_142 : i32
            %dma_start3A_144 = arith.constant 0 : i32
            %dma_start3A_145 = tpu.memref_slice %arg8[%add3A_143, %dma_start3A_144] : memref<32x128xi32, #tpu.memory_space<vmem>> -> memref<1x128xi32, #tpu.memory_space<vmem>>
            %dma_start3A_146 = tpu.memref_squeeze %dma_start3A_145 : memref<1x128xi32, #tpu.memory_space<vmem>> -> memref<128xi32, #tpu.memory_space<vmem>>
            %dma_start3A_147 = arith.constant 0 : i32
            %dma_start3A_148 = arith.constant 0 : i32
            %dma_start3A_149 = tpu.memref_slice %arg4[%dma_start3A_147, %dma_start3A_148] : memref<10000x128xf32, #tpu.memory_space<hbm>> -> memref<10000x128xf32, #tpu.memory_space<hbm>>
            tpu.enqueue_indirect_dma source(%dma_start3A_149 : memref<10000x128xf32, #tpu.memory_space<hbm>>) target(%arg15 : memref<128x128xf32, #tpu.memory_space<vmem>>) offsets(%dma_start3A_146 : memref<128xi32, #tpu.memory_space<vmem>>) semaphore(%arg17 : memref<!tpu.dma_semaphore, #tpu.memory_space<semaphore_mem>>)
          } else {
          }
          %scan3A_141 = arith.constant 0 : i32
          scf.yield %scan3A_141 : i32
        }
        %scan3A_103 = arith.constant 16 : i32
        %scan3A_104 = arith.constant 0 : i32
        scf.yield %scan3A_104 : i32
      }
      %scan3A_78 = arith.constant 5 : i32
    } else {
    }
    %eq3A_56 = arith.constant 1 : i32
    %eq3A_57 = arith.cmpi eq, %arg0, %eq3A_56 : i32
    %convert_element_type3A_58 = arith.extui %eq3A_57 : i1 to i32
    %cond3A_59 = arith.constant 0 : i32
    %cond3A_60 = arith.cmpi ne, %convert_element_type3A_58, %cond3A_59 : i32
    scf.if %cond3A_60 {
      %scan3A_72 = arith.constant 0 : i32
      %scan3A_73 = arith.constant 0 : i32
      %scan3A_74 = arith.constant 5 : i32
      %scan3A_75 = arith.addi %scan3A_73, %scan3A_74 : i32
      %scan3A_76 = arith.constant 1 : i32
      %scan3A_77 = scf.for %scan3A_79 = %scan3A_73 to %scan3A_75 step %scan3A_76 iter_args(%scan3A_80 = %scan3A_72) -> (i32)  : i32 {
        %mul3A = arith.constant 160 : i32
        %mul3A_81 = arith.muli %arg1, %mul3A : i32
        %mul3A_82 = arith.constant 32 : i32
        %mul3A_83 = arith.muli %scan3A_79, %mul3A_82 : i32
        %add3A = arith.addi %mul3A_81, %mul3A_83 : i32
        "tpu.region"() ({
          %run_scoped3A = tpu.sem_alloc : memref<!tpu.dma_semaphore, #tpu.memory_space<semaphore_mem>>
          %dma_start3A_105 = arith.constant 0 : i32
          %dma_start3A_106 = tpu.memref_slice %arg2[%add3A, %dma_start3A_105] : memref<2560x128xi32, #tpu.memory_space<hbm>> -> memref<32x128xi32, #tpu.memory_space<hbm>>
          %dma_start3A_107 = arith.constant 0 : i32
          %dma_start3A_108 = tpu.memref_slice %arg2[%add3A, %dma_start3A_107] : memref<2560x128xi32, #tpu.memory_space<hbm>> -> memref<32x128xi32, #tpu.memory_space<hbm>>
          tpu.enqueue_dma source(%dma_start3A_108 : memref<32x128xi32, #tpu.memory_space<hbm>>) target(%arg8 : memref<32x128xi32, #tpu.memory_space<vmem>>) target_semaphore(%run_scoped3A : memref<!tpu.dma_semaphore, #tpu.memory_space<semaphore_mem>>)
          %dma_wait3A = arith.constant 0 : i32
          %dma_wait3A_109 = tpu.memref_slice %arg2[%add3A, %dma_wait3A] : memref<2560x128xi32, #tpu.memory_space<hbm>> -> memref<32x128xi32, #tpu.memory_space<hbm>>
          %dma_wait3A_110 = arith.constant 0 : i32
          %dma_wait3A_111 = tpu.memref_slice %arg2[%add3A, %dma_wait3A_110] : memref<2560x128xi32, #tpu.memory_space<hbm>> -> memref<32x128xi32, #tpu.memory_space<hbm>>
          tpu.wait_dma2 semaphore(%run_scoped3A : memref<!tpu.dma_semaphore, #tpu.memory_space<semaphore_mem>>) src(%dma_wait3A_111 : memref<32x128xi32, #tpu.memory_space<hbm>>) dst(%arg8 : memref<32x128xi32, #tpu.memory_space<vmem>>)
          tpu.yield
        }) : () -> ()
        "tpu.region"() ({
          %run_scoped3A = tpu.sem_alloc : memref<!tpu.dma_semaphore, #tpu.memory_space<semaphore_mem>>
          %dma_start3A_105 = arith.constant 0 : i32
          %dma_start3A_106 = tpu.memref_slice %arg3[%add3A, %dma_start3A_105] : memref<2560x128xi32, #tpu.memory_space<hbm>> -> memref<32x128xi32, #tpu.memory_space<hbm>>
          %dma_start3A_107 = arith.constant 0 : i32
          %dma_start3A_108 = tpu.memref_slice %arg3[%add3A, %dma_start3A_107] : memref<2560x128xi32, #tpu.memory_space<hbm>> -> memref<32x128xi32, #tpu.memory_space<hbm>>
          tpu.enqueue_dma source(%dma_start3A_108 : memref<32x128xi32, #tpu.memory_space<hbm>>) target(%arg9 : memref<32x128xi32, #tpu.memory_space<vmem>>) target_semaphore(%run_scoped3A : memref<!tpu.dma_semaphore, #tpu.memory_space<semaphore_mem>>)
          %dma_wait3A = arith.constant 0 : i32
          %dma_wait3A_109 = tpu.memref_slice %arg3[%add3A, %dma_wait3A] : memref<2560x128xi32, #tpu.memory_space<hbm>> -> memref<32x128xi32, #tpu.memory_space<hbm>>
          %dma_wait3A_110 = arith.constant 0 : i32
          %dma_wait3A_111 = tpu.memref_slice %arg3[%add3A, %dma_wait3A_110] : memref<2560x128xi32, #tpu.memory_space<hbm>> -> memref<32x128xi32, #tpu.memory_space<hbm>>
          tpu.wait_dma2 semaphore(%run_scoped3A : memref<!tpu.dma_semaphore, #tpu.memory_space<semaphore_mem>>) src(%dma_wait3A_111 : memref<32x128xi32, #tpu.memory_space<hbm>>) dst(%arg9 : memref<32x128xi32, #tpu.memory_space<vmem>>)
          tpu.yield
        }) : () -> ()
        %dma_start3A = arith.constant 0 : i32
        %dma_start3A_84 = arith.constant 0 : i32
        %dma_start3A_85 = tpu.memref_slice %arg8[%dma_start3A, %dma_start3A_84] : memref<32x128xi32, #tpu.memory_space<vmem>> -> memref<1x128xi32, #tpu.memory_space<vmem>>
        %dma_start3A_86 = tpu.memref_squeeze %dma_start3A_85 : memref<1x128xi32, #tpu.memory_space<vmem>> -> memref<128xi32, #tpu.memory_space<vmem>>
        %dma_start3A_87 = arith.constant 0 : i32
        %dma_start3A_88 = arith.constant 0 : i32
        %dma_start3A_89 = tpu.memref_slice %arg5[%dma_start3A_87, %dma_start3A_88] : memref<10000x128xf32, #tpu.memory_space<hbm>> -> memref<10000x128xf32, #tpu.memory_space<hbm>>
        tpu.enqueue_indirect_dma source(%dma_start3A_89 : memref<10000x128xf32, #tpu.memory_space<hbm>>) target(%arg14 : memref<128x128xf32, #tpu.memory_space<vmem>>) offsets(%dma_start3A_86 : memref<128xi32, #tpu.memory_space<vmem>>) semaphore(%arg16 : memref<!tpu.dma_semaphore, #tpu.memory_space<semaphore_mem>>)
        %dma_start3A_90 = arith.constant 1 : i32
        %dma_start3A_91 = arith.constant 0 : i32
        %dma_start3A_92 = tpu.memref_slice %arg8[%dma_start3A_90, %dma_start3A_91] : memref<32x128xi32, #tpu.memory_space<vmem>> -> memref<1x128xi32, #tpu.memory_space<vmem>>
        %dma_start3A_93 = tpu.memref_squeeze %dma_start3A_92 : memref<1x128xi32, #tpu.memory_space<vmem>> -> memref<128xi32, #tpu.memory_space<vmem>>
        %dma_start3A_94 = arith.constant 0 : i32
        %dma_start3A_95 = arith.constant 0 : i32
        %dma_start3A_96 = tpu.memref_slice %arg5[%dma_start3A_94, %dma_start3A_95] : memref<10000x128xf32, #tpu.memory_space<hbm>> -> memref<10000x128xf32, #tpu.memory_space<hbm>>
        tpu.enqueue_indirect_dma source(%dma_start3A_96 : memref<10000x128xf32, #tpu.memory_space<hbm>>) target(%arg15 : memref<128x128xf32, #tpu.memory_space<vmem>>) offsets(%dma_start3A_93 : memref<128xi32, #tpu.memory_space<vmem>>) semaphore(%arg17 : memref<!tpu.dma_semaphore, #tpu.memory_space<semaphore_mem>>)
        %scan3A_97 = arith.constant 0 : i32
        %scan3A_98 = arith.constant 0 : i32
        %scan3A_99 = arith.constant 16 : i32
        %scan3A_100 = arith.addi %scan3A_98, %scan3A_99 : i32
        %scan3A_101 = arith.constant 1 : i32
        %scan3A_102 = scf.for %scan3A_105 = %scan3A_98 to %scan3A_100 step %scan3A_101 iter_args(%scan3A_106 = %scan3A_97) -> (i32)  : i32 {
          %mul3A_107 = arith.constant 2 : i32
          %mul3A_108 = arith.muli %scan3A_105, %mul3A_107 : i32
          %add3A_109 = arith.constant 0 : i32
          %add3A_110 = arith.addi %mul3A_108, %add3A_109 : i32
          %dma_wait3A = arith.constant 0 : i32
          %dma_wait3A_111 = arith.constant 0 : i32
          %dma_wait3A_112 = tpu.memref_slice %arg8[%dma_wait3A, %dma_wait3A_111] : memref<32x128xi32, #tpu.memory_space<vmem>> -> memref<1x128xi32, #tpu.memory_space<vmem>>
          %dma_wait3A_113 = tpu.memref_squeeze %dma_wait3A_112 : memref<1x128xi32, #tpu.memory_space<vmem>> -> memref<128xi32, #tpu.memory_space<vmem>>
          %dma_wait3A_114 = arith.constant 0 : i32
          %dma_wait3A_115 = arith.constant 0 : i32
          %dma_wait3A_116 = tpu.memref_slice %arg5[%dma_wait3A_114, %dma_wait3A_115] : memref<10000x128xf32, #tpu.memory_space<hbm>> -> memref<10000x128xf32, #tpu.memory_space<hbm>>
          tpu.wait_indirect_dma semaphore(%arg16 : memref<!tpu.dma_semaphore, #tpu.memory_space<semaphore_mem>>) src(%dma_wait3A_116 : memref<10000x128xf32, #tpu.memory_space<hbm>>) dst(%arg14 : memref<128x128xf32, #tpu.memory_space<vmem>>)
          "tpu.region"() ({
            %run_scoped3A = tpu.sem_alloc : memref<!tpu.dma_semaphore, #tpu.memory_space<semaphore_mem>>
            %dma_start3A_142 = arith.constant 0 : i32
            %dma_start3A_143 = tpu.memref_slice %arg9[%add3A_110, %dma_start3A_142] : memref<32x128xi32, #tpu.memory_space<vmem>> -> memref<1x128xi32, #tpu.memory_space<vmem>>
            %dma_start3A_144 = tpu.memref_squeeze %dma_start3A_143 : memref<1x128xi32, #tpu.memory_space<vmem>> -> memref<128xi32, #tpu.memory_space<vmem>>
            %dma_start3A_145 = arith.constant 0 : i32
            %dma_start3A_146 = arith.constant 0 : i32
            %dma_start3A_147 = tpu.memref_slice %arg12[%dma_start3A_145, %dma_start3A_146] : memref<10240x128xf32, #tpu.memory_space<vmem_shared>> -> memref<10240x128xf32, #tpu.memory_space<vmem_shared>>
            tpu.enqueue_indirect_dma source(%arg14 : memref<128x128xf32, #tpu.memory_space<vmem>>) target(%dma_start3A_147 : memref<10240x128xf32, #tpu.memory_space<vmem_shared>>) offsets(%dma_start3A_144 : memref<128xi32, #tpu.memory_space<vmem>>) semaphore(%run_scoped3A : memref<!tpu.dma_semaphore, #tpu.memory_space<semaphore_mem>>) {add = true}
            %dma_wait3A_148 = arith.constant 0 : i32
            %dma_wait3A_149 = tpu.memref_slice %arg9[%add3A_110, %dma_wait3A_148] : memref<32x128xi32, #tpu.memory_space<vmem>> -> memref<1x128xi32, #tpu.memory_space<vmem>>
            %dma_wait3A_150 = tpu.memref_squeeze %dma_wait3A_149 : memref<1x128xi32, #tpu.memory_space<vmem>> -> memref<128xi32, #tpu.memory_space<vmem>>
            %dma_wait3A_151 = arith.constant 0 : i32
            %dma_wait3A_152 = arith.constant 0 : i32
            %dma_wait3A_153 = tpu.memref_slice %arg12[%dma_wait3A_151, %dma_wait3A_152] : memref<10240x128xf32, #tpu.memory_space<vmem_shared>> -> memref<10240x128xf32, #tpu.memory_space<vmem_shared>>
            tpu.wait_indirect_dma semaphore(%run_scoped3A : memref<!tpu.dma_semaphore, #tpu.memory_space<semaphore_mem>>) src(%arg14 : memref<128x128xf32, #tpu.memory_space<vmem>>) dst(%dma_wait3A_153 : memref<10240x128xf32, #tpu.memory_space<vmem_shared>>)
            tpu.yield
          }) : () -> ()
          %add3A_117 = arith.constant 2 : i32
          %add3A_118 = arith.addi %add3A_110, %add3A_117 : i32
          %lt3A = arith.constant 32 : i32
          %lt3A_119 = arith.cmpi slt, %add3A_118, %lt3A : i32
          %convert_element_type3A_120 = arith.extui %lt3A_119 : i1 to i32
          %cond3A_121 = arith.constant 0 : i32
          %cond3A_122 = arith.cmpi ne, %convert_element_type3A_120, %cond3A_121 : i32
          scf.if %cond3A_122 {
            %add3A_142 = arith.constant 2 : i32
            %add3A_143 = arith.addi %add3A_110, %add3A_142 : i32
            %dma_start3A_144 = arith.constant 0 : i32
            %dma_start3A_145 = tpu.memref_slice %arg8[%add3A_143, %dma_start3A_144] : memref<32x128xi32, #tpu.memory_space<vmem>> -> memref<1x128xi32, #tpu.memory_space<vmem>>
            %dma_start3A_146 = tpu.memref_squeeze %dma_start3A_145 : memref<1x128xi32, #tpu.memory_space<vmem>> -> memref<128xi32, #tpu.memory_space<vmem>>
            %dma_start3A_147 = arith.constant 0 : i32
            %dma_start3A_148 = arith.constant 0 : i32
            %dma_start3A_149 = tpu.memref_slice %arg5[%dma_start3A_147, %dma_start3A_148] : memref<10000x128xf32, #tpu.memory_space<hbm>> -> memref<10000x128xf32, #tpu.memory_space<hbm>>
            tpu.enqueue_indirect_dma source(%dma_start3A_149 : memref<10000x128xf32, #tpu.memory_space<hbm>>) target(%arg14 : memref<128x128xf32, #tpu.memory_space<vmem>>) offsets(%dma_start3A_146 : memref<128xi32, #tpu.memory_space<vmem>>) semaphore(%arg16 : memref<!tpu.dma_semaphore, #tpu.memory_space<semaphore_mem>>)
          } else {
          }
          %mul3A_123 = arith.constant 2 : i32
          %mul3A_124 = arith.muli %scan3A_105, %mul3A_123 : i32
          %add3A_125 = arith.constant 1 : i32
          %add3A_126 = arith.addi %mul3A_124, %add3A_125 : i32
          %dma_wait3A_127 = arith.constant 0 : i32
          %dma_wait3A_128 = arith.constant 0 : i32
          %dma_wait3A_129 = tpu.memref_slice %arg8[%dma_wait3A_127, %dma_wait3A_128] : memref<32x128xi32, #tpu.memory_space<vmem>> -> memref<1x128xi32, #tpu.memory_space<vmem>>
          %dma_wait3A_130 = tpu.memref_squeeze %dma_wait3A_129 : memref<1x128xi32, #tpu.memory_space<vmem>> -> memref<128xi32, #tpu.memory_space<vmem>>
          %dma_wait3A_131 = arith.constant 0 : i32
          %dma_wait3A_132 = arith.constant 0 : i32
          %dma_wait3A_133 = tpu.memref_slice %arg5[%dma_wait3A_131, %dma_wait3A_132] : memref<10000x128xf32, #tpu.memory_space<hbm>> -> memref<10000x128xf32, #tpu.memory_space<hbm>>
          tpu.wait_indirect_dma semaphore(%arg17 : memref<!tpu.dma_semaphore, #tpu.memory_space<semaphore_mem>>) src(%dma_wait3A_133 : memref<10000x128xf32, #tpu.memory_space<hbm>>) dst(%arg15 : memref<128x128xf32, #tpu.memory_space<vmem>>)
          "tpu.region"() ({
            %run_scoped3A = tpu.sem_alloc : memref<!tpu.dma_semaphore, #tpu.memory_space<semaphore_mem>>
            %dma_start3A_142 = arith.constant 0 : i32
            %dma_start3A_143 = tpu.memref_slice %arg9[%add3A_126, %dma_start3A_142] : memref<32x128xi32, #tpu.memory_space<vmem>> -> memref<1x128xi32, #tpu.memory_space<vmem>>
            %dma_start3A_144 = tpu.memref_squeeze %dma_start3A_143 : memref<1x128xi32, #tpu.memory_space<vmem>> -> memref<128xi32, #tpu.memory_space<vmem>>
            %dma_start3A_145 = arith.constant 0 : i32
            %dma_start3A_146 = arith.constant 0 : i32
            %dma_start3A_147 = tpu.memref_slice %arg12[%dma_start3A_145, %dma_start3A_146] : memref<10240x128xf32, #tpu.memory_space<vmem_shared>> -> memref<10240x128xf32, #tpu.memory_space<vmem_shared>>
            tpu.enqueue_indirect_dma source(%arg15 : memref<128x128xf32, #tpu.memory_space<vmem>>) target(%dma_start3A_147 : memref<10240x128xf32, #tpu.memory_space<vmem_shared>>) offsets(%dma_start3A_144 : memref<128xi32, #tpu.memory_space<vmem>>) semaphore(%run_scoped3A : memref<!tpu.dma_semaphore, #tpu.memory_space<semaphore_mem>>) {add = true}
            %dma_wait3A_148 = arith.constant 0 : i32
            %dma_wait3A_149 = tpu.memref_slice %arg9[%add3A_126, %dma_wait3A_148] : memref<32x128xi32, #tpu.memory_space<vmem>> -> memref<1x128xi32, #tpu.memory_space<vmem>>
            %dma_wait3A_150 = tpu.memref_squeeze %dma_wait3A_149 : memref<1x128xi32, #tpu.memory_space<vmem>> -> memref<128xi32, #tpu.memory_space<vmem>>
            %dma_wait3A_151 = arith.constant 0 : i32
            %dma_wait3A_152 = arith.constant 0 : i32
            %dma_wait3A_153 = tpu.memref_slice %arg12[%dma_wait3A_151, %dma_wait3A_152] : memref<10240x128xf32, #tpu.memory_space<vmem_shared>> -> memref<10240x128xf32, #tpu.memory_space<vmem_shared>>
            tpu.wait_indirect_dma semaphore(%run_scoped3A : memref<!tpu.dma_semaphore, #tpu.memory_space<semaphore_mem>>) src(%arg15 : memref<128x128xf32, #tpu.memory_space<vmem>>) dst(%dma_wait3A_153 : memref<10240x128xf32, #tpu.memory_space<vmem_shared>>)
            tpu.yield
          }) : () -> ()
          %add3A_134 = arith.constant 2 : i32
          %add3A_135 = arith.addi %add3A_126, %add3A_134 : i32
          %lt3A_136 = arith.constant 32 : i32
          %lt3A_137 = arith.cmpi slt, %add3A_135, %lt3A_136 : i32
          %convert_element_type3A_138 = arith.extui %lt3A_137 : i1 to i32
          %cond3A_139 = arith.constant 0 : i32
          %cond3A_140 = arith.cmpi ne, %convert_element_type3A_138, %cond3A_139 : i32
          scf.if %cond3A_140 {
            %add3A_142 = arith.constant 2 : i32
            %add3A_143 = arith.addi %add3A_126, %add3A_142 : i32
            %dma_start3A_144 = arith.constant 0 : i32
            %dma_start3A_145 = tpu.memref_slice %arg8[%add3A_143, %dma_start3A_144] : memref<32x128xi32, #tpu.memory_space<vmem>> -> memref<1x128xi32, #tpu.memory_space<vmem>>
            %dma_start3A_146 = tpu.memref_squeeze %dma_start3A_145 : memref<1x128xi32, #tpu.memory_space<vmem>> -> memref<128xi32, #tpu.memory_space<vmem>>
            %dma_start3A_147 = arith.constant 0 : i32
            %dma_start3A_148 = arith.constant 0 : i32
            %dma_start3A_149 = tpu.memref_slice %arg5[%dma_start3A_147, %dma_start3A_148] : memref<10000x128xf32, #tpu.memory_space<hbm>> -> memref<10000x128xf32, #tpu.memory_space<hbm>>
            tpu.enqueue_indirect_dma source(%dma_start3A_149 : memref<10000x128xf32, #tpu.memory_space<hbm>>) target(%arg15 : memref<128x128xf32, #tpu.memory_space<vmem>>) offsets(%dma_start3A_146 : memref<128xi32, #tpu.memory_space<vmem>>) semaphore(%arg17 : memref<!tpu.dma_semaphore, #tpu.memory_space<semaphore_mem>>)
          } else {
          }
          %scan3A_141 = arith.constant 0 : i32
          scf.yield %scan3A_141 : i32
        }
        %scan3A_103 = arith.constant 16 : i32
        %scan3A_104 = arith.constant 0 : i32
        scf.yield %scan3A_104 : i32
      }
      %scan3A_78 = arith.constant 5 : i32
    } else {
    }
    %barrier3A_61 = arith.constant 0 : index
    tpu.barrier barrier_id(%barrier3A_61)
    %eq3A_62 = arith.constant 0 : i32
    %eq3A_63 = arith.cmpi eq, %arg0, %eq3A_62 : i32
    %convert_element_type3A_64 = arith.extui %eq3A_63 : i1 to i32
    %cond3A_65 = arith.constant 0 : i32
    %cond3A_66 = arith.cmpi ne, %convert_element_type3A_64, %cond3A_65 : i32
    scf.if %cond3A_66 {
      %mul3A = arith.constant 640 : i32
      %mul3A_72 = arith.muli %arg1, %mul3A : i32
      %mul3A_73 = arith.constant 640 : i32
      %mul3A_74 = arith.muli %arg1, %mul3A_73 : i32
      "tpu.region"() ({
        %run_scoped3A = tpu.sem_alloc : memref<!tpu.dma_semaphore, #tpu.memory_space<semaphore_mem>>
        %dma_start3A = arith.constant 0 : i32
        %dma_start3A_75 = tpu.memref_slice %arg6[%mul3A_74, %dma_start3A] : memref<10240x128xf32, #tpu.memory_space<hbm>> -> memref<640x128xf32, #tpu.memory_space<hbm>>
        %dma_start3A_76 = arith.constant 0 : i32
        %dma_start3A_77 = tpu.memref_slice %arg12[%mul3A_72, %dma_start3A_76] : memref<10240x128xf32, #tpu.memory_space<vmem_shared>> -> memref<640x128xf32, #tpu.memory_space<vmem_shared>>
        tpu.enqueue_dma source(%dma_start3A_77 : memref<640x128xf32, #tpu.memory_space<vmem_shared>>) target(%dma_start3A_75 : memref<640x128xf32, #tpu.memory_space<hbm>>) target_semaphore(%run_scoped3A : memref<!tpu.dma_semaphore, #tpu.memory_space<semaphore_mem>>)
        %dma_wait3A = arith.constant 0 : i32
        %dma_wait3A_78 = tpu.memref_slice %arg6[%mul3A_74, %dma_wait3A] : memref<10240x128xf32, #tpu.memory_space<hbm>> -> memref<640x128xf32, #tpu.memory_space<hbm>>
        %dma_wait3A_79 = arith.constant 0 : i32
        %dma_wait3A_80 = tpu.memref_slice %arg12[%mul3A_72, %dma_wait3A_79] : memref<10240x128xf32, #tpu.memory_space<vmem_shared>> -> memref<640x128xf32, #tpu.memory_space<vmem_shared>>
        tpu.wait_dma2 semaphore(%run_scoped3A : memref<!tpu.dma_semaphore, #tpu.memory_space<semaphore_mem>>) src(%dma_wait3A_80 : memref<640x128xf32, #tpu.memory_space<vmem_shared>>) dst(%dma_wait3A_78 : memref<640x128xf32, #tpu.memory_space<hbm>>)
        tpu.yield
      }) : () -> ()
    } else {
    }
    %eq3A_67 = arith.constant 1 : i32
    %eq3A_68 = arith.cmpi eq, %arg0, %eq3A_67 : i32
    %convert_element_type3A_69 = arith.extui %eq3A_68 : i1 to i32
    %cond3A_70 = arith.constant 0 : i32
    %cond3A_71 = arith.cmpi ne, %convert_element_type3A_69, %cond3A_70 : i32
    scf.if %cond3A_71 {
      %mul3A = arith.constant 640 : i32
      %mul3A_72 = arith.muli %arg1, %mul3A : i32
      %mul3A_73 = arith.constant 640 : i32
      %mul3A_74 = arith.muli %arg1, %mul3A_73 : i32
      "tpu.region"() ({
        %run_scoped3A = tpu.sem_alloc : memref<!tpu.dma_semaphore, #tpu.memory_space<semaphore_mem>>
        %dma_start3A = arith.constant 0 : i32
        %dma_start3A_75 = tpu.memref_slice %arg7[%mul3A_74, %dma_start3A] : memref<10240x128xf32, #tpu.memory_space<hbm>> -> memref<640x128xf32, #tpu.memory_space<hbm>>
        %dma_start3A_76 = arith.constant 0 : i32
        %dma_start3A_77 = tpu.memref_slice %arg12[%mul3A_72, %dma_start3A_76] : memref<10240x128xf32, #tpu.memory_space<vmem_shared>> -> memref<640x128xf32, #tpu.memory_space<vmem_shared>>
        tpu.enqueue_dma source(%dma_start3A_77 : memref<640x128xf32, #tpu.memory_space<vmem_shared>>) target(%dma_start3A_75 : memref<640x128xf32, #tpu.memory_space<hbm>>) target_semaphore(%run_scoped3A : memref<!tpu.dma_semaphore, #tpu.memory_space<semaphore_mem>>)
        %dma_wait3A = arith.constant 0 : i32
        %dma_wait3A_78 = tpu.memref_slice %arg7[%mul3A_74, %dma_wait3A] : memref<10240x128xf32, #tpu.memory_space<hbm>> -> memref<640x128xf32, #tpu.memory_space<hbm>>
        %dma_wait3A_79 = arith.constant 0 : i32
        %dma_wait3A_80 = tpu.memref_slice %arg12[%mul3A_72, %dma_wait3A_79] : memref<10240x128xf32, #tpu.memory_space<vmem_shared>> -> memref<640x128xf32, #tpu.memory_space<vmem_shared>>
        tpu.wait_dma2 semaphore(%run_scoped3A : memref<!tpu.dma_semaphore, #tpu.memory_space<semaphore_mem>>) src(%dma_wait3A_80 : memref<640x128xf32, #tpu.memory_space<vmem_shared>>) dst(%dma_wait3A_78 : memref<640x128xf32, #tpu.memory_space<hbm>>)
        tpu.yield
      }) : () -> ()
    } else {
    }
    return
  }
}

#map = affine_map<(d0, d1) -> (0, 0)>
#map1 = affine_map<(d0, d1) -> (0)>
module attributes {stable_mosaic.version = 14 : i64} {
  func.func @body(%arg0: i32, %arg1: i32, %arg2: memref<2560x128xi32, #tpu.memory_space<hbm>>, %arg3: memref<2560x128xi32, #tpu.memory_space<hbm>>, %arg4: memref<10000x128xf32, #tpu.memory_space<hbm>>, %arg5: memref<10000x128xf32, #tpu.memory_space<hbm>>, %arg6: memref<10240x128xf32, #tpu.memory_space<hbm>>, %arg7: memref<10240x128xf32, #tpu.memory_space<hbm>>, %arg8: memref<10240xf32, #tpu.memory_space<hbm>>, %arg9: memref<32x128xi32, #tpu.memory_space<vmem>>, %arg10: memref<32x128xi32, #tpu.memory_space<vmem>>, %arg11: memref<8x128xf32, #tpu.memory_space<vmem>>, %arg12: memref<128xf32, #tpu.memory_space<vmem>>, %arg13: memref<10240x128xf32, #tpu.memory_space<vmem_shared>>, %arg14: memref<10240xf32, #tpu.memory_space<vmem_shared>>, %arg15: memref<128x128xf32, #tpu.memory_space<vmem>>, %arg16: memref<128x128xf32, #tpu.memory_space<vmem>>, %arg17: memref<!tpu.dma_semaphore, #tpu.memory_space<semaphore_mem>>, %arg18: memref<!tpu.dma_semaphore, #tpu.memory_space<semaphore_mem>>) attributes {dimension_semantics = [#tpu.dimension_semantics<core_parallel>, #tpu.dimension_semantics<subcore_parallel>], iteration_bounds = array<i64: 2, 16>, scalar_prefetch = 0 : i64, scratch_operands = 10 : i64, tpu.core_type = #tpu.core_type<sc_vector_subcore>, window_params = [{transform_indices = #map}, {transform_indices = #map}, {transform_indices = #map}, {transform_indices = #map}, {transform_indices = #map}, {transform_indices = #map}, {transform_indices = #map1}]} {
    %broadcast_in_dim3A = arith.constant 0.000000e+00 : f32
    %broadcast_in_dim3A_0 = vector.broadcast %broadcast_in_dim3A : f32 to vector<16xf32>
    %scan3A = arith.constant 0 : i32
    %scan3A_1 = arith.constant 0 : i32
    %scan3A_2 = arith.constant 64 : i32
    %scan3A_3 = arith.addi %scan3A_1, %scan3A_2 : i32
    %scan3A_4 = arith.constant 1 : i32
    %scan3A_5 = scf.for %scan3A_72 = %scan3A_1 to %scan3A_3 step %scan3A_4 iter_args(%scan3A_73 = %scan3A) -> (i32)  : i32 {
      %jit3A = arith.constant 8 : i32
      %div3A = arith.divsi %scan3A_72, %jit3A : i32
      %sign3A = arith.constant 0 : i32
      %sign3A_74 = arith.cmpi sgt, %scan3A_72, %sign3A : i32
      %sign3A_75 = arith.extui %sign3A_74 : i1 to i32
      %sign3A_76 = arith.constant 0 : i32
      %sign3A_77 = arith.cmpi slt, %scan3A_72, %sign3A_76 : i32
      %sign3A_78 = arith.extui %sign3A_77 : i1 to i32
      %sign3A_79 = arith.subi %sign3A_75, %sign3A_78 : i32
      %sign3A_80 = arith.constant 0 : i32
      %sign3A_81 = arith.cmpi sgt, %jit3A, %sign3A_80 : i32
      %sign3A_82 = arith.extui %sign3A_81 : i1 to i32
      %sign3A_83 = arith.constant 0 : i32
      %sign3A_84 = arith.cmpi slt, %jit3A, %sign3A_83 : i32
      %sign3A_85 = arith.extui %sign3A_84 : i1 to i32
      %sign3A_86 = arith.subi %sign3A_82, %sign3A_85 : i32
      %ne3A = arith.cmpi ne, %sign3A_79, %sign3A_86 : i32
      %rem3A = arith.remsi %scan3A_72, %jit3A : i32
      %ne3A_87 = arith.constant 0 : i32
      %ne3A_88 = arith.cmpi ne, %rem3A, %ne3A_87 : i32
      %and3A = arith.andi %ne3A, %ne3A_88 : i1
      %sub3A = arith.constant 1 : i32
      %sub3A_89 = arith.subi %div3A, %sub3A : i32
      %select_n3A = arith.select %and3A, %sub3A_89, %div3A : i32
      %jit3A_90 = arith.constant 8 : i32
      %eq3A_91 = arith.constant 0 : i32
      %eq3A_92 = arith.cmpi eq, %jit3A_90, %eq3A_91 : i32
      %jit3A_93 = arith.constant 1 : i32
      %select_n3A_94 = arith.select %eq3A_92, %jit3A_93, %jit3A_90 : i32
      %rem3A_95 = arith.remsi %scan3A_72, %select_n3A_94 : i32
      %ne3A_96 = arith.constant 0 : i32
      %ne3A_97 = arith.cmpi ne, %rem3A_95, %ne3A_96 : i32
      %lt3A = arith.constant 0 : i32
      %lt3A_98 = arith.cmpi slt, %rem3A_95, %lt3A : i32
      %lt3A_99 = arith.constant 0 : i32
      %lt3A_100 = arith.cmpi slt, %select_n3A_94, %lt3A_99 : i32
      %ne3A_101 = arith.xori %lt3A_98, %lt3A_100 : i1
      %and3A_102 = arith.andi %ne3A_101, %ne3A_97 : i1
      %add3A = arith.addi %rem3A_95, %select_n3A_94 : i32
      %select_n3A_103 = arith.select %and3A_102, %add3A, %rem3A_95 : i32
      %mul3A = arith.constant 16 : i32
      %mul3A_104 = arith.muli %select_n3A_103, %mul3A : i32
      %swap3A_105 = arith.index_cast %select_n3A : i32 to index
      %swap3A_106 = arith.index_cast %mul3A_104 : i32 to index
      %swap3A_107 = tpu.vector_load %arg11[%swap3A_105, %swap3A_106] {strides = array<i32>} : memref<8x128xf32, #tpu.memory_space<vmem>>, vector<1x16xf32>,
      %swap3A_108 = vector.shape_cast %swap3A_107 : vector<1x16xf32> to vector<16xf32>
      %swap3A_109 = vector.shape_cast %broadcast_in_dim3A_0 : vector<16xf32> to vector<1x16xf32>
      tpu.vector_store %arg11[%swap3A_105, %swap3A_106], %swap3A_109 {strides = array<i32>} : memref<8x128xf32, #tpu.memory_space<vmem>>, vector<1x16xf32>,
      %scan3A_110 = arith.constant 0 : i32
      scf.yield %scan3A_110 : i32
    }
    %scan3A_6 = arith.constant 64 : i32
    %broadcast_in_dim3A_7 = arith.constant 1.000000e+00 : f32
    %broadcast_in_dim3A_8 = vector.broadcast %broadcast_in_dim3A_7 : f32 to vector<16xf32>
    %swap3A = arith.constant 0 : index
    %swap3A_9 = tpu.vector_load %arg12[%swap3A] {strides = array<i32>} : memref<128xf32, #tpu.memory_space<vmem>>, vector<16xf32>,
    %swap3A_10 = vector.shape_cast %swap3A_9 : vector<16xf32> to vector<16xf32>
    %swap3A_11 = vector.shape_cast %broadcast_in_dim3A_8 : vector<16xf32> to vector<16xf32>
    tpu.vector_store %arg12[%swap3A], %swap3A_11 {strides = array<i32>} : memref<128xf32, #tpu.memory_space<vmem>>, vector<16xf32>,
    %swap3A_12 = arith.constant 16 : index
    %swap3A_13 = tpu.vector_load %arg12[%swap3A_12] {strides = array<i32>} : memref<128xf32, #tpu.memory_space<vmem>>, vector<16xf32>,
    %swap3A_14 = vector.shape_cast %swap3A_13 : vector<16xf32> to vector<16xf32>
    %swap3A_15 = vector.shape_cast %broadcast_in_dim3A_8 : vector<16xf32> to vector<16xf32>
    tpu.vector_store %arg12[%swap3A_12], %swap3A_15 {strides = array<i32>} : memref<128xf32, #tpu.memory_space<vmem>>, vector<16xf32>,
    %swap3A_16 = arith.constant 32 : index
    %swap3A_17 = tpu.vector_load %arg12[%swap3A_16] {strides = array<i32>} : memref<128xf32, #tpu.memory_space<vmem>>, vector<16xf32>,
    %swap3A_18 = vector.shape_cast %swap3A_17 : vector<16xf32> to vector<16xf32>
    %swap3A_19 = vector.shape_cast %broadcast_in_dim3A_8 : vector<16xf32> to vector<16xf32>
    tpu.vector_store %arg12[%swap3A_16], %swap3A_19 {strides = array<i32>} : memref<128xf32, #tpu.memory_space<vmem>>, vector<16xf32>,
    %swap3A_20 = arith.constant 48 : index
    %swap3A_21 = tpu.vector_load %arg12[%swap3A_20] {strides = array<i32>} : memref<128xf32, #tpu.memory_space<vmem>>, vector<16xf32>,
    %swap3A_22 = vector.shape_cast %swap3A_21 : vector<16xf32> to vector<16xf32>
    %swap3A_23 = vector.shape_cast %broadcast_in_dim3A_8 : vector<16xf32> to vector<16xf32>
    tpu.vector_store %arg12[%swap3A_20], %swap3A_23 {strides = array<i32>} : memref<128xf32, #tpu.memory_space<vmem>>, vector<16xf32>,
    %swap3A_24 = arith.constant 64 : index
    %swap3A_25 = tpu.vector_load %arg12[%swap3A_24] {strides = array<i32>} : memref<128xf32, #tpu.memory_space<vmem>>, vector<16xf32>,
    %swap3A_26 = vector.shape_cast %swap3A_25 : vector<16xf32> to vector<16xf32>
    %swap3A_27 = vector.shape_cast %broadcast_in_dim3A_8 : vector<16xf32> to vector<16xf32>
    tpu.vector_store %arg12[%swap3A_24], %swap3A_27 {strides = array<i32>} : memref<128xf32, #tpu.memory_space<vmem>>, vector<16xf32>,
    %swap3A_28 = arith.constant 80 : index
    %swap3A_29 = tpu.vector_load %arg12[%swap3A_28] {strides = array<i32>} : memref<128xf32, #tpu.memory_space<vmem>>, vector<16xf32>,
    %swap3A_30 = vector.shape_cast %swap3A_29 : vector<16xf32> to vector<16xf32>
    %swap3A_31 = vector.shape_cast %broadcast_in_dim3A_8 : vector<16xf32> to vector<16xf32>
    tpu.vector_store %arg12[%swap3A_28], %swap3A_31 {strides = array<i32>} : memref<128xf32, #tpu.memory_space<vmem>>, vector<16xf32>,
    %swap3A_32 = arith.constant 96 : index
    %swap3A_33 = tpu.vector_load %arg12[%swap3A_32] {strides = array<i32>} : memref<128xf32, #tpu.memory_space<vmem>>, vector<16xf32>,
    %swap3A_34 = vector.shape_cast %swap3A_33 : vector<16xf32> to vector<16xf32>
    %swap3A_35 = vector.shape_cast %broadcast_in_dim3A_8 : vector<16xf32> to vector<16xf32>
    tpu.vector_store %arg12[%swap3A_32], %swap3A_35 {strides = array<i32>} : memref<128xf32, #tpu.memory_space<vmem>>, vector<16xf32>,
    %swap3A_36 = arith.constant 112 : index
    %swap3A_37 = tpu.vector_load %arg12[%swap3A_36] {strides = array<i32>} : memref<128xf32, #tpu.memory_space<vmem>>, vector<16xf32>,
    %swap3A_38 = vector.shape_cast %swap3A_37 : vector<16xf32> to vector<16xf32>
    %swap3A_39 = vector.shape_cast %broadcast_in_dim3A_8 : vector<16xf32> to vector<16xf32>
    tpu.vector_store %arg12[%swap3A_36], %swap3A_39 {strides = array<i32>} : memref<128xf32, #tpu.memory_space<vmem>>, vector<16xf32>,
    %scan3A_40 = arith.constant 0 : i32
    %scan3A_41 = arith.constant 0 : i32
    %scan3A_42 = arith.constant 80 : i32
    %scan3A_43 = arith.addi %scan3A_41, %scan3A_42 : i32
    %scan3A_44 = arith.constant 1 : i32
    %scan3A_45 = scf.for %scan3A_72 = %scan3A_41 to %scan3A_43 step %scan3A_44 iter_args(%scan3A_73 = %scan3A_40) -> (i32)  : i32 {
      %mul3A = arith.constant 640 : i32
      %mul3A_74 = arith.muli %arg1, %mul3A : i32
      %mul3A_75 = arith.constant 8 : i32
      %mul3A_76 = arith.muli %scan3A_72, %mul3A_75 : i32
      %add3A = arith.addi %mul3A_74, %mul3A_76 : i32
      "tpu.region"() ({
        %run_scoped3A = tpu.sem_alloc : memref<!tpu.dma_semaphore, #tpu.memory_space<semaphore_mem>>
        %dma_start3A = arith.constant 0 : i32
        %dma_start3A_78 = tpu.memref_slice %arg13[%add3A, %dma_start3A] : memref<10240x128xf32, #tpu.memory_space<vmem_shared>> -> memref<8x128xf32, #tpu.memory_space<vmem_shared>>
        %dma_start3A_79 = arith.constant 0 : i32
        %dma_start3A_80 = tpu.memref_slice %arg13[%add3A, %dma_start3A_79] : memref<10240x128xf32, #tpu.memory_space<vmem_shared>> -> memref<8x128xf32, #tpu.memory_space<vmem_shared>>
        tpu.enqueue_dma source(%arg11 : memref<8x128xf32, #tpu.memory_space<vmem>>) target(%dma_start3A_80 : memref<8x128xf32, #tpu.memory_space<vmem_shared>>) target_semaphore(%run_scoped3A : memref<!tpu.dma_semaphore, #tpu.memory_space<semaphore_mem>>)
        %dma_wait3A = arith.constant 0 : i32
        %dma_wait3A_81 = tpu.memref_slice %arg13[%add3A, %dma_wait3A] : memref<10240x128xf32, #tpu.memory_space<vmem_shared>> -> memref<8x128xf32, #tpu.memory_space<vmem_shared>>
        %dma_wait3A_82 = arith.constant 0 : i32
        %dma_wait3A_83 = tpu.memref_slice %arg13[%add3A, %dma_wait3A_82] : memref<10240x128xf32, #tpu.memory_space<vmem_shared>> -> memref<8x128xf32, #tpu.memory_space<vmem_shared>>
        tpu.wait_dma2 semaphore(%run_scoped3A : memref<!tpu.dma_semaphore, #tpu.memory_space<semaphore_mem>>) src(%arg11 : memref<8x128xf32, #tpu.memory_space<vmem>>) dst(%dma_wait3A_83 : memref<8x128xf32, #tpu.memory_space<vmem_shared>>)
        tpu.yield
      }) : () -> ()
      %scan3A_77 = arith.constant 0 : i32
      scf.yield %scan3A_77 : i32
    }
    %scan3A_46 = arith.constant 80 : i32
    %scan3A_47 = arith.constant 0 : i32
    %scan3A_48 = arith.constant 0 : i32
    %scan3A_49 = arith.constant 5 : i32
    %scan3A_50 = arith.addi %scan3A_48, %scan3A_49 : i32
    %scan3A_51 = arith.constant 1 : i32
    %scan3A_52 = scf.for %scan3A_72 = %scan3A_48 to %scan3A_50 step %scan3A_51 iter_args(%scan3A_73 = %scan3A_47) -> (i32)  : i32 {
      %mul3A = arith.constant 640 : i32
      %mul3A_74 = arith.muli %arg1, %mul3A : i32
      %mul3A_75 = arith.constant 128 : i32
      %mul3A_76 = arith.muli %scan3A_72, %mul3A_75 : i32
      %add3A = arith.addi %mul3A_74, %mul3A_76 : i32
      %run_scoped3A = arith.constant 0 : i32
      "tpu.region"() ({
        %run_scoped3A_78 = tpu.sem_alloc : memref<!tpu.dma_semaphore, #tpu.memory_space<semaphore_mem>>
        %dma_start3A = arith.constant 0 : i32
        %dma_start3A_79 = tpu.memref_slice %arg11[%run_scoped3A, %dma_start3A] : memref<8x128xf32, #tpu.memory_space<vmem>> -> memref<1x128xf32, #tpu.memory_space<vmem>>
        %dma_start3A_80 = tpu.memref_squeeze %dma_start3A_79 : memref<1x128xf32, #tpu.memory_space<vmem>> -> memref<128xf32, #tpu.memory_space<vmem>>
        %dma_start3A_81 = tpu.memref_slice %arg14[%add3A] : memref<10240xf32, #tpu.memory_space<vmem_shared>> -> memref<128xf32, #tpu.memory_space<vmem_shared>>
        %dma_start3A_82 = tpu.memref_slice %arg14[%add3A] : memref<10240xf32, #tpu.memory_space<vmem_shared>> -> memref<128xf32, #tpu.memory_space<vmem_shared>>
        %dma_start3A_83 = arith.constant 0 : i32
        %dma_start3A_84 = tpu.memref_slice %arg11[%run_scoped3A, %dma_start3A_83] : memref<8x128xf32, #tpu.memory_space<vmem>> -> memref<1x128xf32, #tpu.memory_space<vmem>>
        %dma_start3A_85 = tpu.memref_squeeze %dma_start3A_84 : memref<1x128xf32, #tpu.memory_space<vmem>> -> memref<128xf32, #tpu.memory_space<vmem>>
        tpu.enqueue_dma source(%dma_start3A_85 : memref<128xf32, #tpu.memory_space<vmem>>) target(%dma_start3A_82 : memref<128xf32, #tpu.memory_space<vmem_shared>>) target_semaphore(%run_scoped3A_78 : memref<!tpu.dma_semaphore, #tpu.memory_space<semaphore_mem>>)
        %dma_wait3A = arith.constant 0 : i32
        %dma_wait3A_86 = tpu.memref_slice %arg11[%run_scoped3A, %dma_wait3A] : memref<8x128xf32, #tpu.memory_space<vmem>> -> memref<1x128xf32, #tpu.memory_space<vmem>>
        %dma_wait3A_87 = tpu.memref_squeeze %dma_wait3A_86 : memref<1x128xf32, #tpu.memory_space<vmem>> -> memref<128xf32, #tpu.memory_space<vmem>>
        %dma_wait3A_88 = tpu.memref_slice %arg14[%add3A] : memref<10240xf32, #tpu.memory_space<vmem_shared>> -> memref<128xf32, #tpu.memory_space<vmem_shared>>
        %dma_wait3A_89 = tpu.memref_slice %arg14[%add3A] : memref<10240xf32, #tpu.memory_space<vmem_shared>> -> memref<128xf32, #tpu.memory_space<vmem_shared>>
        %dma_wait3A_90 = arith.constant 0 : i32
        %dma_wait3A_91 = tpu.memref_slice %arg11[%run_scoped3A, %dma_wait3A_90] : memref<8x128xf32, #tpu.memory_space<vmem>> -> memref<1x128xf32, #tpu.memory_space<vmem>>
        %dma_wait3A_92 = tpu.memref_squeeze %dma_wait3A_91 : memref<1x128xf32, #tpu.memory_space<vmem>> -> memref<128xf32, #tpu.memory_space<vmem>>
        tpu.wait_dma2 semaphore(%run_scoped3A_78 : memref<!tpu.dma_semaphore, #tpu.memory_space<semaphore_mem>>) src(%dma_wait3A_92 : memref<128xf32, #tpu.memory_space<vmem>>) dst(%dma_wait3A_89 : memref<128xf32, #tpu.memory_space<vmem_shared>>)
        tpu.yield
      }) : () -> ()
      %scan3A_77 = arith.constant 0 : i32
      scf.yield %scan3A_77 : i32
    }
    %scan3A_53 = arith.constant 5 : i32
    %barrier3A = arith.constant 0 : index
    tpu.barrier barrier_id(%barrier3A)
    %eq3A = arith.constant 0 : i32
    %eq3A_54 = arith.cmpi eq, %arg0, %eq3A : i32
    %convert_element_type3A = arith.extui %eq3A_54 : i1 to i32
    %cond3A = arith.constant 0 : i32
    %cond3A_55 = arith.cmpi ne, %convert_element_type3A, %cond3A : i32
    scf.if %cond3A_55 {
      %scan3A_72 = arith.constant 0 : i32
      %scan3A_73 = arith.constant 0 : i32
      %scan3A_74 = arith.constant 5 : i32
      %scan3A_75 = arith.addi %scan3A_73, %scan3A_74 : i32
      %scan3A_76 = arith.constant 1 : i32
      %scan3A_77 = scf.for %scan3A_79 = %scan3A_73 to %scan3A_75 step %scan3A_76 iter_args(%scan3A_80 = %scan3A_72) -> (i32)  : i32 {
        %mul3A = arith.constant 160 : i32
        %mul3A_81 = arith.muli %arg1, %mul3A : i32
        %mul3A_82 = arith.constant 32 : i32
        %mul3A_83 = arith.muli %scan3A_79, %mul3A_82 : i32
        %add3A = arith.addi %mul3A_81, %mul3A_83 : i32
        "tpu.region"() ({
          %run_scoped3A = tpu.sem_alloc : memref<!tpu.dma_semaphore, #tpu.memory_space<semaphore_mem>>
          %dma_start3A_105 = arith.constant 0 : i32
          %dma_start3A_106 = tpu.memref_slice %arg2[%add3A, %dma_start3A_105] : memref<2560x128xi32, #tpu.memory_space<hbm>> -> memref<32x128xi32, #tpu.memory_space<hbm>>
          %dma_start3A_107 = arith.constant 0 : i32
          %dma_start3A_108 = tpu.memref_slice %arg2[%add3A, %dma_start3A_107] : memref<2560x128xi32, #tpu.memory_space<hbm>> -> memref<32x128xi32, #tpu.memory_space<hbm>>
          tpu.enqueue_dma source(%dma_start3A_108 : memref<32x128xi32, #tpu.memory_space<hbm>>) target(%arg9 : memref<32x128xi32, #tpu.memory_space<vmem>>) target_semaphore(%run_scoped3A : memref<!tpu.dma_semaphore, #tpu.memory_space<semaphore_mem>>)
          %dma_wait3A = arith.constant 0 : i32
          %dma_wait3A_109 = tpu.memref_slice %arg2[%add3A, %dma_wait3A] : memref<2560x128xi32, #tpu.memory_space<hbm>> -> memref<32x128xi32, #tpu.memory_space<hbm>>
          %dma_wait3A_110 = arith.constant 0 : i32
          %dma_wait3A_111 = tpu.memref_slice %arg2[%add3A, %dma_wait3A_110] : memref<2560x128xi32, #tpu.memory_space<hbm>> -> memref<32x128xi32, #tpu.memory_space<hbm>>
          tpu.wait_dma2 semaphore(%run_scoped3A : memref<!tpu.dma_semaphore, #tpu.memory_space<semaphore_mem>>) src(%dma_wait3A_111 : memref<32x128xi32, #tpu.memory_space<hbm>>) dst(%arg9 : memref<32x128xi32, #tpu.memory_space<vmem>>)
          tpu.yield
        }) : () -> ()
        "tpu.region"() ({
          %run_scoped3A = tpu.sem_alloc : memref<!tpu.dma_semaphore, #tpu.memory_space<semaphore_mem>>
          %dma_start3A_105 = arith.constant 0 : i32
          %dma_start3A_106 = tpu.memref_slice %arg3[%add3A, %dma_start3A_105] : memref<2560x128xi32, #tpu.memory_space<hbm>> -> memref<32x128xi32, #tpu.memory_space<hbm>>
          %dma_start3A_107 = arith.constant 0 : i32
          %dma_start3A_108 = tpu.memref_slice %arg3[%add3A, %dma_start3A_107] : memref<2560x128xi32, #tpu.memory_space<hbm>> -> memref<32x128xi32, #tpu.memory_space<hbm>>
          tpu.enqueue_dma source(%dma_start3A_108 : memref<32x128xi32, #tpu.memory_space<hbm>>) target(%arg10 : memref<32x128xi32, #tpu.memory_space<vmem>>) target_semaphore(%run_scoped3A : memref<!tpu.dma_semaphore, #tpu.memory_space<semaphore_mem>>)
          %dma_wait3A = arith.constant 0 : i32
          %dma_wait3A_109 = tpu.memref_slice %arg3[%add3A, %dma_wait3A] : memref<2560x128xi32, #tpu.memory_space<hbm>> -> memref<32x128xi32, #tpu.memory_space<hbm>>
          %dma_wait3A_110 = arith.constant 0 : i32
          %dma_wait3A_111 = tpu.memref_slice %arg3[%add3A, %dma_wait3A_110] : memref<2560x128xi32, #tpu.memory_space<hbm>> -> memref<32x128xi32, #tpu.memory_space<hbm>>
          tpu.wait_dma2 semaphore(%run_scoped3A : memref<!tpu.dma_semaphore, #tpu.memory_space<semaphore_mem>>) src(%dma_wait3A_111 : memref<32x128xi32, #tpu.memory_space<hbm>>) dst(%arg10 : memref<32x128xi32, #tpu.memory_space<vmem>>)
          tpu.yield
        }) : () -> ()
        %dma_start3A = arith.constant 0 : i32
        %dma_start3A_84 = arith.constant 0 : i32
        %dma_start3A_85 = tpu.memref_slice %arg9[%dma_start3A, %dma_start3A_84] : memref<32x128xi32, #tpu.memory_space<vmem>> -> memref<1x128xi32, #tpu.memory_space<vmem>>
        %dma_start3A_86 = tpu.memref_squeeze %dma_start3A_85 : memref<1x128xi32, #tpu.memory_space<vmem>> -> memref<128xi32, #tpu.memory_space<vmem>>
        %dma_start3A_87 = arith.constant 0 : i32
        %dma_start3A_88 = arith.constant 0 : i32
        %dma_start3A_89 = tpu.memref_slice %arg4[%dma_start3A_87, %dma_start3A_88] : memref<10000x128xf32, #tpu.memory_space<hbm>> -> memref<10000x128xf32, #tpu.memory_space<hbm>>
        tpu.enqueue_indirect_dma source(%dma_start3A_89 : memref<10000x128xf32, #tpu.memory_space<hbm>>) target(%arg15 : memref<128x128xf32, #tpu.memory_space<vmem>>) offsets(%dma_start3A_86 : memref<128xi32, #tpu.memory_space<vmem>>) semaphore(%arg17 : memref<!tpu.dma_semaphore, #tpu.memory_space<semaphore_mem>>)
        %dma_start3A_90 = arith.constant 1 : i32
        %dma_start3A_91 = arith.constant 0 : i32
        %dma_start3A_92 = tpu.memref_slice %arg9[%dma_start3A_90, %dma_start3A_91] : memref<32x128xi32, #tpu.memory_space<vmem>> -> memref<1x128xi32, #tpu.memory_space<vmem>>
        %dma_start3A_93 = tpu.memref_squeeze %dma_start3A_92 : memref<1x128xi32, #tpu.memory_space<vmem>> -> memref<128xi32, #tpu.memory_space<vmem>>
        %dma_start3A_94 = arith.constant 0 : i32
        %dma_start3A_95 = arith.constant 0 : i32
        %dma_start3A_96 = tpu.memref_slice %arg4[%dma_start3A_94, %dma_start3A_95] : memref<10000x128xf32, #tpu.memory_space<hbm>> -> memref<10000x128xf32, #tpu.memory_space<hbm>>
        tpu.enqueue_indirect_dma source(%dma_start3A_96 : memref<10000x128xf32, #tpu.memory_space<hbm>>) target(%arg16 : memref<128x128xf32, #tpu.memory_space<vmem>>) offsets(%dma_start3A_93 : memref<128xi32, #tpu.memory_space<vmem>>) semaphore(%arg18 : memref<!tpu.dma_semaphore, #tpu.memory_space<semaphore_mem>>)
        %scan3A_97 = arith.constant 0 : i32
        %scan3A_98 = arith.constant 0 : i32
        %scan3A_99 = arith.constant 16 : i32
        %scan3A_100 = arith.addi %scan3A_98, %scan3A_99 : i32
        %scan3A_101 = arith.constant 1 : i32
        %scan3A_102 = scf.for %scan3A_105 = %scan3A_98 to %scan3A_100 step %scan3A_101 iter_args(%scan3A_106 = %scan3A_97) -> (i32)  : i32 {
          %mul3A_107 = arith.constant 2 : i32
          %mul3A_108 = arith.muli %scan3A_105, %mul3A_107 : i32
          %add3A_109 = arith.constant 0 : i32
          %add3A_110 = arith.addi %mul3A_108, %add3A_109 : i32
          %dma_wait3A = arith.constant 0 : i32
          %dma_wait3A_111 = arith.constant 0 : i32
          %dma_wait3A_112 = tpu.memref_slice %arg9[%dma_wait3A, %dma_wait3A_111] : memref<32x128xi32, #tpu.memory_space<vmem>> -> memref<1x128xi32, #tpu.memory_space<vmem>>
          %dma_wait3A_113 = tpu.memref_squeeze %dma_wait3A_112 : memref<1x128xi32, #tpu.memory_space<vmem>> -> memref<128xi32, #tpu.memory_space<vmem>>
          %dma_wait3A_114 = arith.constant 0 : i32
          %dma_wait3A_115 = arith.constant 0 : i32
          %dma_wait3A_116 = tpu.memref_slice %arg4[%dma_wait3A_114, %dma_wait3A_115] : memref<10000x128xf32, #tpu.memory_space<hbm>> -> memref<10000x128xf32, #tpu.memory_space<hbm>>
          tpu.wait_indirect_dma semaphore(%arg17 : memref<!tpu.dma_semaphore, #tpu.memory_space<semaphore_mem>>) src(%dma_wait3A_116 : memref<10000x128xf32, #tpu.memory_space<hbm>>) dst(%arg15 : memref<128x128xf32, #tpu.memory_space<vmem>>)
          "tpu.region"() ({
            %run_scoped3A = tpu.sem_alloc : memref<!tpu.dma_semaphore, #tpu.memory_space<semaphore_mem>>
            %dma_start3A_142 = arith.constant 0 : i32
            %dma_start3A_143 = tpu.memref_slice %arg10[%add3A_110, %dma_start3A_142] : memref<32x128xi32, #tpu.memory_space<vmem>> -> memref<1x128xi32, #tpu.memory_space<vmem>>
            %dma_start3A_144 = tpu.memref_squeeze %dma_start3A_143 : memref<1x128xi32, #tpu.memory_space<vmem>> -> memref<128xi32, #tpu.memory_space<vmem>>
            %dma_start3A_145 = arith.constant 0 : i32
            %dma_start3A_146 = arith.constant 0 : i32
            %dma_start3A_147 = tpu.memref_slice %arg13[%dma_start3A_145, %dma_start3A_146] : memref<10240x128xf32, #tpu.memory_space<vmem_shared>> -> memref<10240x128xf32, #tpu.memory_space<vmem_shared>>
            tpu.enqueue_indirect_dma source(%arg15 : memref<128x128xf32, #tpu.memory_space<vmem>>) target(%dma_start3A_147 : memref<10240x128xf32, #tpu.memory_space<vmem_shared>>) offsets(%dma_start3A_144 : memref<128xi32, #tpu.memory_space<vmem>>) semaphore(%run_scoped3A : memref<!tpu.dma_semaphore, #tpu.memory_space<semaphore_mem>>) {add = true}
            %dma_wait3A_148 = arith.constant 0 : i32
            %dma_wait3A_149 = tpu.memref_slice %arg10[%add3A_110, %dma_wait3A_148] : memref<32x128xi32, #tpu.memory_space<vmem>> -> memref<1x128xi32, #tpu.memory_space<vmem>>
            %dma_wait3A_150 = tpu.memref_squeeze %dma_wait3A_149 : memref<1x128xi32, #tpu.memory_space<vmem>> -> memref<128xi32, #tpu.memory_space<vmem>>
            %dma_wait3A_151 = arith.constant 0 : i32
            %dma_wait3A_152 = arith.constant 0 : i32
            %dma_wait3A_153 = tpu.memref_slice %arg13[%dma_wait3A_151, %dma_wait3A_152] : memref<10240x128xf32, #tpu.memory_space<vmem_shared>> -> memref<10240x128xf32, #tpu.memory_space<vmem_shared>>
            tpu.wait_indirect_dma semaphore(%run_scoped3A : memref<!tpu.dma_semaphore, #tpu.memory_space<semaphore_mem>>) src(%arg15 : memref<128x128xf32, #tpu.memory_space<vmem>>) dst(%dma_wait3A_153 : memref<10240x128xf32, #tpu.memory_space<vmem_shared>>)
            tpu.yield
          }) : () -> ()
          "tpu.region"() ({
            %run_scoped3A = tpu.sem_alloc : memref<!tpu.dma_semaphore, #tpu.memory_space<semaphore_mem>>
            %dma_start3A_142 = arith.constant 0 : i32
            %dma_start3A_143 = tpu.memref_slice %arg10[%add3A_110, %dma_start3A_142] : memref<32x128xi32, #tpu.memory_space<vmem>> -> memref<1x128xi32, #tpu.memory_space<vmem>>
            %dma_start3A_144 = tpu.memref_squeeze %dma_start3A_143 : memref<1x128xi32, #tpu.memory_space<vmem>> -> memref<128xi32, #tpu.memory_space<vmem>>
            %dma_start3A_145 = arith.constant 0 : i32
            %dma_start3A_146 = tpu.memref_slice %arg14[%dma_start3A_145] : memref<10240xf32, #tpu.memory_space<vmem_shared>> -> memref<10240xf32, #tpu.memory_space<vmem_shared>>
            tpu.enqueue_indirect_dma source(%arg12 : memref<128xf32, #tpu.memory_space<vmem>>) target(%dma_start3A_146 : memref<10240xf32, #tpu.memory_space<vmem_shared>>) offsets(%dma_start3A_144 : memref<128xi32, #tpu.memory_space<vmem>>) semaphore(%run_scoped3A : memref<!tpu.dma_semaphore, #tpu.memory_space<semaphore_mem>>) {add = true}
            %dma_wait3A_147 = arith.constant 0 : i32
            %dma_wait3A_148 = tpu.memref_slice %arg10[%add3A_110, %dma_wait3A_147] : memref<32x128xi32, #tpu.memory_space<vmem>> -> memref<1x128xi32, #tpu.memory_space<vmem>>
            %dma_wait3A_149 = tpu.memref_squeeze %dma_wait3A_148 : memref<1x128xi32, #tpu.memory_space<vmem>> -> memref<128xi32, #tpu.memory_space<vmem>>
            %dma_wait3A_150 = arith.constant 0 : i32
            %dma_wait3A_151 = tpu.memref_slice %arg14[%dma_wait3A_150] : memref<10240xf32, #tpu.memory_space<vmem_shared>> -> memref<10240xf32, #tpu.memory_space<vmem_shared>>
            tpu.wait_indirect_dma semaphore(%run_scoped3A : memref<!tpu.dma_semaphore, #tpu.memory_space<semaphore_mem>>) src(%arg12 : memref<128xf32, #tpu.memory_space<vmem>>) dst(%dma_wait3A_151 : memref<10240xf32, #tpu.memory_space<vmem_shared>>)
            tpu.yield
          }) : () -> ()
          %add3A_117 = arith.constant 2 : i32
          %add3A_118 = arith.addi %add3A_110, %add3A_117 : i32
          %lt3A = arith.constant 32 : i32
          %lt3A_119 = arith.cmpi slt, %add3A_118, %lt3A : i32
          %convert_element_type3A_120 = arith.extui %lt3A_119 : i1 to i32
          %cond3A_121 = arith.constant 0 : i32
          %cond3A_122 = arith.cmpi ne, %convert_element_type3A_120, %cond3A_121 : i32
          scf.if %cond3A_122 {
            %add3A_142 = arith.constant 2 : i32
            %add3A_143 = arith.addi %add3A_110, %add3A_142 : i32
            %dma_start3A_144 = arith.constant 0 : i32
            %dma_start3A_145 = tpu.memref_slice %arg9[%add3A_143, %dma_start3A_144] : memref<32x128xi32, #tpu.memory_space<vmem>> -> memref<1x128xi32, #tpu.memory_space<vmem>>
            %dma_start3A_146 = tpu.memref_squeeze %dma_start3A_145 : memref<1x128xi32, #tpu.memory_space<vmem>> -> memref<128xi32, #tpu.memory_space<vmem>>
            %dma_start3A_147 = arith.constant 0 : i32
            %dma_start3A_148 = arith.constant 0 : i32
            %dma_start3A_149 = tpu.memref_slice %arg4[%dma_start3A_147, %dma_start3A_148] : memref<10000x128xf32, #tpu.memory_space<hbm>> -> memref<10000x128xf32, #tpu.memory_space<hbm>>
            tpu.enqueue_indirect_dma source(%dma_start3A_149 : memref<10000x128xf32, #tpu.memory_space<hbm>>) target(%arg15 : memref<128x128xf32, #tpu.memory_space<vmem>>) offsets(%dma_start3A_146 : memref<128xi32, #tpu.memory_space<vmem>>) semaphore(%arg17 : memref<!tpu.dma_semaphore, #tpu.memory_space<semaphore_mem>>)
          } else {
          }
          %mul3A_123 = arith.constant 2 : i32
          %mul3A_124 = arith.muli %scan3A_105, %mul3A_123 : i32
          %add3A_125 = arith.constant 1 : i32
          %add3A_126 = arith.addi %mul3A_124, %add3A_125 : i32
          %dma_wait3A_127 = arith.constant 0 : i32
          %dma_wait3A_128 = arith.constant 0 : i32
          %dma_wait3A_129 = tpu.memref_slice %arg9[%dma_wait3A_127, %dma_wait3A_128] : memref<32x128xi32, #tpu.memory_space<vmem>> -> memref<1x128xi32, #tpu.memory_space<vmem>>
          %dma_wait3A_130 = tpu.memref_squeeze %dma_wait3A_129 : memref<1x128xi32, #tpu.memory_space<vmem>> -> memref<128xi32, #tpu.memory_space<vmem>>
          %dma_wait3A_131 = arith.constant 0 : i32
          %dma_wait3A_132 = arith.constant 0 : i32
          %dma_wait3A_133 = tpu.memref_slice %arg4[%dma_wait3A_131, %dma_wait3A_132] : memref<10000x128xf32, #tpu.memory_space<hbm>> -> memref<10000x128xf32, #tpu.memory_space<hbm>>
          tpu.wait_indirect_dma semaphore(%arg18 : memref<!tpu.dma_semaphore, #tpu.memory_space<semaphore_mem>>) src(%dma_wait3A_133 : memref<10000x128xf32, #tpu.memory_space<hbm>>) dst(%arg16 : memref<128x128xf32, #tpu.memory_space<vmem>>)
          "tpu.region"() ({
            %run_scoped3A = tpu.sem_alloc : memref<!tpu.dma_semaphore, #tpu.memory_space<semaphore_mem>>
            %dma_start3A_142 = arith.constant 0 : i32
            %dma_start3A_143 = tpu.memref_slice %arg10[%add3A_126, %dma_start3A_142] : memref<32x128xi32, #tpu.memory_space<vmem>> -> memref<1x128xi32, #tpu.memory_space<vmem>>
            %dma_start3A_144 = tpu.memref_squeeze %dma_start3A_143 : memref<1x128xi32, #tpu.memory_space<vmem>> -> memref<128xi32, #tpu.memory_space<vmem>>
            %dma_start3A_145 = arith.constant 0 : i32
            %dma_start3A_146 = arith.constant 0 : i32
            %dma_start3A_147 = tpu.memref_slice %arg13[%dma_start3A_145, %dma_start3A_146] : memref<10240x128xf32, #tpu.memory_space<vmem_shared>> -> memref<10240x128xf32, #tpu.memory_space<vmem_shared>>
            tpu.enqueue_indirect_dma source(%arg16 : memref<128x128xf32, #tpu.memory_space<vmem>>) target(%dma_start3A_147 : memref<10240x128xf32, #tpu.memory_space<vmem_shared>>) offsets(%dma_start3A_144 : memref<128xi32, #tpu.memory_space<vmem>>) semaphore(%run_scoped3A : memref<!tpu.dma_semaphore, #tpu.memory_space<semaphore_mem>>) {add = true}
            %dma_wait3A_148 = arith.constant 0 : i32
            %dma_wait3A_149 = tpu.memref_slice %arg10[%add3A_126, %dma_wait3A_148] : memref<32x128xi32, #tpu.memory_space<vmem>> -> memref<1x128xi32, #tpu.memory_space<vmem>>
            %dma_wait3A_150 = tpu.memref_squeeze %dma_wait3A_149 : memref<1x128xi32, #tpu.memory_space<vmem>> -> memref<128xi32, #tpu.memory_space<vmem>>
            %dma_wait3A_151 = arith.constant 0 : i32
            %dma_wait3A_152 = arith.constant 0 : i32
            %dma_wait3A_153 = tpu.memref_slice %arg13[%dma_wait3A_151, %dma_wait3A_152] : memref<10240x128xf32, #tpu.memory_space<vmem_shared>> -> memref<10240x128xf32, #tpu.memory_space<vmem_shared>>
            tpu.wait_indirect_dma semaphore(%run_scoped3A : memref<!tpu.dma_semaphore, #tpu.memory_space<semaphore_mem>>) src(%arg16 : memref<128x128xf32, #tpu.memory_space<vmem>>) dst(%dma_wait3A_153 : memref<10240x128xf32, #tpu.memory_space<vmem_shared>>)
            tpu.yield
          }) : () -> ()
          "tpu.region"() ({
            %run_scoped3A = tpu.sem_alloc : memref<!tpu.dma_semaphore, #tpu.memory_space<semaphore_mem>>
            %dma_start3A_142 = arith.constant 0 : i32
            %dma_start3A_143 = tpu.memref_slice %arg10[%add3A_126, %dma_start3A_142] : memref<32x128xi32, #tpu.memory_space<vmem>> -> memref<1x128xi32, #tpu.memory_space<vmem>>
            %dma_start3A_144 = tpu.memref_squeeze %dma_start3A_143 : memref<1x128xi32, #tpu.memory_space<vmem>> -> memref<128xi32, #tpu.memory_space<vmem>>
            %dma_start3A_145 = arith.constant 0 : i32
            %dma_start3A_146 = tpu.memref_slice %arg14[%dma_start3A_145] : memref<10240xf32, #tpu.memory_space<vmem_shared>> -> memref<10240xf32, #tpu.memory_space<vmem_shared>>
            tpu.enqueue_indirect_dma source(%arg12 : memref<128xf32, #tpu.memory_space<vmem>>) target(%dma_start3A_146 : memref<10240xf32, #tpu.memory_space<vmem_shared>>) offsets(%dma_start3A_144 : memref<128xi32, #tpu.memory_space<vmem>>) semaphore(%run_scoped3A : memref<!tpu.dma_semaphore, #tpu.memory_space<semaphore_mem>>) {add = true}
            %dma_wait3A_147 = arith.constant 0 : i32
            %dma_wait3A_148 = tpu.memref_slice %arg10[%add3A_126, %dma_wait3A_147] : memref<32x128xi32, #tpu.memory_space<vmem>> -> memref<1x128xi32, #tpu.memory_space<vmem>>
            %dma_wait3A_149 = tpu.memref_squeeze %dma_wait3A_148 : memref<1x128xi32, #tpu.memory_space<vmem>> -> memref<128xi32, #tpu.memory_space<vmem>>
            %dma_wait3A_150 = arith.constant 0 : i32
            %dma_wait3A_151 = tpu.memref_slice %arg14[%dma_wait3A_150] : memref<10240xf32, #tpu.memory_space<vmem_shared>> -> memref<10240xf32, #tpu.memory_space<vmem_shared>>
            tpu.wait_indirect_dma semaphore(%run_scoped3A : memref<!tpu.dma_semaphore, #tpu.memory_space<semaphore_mem>>) src(%arg12 : memref<128xf32, #tpu.memory_space<vmem>>) dst(%dma_wait3A_151 : memref<10240xf32, #tpu.memory_space<vmem_shared>>)
            tpu.yield
          }) : () -> ()
          %add3A_134 = arith.constant 2 : i32
          %add3A_135 = arith.addi %add3A_126, %add3A_134 : i32
          %lt3A_136 = arith.constant 32 : i32
          %lt3A_137 = arith.cmpi slt, %add3A_135, %lt3A_136 : i32
          %convert_element_type3A_138 = arith.extui %lt3A_137 : i1 to i32
          %cond3A_139 = arith.constant 0 : i32
          %cond3A_140 = arith.cmpi ne, %convert_element_type3A_138, %cond3A_139 : i32
          scf.if %cond3A_140 {
            %add3A_142 = arith.constant 2 : i32
            %add3A_143 = arith.addi %add3A_126, %add3A_142 : i32
            %dma_start3A_144 = arith.constant 0 : i32
            %dma_start3A_145 = tpu.memref_slice %arg9[%add3A_143, %dma_start3A_144] : memref<32x128xi32, #tpu.memory_space<vmem>> -> memref<1x128xi32, #tpu.memory_space<vmem>>
            %dma_start3A_146 = tpu.memref_squeeze %dma_start3A_145 : memref<1x128xi32, #tpu.memory_space<vmem>> -> memref<128xi32, #tpu.memory_space<vmem>>
            %dma_start3A_147 = arith.constant 0 : i32
            %dma_start3A_148 = arith.constant 0 : i32
            %dma_start3A_149 = tpu.memref_slice %arg4[%dma_start3A_147, %dma_start3A_148] : memref<10000x128xf32, #tpu.memory_space<hbm>> -> memref<10000x128xf32, #tpu.memory_space<hbm>>
            tpu.enqueue_indirect_dma source(%dma_start3A_149 : memref<10000x128xf32, #tpu.memory_space<hbm>>) target(%arg16 : memref<128x128xf32, #tpu.memory_space<vmem>>) offsets(%dma_start3A_146 : memref<128xi32, #tpu.memory_space<vmem>>) semaphore(%arg18 : memref<!tpu.dma_semaphore, #tpu.memory_space<semaphore_mem>>)
          } else {
          }
          %scan3A_141 = arith.constant 0 : i32
          scf.yield %scan3A_141 : i32
        }
        %scan3A_103 = arith.constant 16 : i32
        %scan3A_104 = arith.constant 0 : i32
        scf.yield %scan3A_104 : i32
      }
      %scan3A_78 = arith.constant 5 : i32
    } else {
    }
    %eq3A_56 = arith.constant 1 : i32
    %eq3A_57 = arith.cmpi eq, %arg0, %eq3A_56 : i32
    %convert_element_type3A_58 = arith.extui %eq3A_57 : i1 to i32
    %cond3A_59 = arith.constant 0 : i32
    %cond3A_60 = arith.cmpi ne, %convert_element_type3A_58, %cond3A_59 : i32
    scf.if %cond3A_60 {
      %scan3A_72 = arith.constant 0 : i32
      %scan3A_73 = arith.constant 0 : i32
      %scan3A_74 = arith.constant 5 : i32
      %scan3A_75 = arith.addi %scan3A_73, %scan3A_74 : i32
      %scan3A_76 = arith.constant 1 : i32
      %scan3A_77 = scf.for %scan3A_79 = %scan3A_73 to %scan3A_75 step %scan3A_76 iter_args(%scan3A_80 = %scan3A_72) -> (i32)  : i32 {
        %mul3A = arith.constant 160 : i32
        %mul3A_81 = arith.muli %arg1, %mul3A : i32
        %mul3A_82 = arith.constant 32 : i32
        %mul3A_83 = arith.muli %scan3A_79, %mul3A_82 : i32
        %add3A = arith.addi %mul3A_81, %mul3A_83 : i32
        "tpu.region"() ({
          %run_scoped3A = tpu.sem_alloc : memref<!tpu.dma_semaphore, #tpu.memory_space<semaphore_mem>>
          %dma_start3A_105 = arith.constant 0 : i32
          %dma_start3A_106 = tpu.memref_slice %arg2[%add3A, %dma_start3A_105] : memref<2560x128xi32, #tpu.memory_space<hbm>> -> memref<32x128xi32, #tpu.memory_space<hbm>>
          %dma_start3A_107 = arith.constant 0 : i32
          %dma_start3A_108 = tpu.memref_slice %arg2[%add3A, %dma_start3A_107] : memref<2560x128xi32, #tpu.memory_space<hbm>> -> memref<32x128xi32, #tpu.memory_space<hbm>>
          tpu.enqueue_dma source(%dma_start3A_108 : memref<32x128xi32, #tpu.memory_space<hbm>>) target(%arg9 : memref<32x128xi32, #tpu.memory_space<vmem>>) target_semaphore(%run_scoped3A : memref<!tpu.dma_semaphore, #tpu.memory_space<semaphore_mem>>)
          %dma_wait3A = arith.constant 0 : i32
          %dma_wait3A_109 = tpu.memref_slice %arg2[%add3A, %dma_wait3A] : memref<2560x128xi32, #tpu.memory_space<hbm>> -> memref<32x128xi32, #tpu.memory_space<hbm>>
          %dma_wait3A_110 = arith.constant 0 : i32
          %dma_wait3A_111 = tpu.memref_slice %arg2[%add3A, %dma_wait3A_110] : memref<2560x128xi32, #tpu.memory_space<hbm>> -> memref<32x128xi32, #tpu.memory_space<hbm>>
          tpu.wait_dma2 semaphore(%run_scoped3A : memref<!tpu.dma_semaphore, #tpu.memory_space<semaphore_mem>>) src(%dma_wait3A_111 : memref<32x128xi32, #tpu.memory_space<hbm>>) dst(%arg9 : memref<32x128xi32, #tpu.memory_space<vmem>>)
          tpu.yield
        }) : () -> ()
        "tpu.region"() ({
          %run_scoped3A = tpu.sem_alloc : memref<!tpu.dma_semaphore, #tpu.memory_space<semaphore_mem>>
          %dma_start3A_105 = arith.constant 0 : i32
          %dma_start3A_106 = tpu.memref_slice %arg3[%add3A, %dma_start3A_105] : memref<2560x128xi32, #tpu.memory_space<hbm>> -> memref<32x128xi32, #tpu.memory_space<hbm>>
          %dma_start3A_107 = arith.constant 0 : i32
          %dma_start3A_108 = tpu.memref_slice %arg3[%add3A, %dma_start3A_107] : memref<2560x128xi32, #tpu.memory_space<hbm>> -> memref<32x128xi32, #tpu.memory_space<hbm>>
          tpu.enqueue_dma source(%dma_start3A_108 : memref<32x128xi32, #tpu.memory_space<hbm>>) target(%arg10 : memref<32x128xi32, #tpu.memory_space<vmem>>) target_semaphore(%run_scoped3A : memref<!tpu.dma_semaphore, #tpu.memory_space<semaphore_mem>>)
          %dma_wait3A = arith.constant 0 : i32
          %dma_wait3A_109 = tpu.memref_slice %arg3[%add3A, %dma_wait3A] : memref<2560x128xi32, #tpu.memory_space<hbm>> -> memref<32x128xi32, #tpu.memory_space<hbm>>
          %dma_wait3A_110 = arith.constant 0 : i32
          %dma_wait3A_111 = tpu.memref_slice %arg3[%add3A, %dma_wait3A_110] : memref<2560x128xi32, #tpu.memory_space<hbm>> -> memref<32x128xi32, #tpu.memory_space<hbm>>
          tpu.wait_dma2 semaphore(%run_scoped3A : memref<!tpu.dma_semaphore, #tpu.memory_space<semaphore_mem>>) src(%dma_wait3A_111 : memref<32x128xi32, #tpu.memory_space<hbm>>) dst(%arg10 : memref<32x128xi32, #tpu.memory_space<vmem>>)
          tpu.yield
        }) : () -> ()
        %dma_start3A = arith.constant 0 : i32
        %dma_start3A_84 = arith.constant 0 : i32
        %dma_start3A_85 = tpu.memref_slice %arg9[%dma_start3A, %dma_start3A_84] : memref<32x128xi32, #tpu.memory_space<vmem>> -> memref<1x128xi32, #tpu.memory_space<vmem>>
        %dma_start3A_86 = tpu.memref_squeeze %dma_start3A_85 : memref<1x128xi32, #tpu.memory_space<vmem>> -> memref<128xi32, #tpu.memory_space<vmem>>
        %dma_start3A_87 = arith.constant 0 : i32
        %dma_start3A_88 = arith.constant 0 : i32
        %dma_start3A_89 = tpu.memref_slice %arg5[%dma_start3A_87, %dma_start3A_88] : memref<10000x128xf32, #tpu.memory_space<hbm>> -> memref<10000x128xf32, #tpu.memory_space<hbm>>
        tpu.enqueue_indirect_dma source(%dma_start3A_89 : memref<10000x128xf32, #tpu.memory_space<hbm>>) target(%arg15 : memref<128x128xf32, #tpu.memory_space<vmem>>) offsets(%dma_start3A_86 : memref<128xi32, #tpu.memory_space<vmem>>) semaphore(%arg17 : memref<!tpu.dma_semaphore, #tpu.memory_space<semaphore_mem>>)
        %dma_start3A_90 = arith.constant 1 : i32
        %dma_start3A_91 = arith.constant 0 : i32
        %dma_start3A_92 = tpu.memref_slice %arg9[%dma_start3A_90, %dma_start3A_91] : memref<32x128xi32, #tpu.memory_space<vmem>> -> memref<1x128xi32, #tpu.memory_space<vmem>>
        %dma_start3A_93 = tpu.memref_squeeze %dma_start3A_92 : memref<1x128xi32, #tpu.memory_space<vmem>> -> memref<128xi32, #tpu.memory_space<vmem>>
        %dma_start3A_94 = arith.constant 0 : i32
        %dma_start3A_95 = arith.constant 0 : i32
        %dma_start3A_96 = tpu.memref_slice %arg5[%dma_start3A_94, %dma_start3A_95] : memref<10000x128xf32, #tpu.memory_space<hbm>> -> memref<10000x128xf32, #tpu.memory_space<hbm>>
        tpu.enqueue_indirect_dma source(%dma_start3A_96 : memref<10000x128xf32, #tpu.memory_space<hbm>>) target(%arg16 : memref<128x128xf32, #tpu.memory_space<vmem>>) offsets(%dma_start3A_93 : memref<128xi32, #tpu.memory_space<vmem>>) semaphore(%arg18 : memref<!tpu.dma_semaphore, #tpu.memory_space<semaphore_mem>>)
        %scan3A_97 = arith.constant 0 : i32
        %scan3A_98 = arith.constant 0 : i32
        %scan3A_99 = arith.constant 16 : i32
        %scan3A_100 = arith.addi %scan3A_98, %scan3A_99 : i32
        %scan3A_101 = arith.constant 1 : i32
        %scan3A_102 = scf.for %scan3A_105 = %scan3A_98 to %scan3A_100 step %scan3A_101 iter_args(%scan3A_106 = %scan3A_97) -> (i32)  : i32 {
          %mul3A_107 = arith.constant 2 : i32
          %mul3A_108 = arith.muli %scan3A_105, %mul3A_107 : i32
          %add3A_109 = arith.constant 0 : i32
          %add3A_110 = arith.addi %mul3A_108, %add3A_109 : i32
          %dma_wait3A = arith.constant 0 : i32
          %dma_wait3A_111 = arith.constant 0 : i32
          %dma_wait3A_112 = tpu.memref_slice %arg9[%dma_wait3A, %dma_wait3A_111] : memref<32x128xi32, #tpu.memory_space<vmem>> -> memref<1x128xi32, #tpu.memory_space<vmem>>
          %dma_wait3A_113 = tpu.memref_squeeze %dma_wait3A_112 : memref<1x128xi32, #tpu.memory_space<vmem>> -> memref<128xi32, #tpu.memory_space<vmem>>
          %dma_wait3A_114 = arith.constant 0 : i32
          %dma_wait3A_115 = arith.constant 0 : i32
          %dma_wait3A_116 = tpu.memref_slice %arg5[%dma_wait3A_114, %dma_wait3A_115] : memref<10000x128xf32, #tpu.memory_space<hbm>> -> memref<10000x128xf32, #tpu.memory_space<hbm>>
          tpu.wait_indirect_dma semaphore(%arg17 : memref<!tpu.dma_semaphore, #tpu.memory_space<semaphore_mem>>) src(%dma_wait3A_116 : memref<10000x128xf32, #tpu.memory_space<hbm>>) dst(%arg15 : memref<128x128xf32, #tpu.memory_space<vmem>>)
          "tpu.region"() ({
            %run_scoped3A = tpu.sem_alloc : memref<!tpu.dma_semaphore, #tpu.memory_space<semaphore_mem>>
            %dma_start3A_142 = arith.constant 0 : i32
            %dma_start3A_143 = tpu.memref_slice %arg10[%add3A_110, %dma_start3A_142] : memref<32x128xi32, #tpu.memory_space<vmem>> -> memref<1x128xi32, #tpu.memory_space<vmem>>
            %dma_start3A_144 = tpu.memref_squeeze %dma_start3A_143 : memref<1x128xi32, #tpu.memory_space<vmem>> -> memref<128xi32, #tpu.memory_space<vmem>>
            %dma_start3A_145 = arith.constant 0 : i32
            %dma_start3A_146 = arith.constant 0 : i32
            %dma_start3A_147 = tpu.memref_slice %arg13[%dma_start3A_145, %dma_start3A_146] : memref<10240x128xf32, #tpu.memory_space<vmem_shared>> -> memref<10240x128xf32, #tpu.memory_space<vmem_shared>>
            tpu.enqueue_indirect_dma source(%arg15 : memref<128x128xf32, #tpu.memory_space<vmem>>) target(%dma_start3A_147 : memref<10240x128xf32, #tpu.memory_space<vmem_shared>>) offsets(%dma_start3A_144 : memref<128xi32, #tpu.memory_space<vmem>>) semaphore(%run_scoped3A : memref<!tpu.dma_semaphore, #tpu.memory_space<semaphore_mem>>) {add = true}
            %dma_wait3A_148 = arith.constant 0 : i32
            %dma_wait3A_149 = tpu.memref_slice %arg10[%add3A_110, %dma_wait3A_148] : memref<32x128xi32, #tpu.memory_space<vmem>> -> memref<1x128xi32, #tpu.memory_space<vmem>>
            %dma_wait3A_150 = tpu.memref_squeeze %dma_wait3A_149 : memref<1x128xi32, #tpu.memory_space<vmem>> -> memref<128xi32, #tpu.memory_space<vmem>>
            %dma_wait3A_151 = arith.constant 0 : i32
            %dma_wait3A_152 = arith.constant 0 : i32
            %dma_wait3A_153 = tpu.memref_slice %arg13[%dma_wait3A_151, %dma_wait3A_152] : memref<10240x128xf32, #tpu.memory_space<vmem_shared>> -> memref<10240x128xf32, #tpu.memory_space<vmem_shared>>
            tpu.wait_indirect_dma semaphore(%run_scoped3A : memref<!tpu.dma_semaphore, #tpu.memory_space<semaphore_mem>>) src(%arg15 : memref<128x128xf32, #tpu.memory_space<vmem>>) dst(%dma_wait3A_153 : memref<10240x128xf32, #tpu.memory_space<vmem_shared>>)
            tpu.yield
          }) : () -> ()
          %add3A_117 = arith.constant 2 : i32
          %add3A_118 = arith.addi %add3A_110, %add3A_117 : i32
          %lt3A = arith.constant 32 : i32
          %lt3A_119 = arith.cmpi slt, %add3A_118, %lt3A : i32
          %convert_element_type3A_120 = arith.extui %lt3A_119 : i1 to i32
          %cond3A_121 = arith.constant 0 : i32
          %cond3A_122 = arith.cmpi ne, %convert_element_type3A_120, %cond3A_121 : i32
          scf.if %cond3A_122 {
            %add3A_142 = arith.constant 2 : i32
            %add3A_143 = arith.addi %add3A_110, %add3A_142 : i32
            %dma_start3A_144 = arith.constant 0 : i32
            %dma_start3A_145 = tpu.memref_slice %arg9[%add3A_143, %dma_start3A_144] : memref<32x128xi32, #tpu.memory_space<vmem>> -> memref<1x128xi32, #tpu.memory_space<vmem>>
            %dma_start3A_146 = tpu.memref_squeeze %dma_start3A_145 : memref<1x128xi32, #tpu.memory_space<vmem>> -> memref<128xi32, #tpu.memory_space<vmem>>
            %dma_start3A_147 = arith.constant 0 : i32
            %dma_start3A_148 = arith.constant 0 : i32
            %dma_start3A_149 = tpu.memref_slice %arg5[%dma_start3A_147, %dma_start3A_148] : memref<10000x128xf32, #tpu.memory_space<hbm>> -> memref<10000x128xf32, #tpu.memory_space<hbm>>
            tpu.enqueue_indirect_dma source(%dma_start3A_149 : memref<10000x128xf32, #tpu.memory_space<hbm>>) target(%arg15 : memref<128x128xf32, #tpu.memory_space<vmem>>) offsets(%dma_start3A_146 : memref<128xi32, #tpu.memory_space<vmem>>) semaphore(%arg17 : memref<!tpu.dma_semaphore, #tpu.memory_space<semaphore_mem>>)
          } else {
          }
          %mul3A_123 = arith.constant 2 : i32
          %mul3A_124 = arith.muli %scan3A_105, %mul3A_123 : i32
          %add3A_125 = arith.constant 1 : i32
          %add3A_126 = arith.addi %mul3A_124, %add3A_125 : i32
          %dma_wait3A_127 = arith.constant 0 : i32
          %dma_wait3A_128 = arith.constant 0 : i32
          %dma_wait3A_129 = tpu.memref_slice %arg9[%dma_wait3A_127, %dma_wait3A_128] : memref<32x128xi32, #tpu.memory_space<vmem>> -> memref<1x128xi32, #tpu.memory_space<vmem>>
          %dma_wait3A_130 = tpu.memref_squeeze %dma_wait3A_129 : memref<1x128xi32, #tpu.memory_space<vmem>> -> memref<128xi32, #tpu.memory_space<vmem>>
          %dma_wait3A_131 = arith.constant 0 : i32
          %dma_wait3A_132 = arith.constant 0 : i32
          %dma_wait3A_133 = tpu.memref_slice %arg5[%dma_wait3A_131, %dma_wait3A_132] : memref<10000x128xf32, #tpu.memory_space<hbm>> -> memref<10000x128xf32, #tpu.memory_space<hbm>>
          tpu.wait_indirect_dma semaphore(%arg18 : memref<!tpu.dma_semaphore, #tpu.memory_space<semaphore_mem>>) src(%dma_wait3A_133 : memref<10000x128xf32, #tpu.memory_space<hbm>>) dst(%arg16 : memref<128x128xf32, #tpu.memory_space<vmem>>)
          "tpu.region"() ({
            %run_scoped3A = tpu.sem_alloc : memref<!tpu.dma_semaphore, #tpu.memory_space<semaphore_mem>>
            %dma_start3A_142 = arith.constant 0 : i32
            %dma_start3A_143 = tpu.memref_slice %arg10[%add3A_126, %dma_start3A_142] : memref<32x128xi32, #tpu.memory_space<vmem>> -> memref<1x128xi32, #tpu.memory_space<vmem>>
            %dma_start3A_144 = tpu.memref_squeeze %dma_start3A_143 : memref<1x128xi32, #tpu.memory_space<vmem>> -> memref<128xi32, #tpu.memory_space<vmem>>
            %dma_start3A_145 = arith.constant 0 : i32
            %dma_start3A_146 = arith.constant 0 : i32
            %dma_start3A_147 = tpu.memref_slice %arg13[%dma_start3A_145, %dma_start3A_146] : memref<10240x128xf32, #tpu.memory_space<vmem_shared>> -> memref<10240x128xf32, #tpu.memory_space<vmem_shared>>
            tpu.enqueue_indirect_dma source(%arg16 : memref<128x128xf32, #tpu.memory_space<vmem>>) target(%dma_start3A_147 : memref<10240x128xf32, #tpu.memory_space<vmem_shared>>) offsets(%dma_start3A_144 : memref<128xi32, #tpu.memory_space<vmem>>) semaphore(%run_scoped3A : memref<!tpu.dma_semaphore, #tpu.memory_space<semaphore_mem>>) {add = true}
            %dma_wait3A_148 = arith.constant 0 : i32
            %dma_wait3A_149 = tpu.memref_slice %arg10[%add3A_126, %dma_wait3A_148] : memref<32x128xi32, #tpu.memory_space<vmem>> -> memref<1x128xi32, #tpu.memory_space<vmem>>
            %dma_wait3A_150 = tpu.memref_squeeze %dma_wait3A_149 : memref<1x128xi32, #tpu.memory_space<vmem>> -> memref<128xi32, #tpu.memory_space<vmem>>
            %dma_wait3A_151 = arith.constant 0 : i32
            %dma_wait3A_152 = arith.constant 0 : i32
            %dma_wait3A_153 = tpu.memref_slice %arg13[%dma_wait3A_151, %dma_wait3A_152] : memref<10240x128xf32, #tpu.memory_space<vmem_shared>> -> memref<10240x128xf32, #tpu.memory_space<vmem_shared>>
            tpu.wait_indirect_dma semaphore(%run_scoped3A : memref<!tpu.dma_semaphore, #tpu.memory_space<semaphore_mem>>) src(%arg16 : memref<128x128xf32, #tpu.memory_space<vmem>>) dst(%dma_wait3A_153 : memref<10240x128xf32, #tpu.memory_space<vmem_shared>>)
            tpu.yield
          }) : () -> ()
          %add3A_134 = arith.constant 2 : i32
          %add3A_135 = arith.addi %add3A_126, %add3A_134 : i32
          %lt3A_136 = arith.constant 32 : i32
          %lt3A_137 = arith.cmpi slt, %add3A_135, %lt3A_136 : i32
          %convert_element_type3A_138 = arith.extui %lt3A_137 : i1 to i32
          %cond3A_139 = arith.constant 0 : i32
          %cond3A_140 = arith.cmpi ne, %convert_element_type3A_138, %cond3A_139 : i32
          scf.if %cond3A_140 {
            %add3A_142 = arith.constant 2 : i32
            %add3A_143 = arith.addi %add3A_126, %add3A_142 : i32
            %dma_start3A_144 = arith.constant 0 : i32
            %dma_start3A_145 = tpu.memref_slice %arg9[%add3A_143, %dma_start3A_144] : memref<32x128xi32, #tpu.memory_space<vmem>> -> memref<1x128xi32, #tpu.memory_space<vmem>>
            %dma_start3A_146 = tpu.memref_squeeze %dma_start3A_145 : memref<1x128xi32, #tpu.memory_space<vmem>> -> memref<128xi32, #tpu.memory_space<vmem>>
            %dma_start3A_147 = arith.constant 0 : i32
            %dma_start3A_148 = arith.constant 0 : i32
            %dma_start3A_149 = tpu.memref_slice %arg5[%dma_start3A_147, %dma_start3A_148] : memref<10000x128xf32, #tpu.memory_space<hbm>> -> memref<10000x128xf32, #tpu.memory_space<hbm>>
            tpu.enqueue_indirect_dma source(%dma_start3A_149 : memref<10000x128xf32, #tpu.memory_space<hbm>>) target(%arg16 : memref<128x128xf32, #tpu.memory_space<vmem>>) offsets(%dma_start3A_146 : memref<128xi32, #tpu.memory_space<vmem>>) semaphore(%arg18 : memref<!tpu.dma_semaphore, #tpu.memory_space<semaphore_mem>>)
          } else {
          }
          %scan3A_141 = arith.constant 0 : i32
          scf.yield %scan3A_141 : i32
        }
        %scan3A_103 = arith.constant 16 : i32
        %scan3A_104 = arith.constant 0 : i32
        scf.yield %scan3A_104 : i32
      }
      %scan3A_78 = arith.constant 5 : i32
    } else {
    }
    %barrier3A_61 = arith.constant 0 : index
    tpu.barrier barrier_id(%barrier3A_61)
    %eq3A_62 = arith.constant 0 : i32
    %eq3A_63 = arith.cmpi eq, %arg0, %eq3A_62 : i32
    %convert_element_type3A_64 = arith.extui %eq3A_63 : i1 to i32
    %cond3A_65 = arith.constant 0 : i32
    %cond3A_66 = arith.cmpi ne, %convert_element_type3A_64, %cond3A_65 : i32
    scf.if %cond3A_66 {
      %mul3A = arith.constant 640 : i32
      %mul3A_72 = arith.muli %arg1, %mul3A : i32
      %mul3A_73 = arith.constant 640 : i32
      %mul3A_74 = arith.muli %arg1, %mul3A_73 : i32
      "tpu.region"() ({
        %run_scoped3A = tpu.sem_alloc : memref<!tpu.dma_semaphore, #tpu.memory_space<semaphore_mem>>
        %dma_start3A = arith.constant 0 : i32
        %dma_start3A_79 = tpu.memref_slice %arg6[%mul3A_74, %dma_start3A] : memref<10240x128xf32, #tpu.memory_space<hbm>> -> memref<640x128xf32, #tpu.memory_space<hbm>>
        %dma_start3A_80 = arith.constant 0 : i32
        %dma_start3A_81 = tpu.memref_slice %arg13[%mul3A_72, %dma_start3A_80] : memref<10240x128xf32, #tpu.memory_space<vmem_shared>> -> memref<640x128xf32, #tpu.memory_space<vmem_shared>>
        tpu.enqueue_dma source(%dma_start3A_81 : memref<640x128xf32, #tpu.memory_space<vmem_shared>>) target(%dma_start3A_79 : memref<640x128xf32, #tpu.memory_space<hbm>>) target_semaphore(%run_scoped3A : memref<!tpu.dma_semaphore, #tpu.memory_space<semaphore_mem>>)
        %dma_wait3A = arith.constant 0 : i32
        %dma_wait3A_82 = tpu.memref_slice %arg6[%mul3A_74, %dma_wait3A] : memref<10240x128xf32, #tpu.memory_space<hbm>> -> memref<640x128xf32, #tpu.memory_space<hbm>>
        %dma_wait3A_83 = arith.constant 0 : i32
        %dma_wait3A_84 = tpu.memref_slice %arg13[%mul3A_72, %dma_wait3A_83] : memref<10240x128xf32, #tpu.memory_space<vmem_shared>> -> memref<640x128xf32, #tpu.memory_space<vmem_shared>>
        tpu.wait_dma2 semaphore(%run_scoped3A : memref<!tpu.dma_semaphore, #tpu.memory_space<semaphore_mem>>) src(%dma_wait3A_84 : memref<640x128xf32, #tpu.memory_space<vmem_shared>>) dst(%dma_wait3A_82 : memref<640x128xf32, #tpu.memory_space<hbm>>)
        tpu.yield
      }) : () -> ()
      %mul3A_75 = arith.constant 640 : i32
      %mul3A_76 = arith.muli %arg1, %mul3A_75 : i32
      %mul3A_77 = arith.constant 640 : i32
      %mul3A_78 = arith.muli %arg1, %mul3A_77 : i32
      "tpu.region"() ({
        %run_scoped3A = tpu.sem_alloc : memref<!tpu.dma_semaphore, #tpu.memory_space<semaphore_mem>>
        %dma_start3A = tpu.memref_slice %arg8[%mul3A_78] : memref<10240xf32, #tpu.memory_space<hbm>> -> memref<640xf32, #tpu.memory_space<hbm>>
        %dma_start3A_79 = tpu.memref_slice %arg14[%mul3A_76] : memref<10240xf32, #tpu.memory_space<vmem_shared>> -> memref<640xf32, #tpu.memory_space<vmem_shared>>
        tpu.enqueue_dma source(%dma_start3A_79 : memref<640xf32, #tpu.memory_space<vmem_shared>>) target(%dma_start3A : memref<640xf32, #tpu.memory_space<hbm>>) target_semaphore(%run_scoped3A : memref<!tpu.dma_semaphore, #tpu.memory_space<semaphore_mem>>)
        %dma_wait3A = tpu.memref_slice %arg8[%mul3A_78] : memref<10240xf32, #tpu.memory_space<hbm>> -> memref<640xf32, #tpu.memory_space<hbm>>
        %dma_wait3A_80 = tpu.memref_slice %arg14[%mul3A_76] : memref<10240xf32, #tpu.memory_space<vmem_shared>> -> memref<640xf32, #tpu.memory_space<vmem_shared>>
        tpu.wait_dma2 semaphore(%run_scoped3A : memref<!tpu.dma_semaphore, #tpu.memory_space<semaphore_mem>>) src(%dma_wait3A_80 : memref<640xf32, #tpu.memory_space<vmem_shared>>) dst(%dma_wait3A : memref<640xf32, #tpu.memory_space<hbm>>)
        tpu.yield
      }) : () -> ()
    } else {
    }
    %eq3A_67 = arith.constant 1 : i32
    %eq3A_68 = arith.cmpi eq, %arg0, %eq3A_67 : i32
    %convert_element_type3A_69 = arith.extui %eq3A_68 : i1 to i32
    %cond3A_70 = arith.constant 0 : i32
    %cond3A_71 = arith.cmpi ne, %convert_element_type3A_69, %cond3A_70 : i32
    scf.if %cond3A_71 {
      %mul3A = arith.constant 640 : i32
      %mul3A_72 = arith.muli %arg1, %mul3A : i32
      %mul3A_73 = arith.constant 640 : i32
      %mul3A_74 = arith.muli %arg1, %mul3A_73 : i32
      "tpu.region"() ({
        %run_scoped3A = tpu.sem_alloc : memref<!tpu.dma_semaphore, #tpu.memory_space<semaphore_mem>>
        %dma_start3A = arith.constant 0 : i32
        %dma_start3A_75 = tpu.memref_slice %arg7[%mul3A_74, %dma_start3A] : memref<10240x128xf32, #tpu.memory_space<hbm>> -> memref<640x128xf32, #tpu.memory_space<hbm>>
        %dma_start3A_76 = arith.constant 0 : i32
        %dma_start3A_77 = tpu.memref_slice %arg13[%mul3A_72, %dma_start3A_76] : memref<10240x128xf32, #tpu.memory_space<vmem_shared>> -> memref<640x128xf32, #tpu.memory_space<vmem_shared>>
        tpu.enqueue_dma source(%dma_start3A_77 : memref<640x128xf32, #tpu.memory_space<vmem_shared>>) target(%dma_start3A_75 : memref<640x128xf32, #tpu.memory_space<hbm>>) target_semaphore(%run_scoped3A : memref<!tpu.dma_semaphore, #tpu.memory_space<semaphore_mem>>)
        %dma_wait3A = arith.constant 0 : i32
        %dma_wait3A_78 = tpu.memref_slice %arg7[%mul3A_74, %dma_wait3A] : memref<10240x128xf32, #tpu.memory_space<hbm>> -> memref<640x128xf32, #tpu.memory_space<hbm>>
        %dma_wait3A_79 = arith.constant 0 : i32
        %dma_wait3A_80 = tpu.memref_slice %arg13[%mul3A_72, %dma_wait3A_79] : memref<10240x128xf32, #tpu.memory_space<vmem_shared>> -> memref<640x128xf32, #tpu.memory_space<vmem_shared>>
        tpu.wait_dma2 semaphore(%run_scoped3A : memref<!tpu.dma_semaphore, #tpu.memory_space<semaphore_mem>>) src(%dma_wait3A_80 : memref<640x128xf32, #tpu.memory_space<vmem_shared>>) dst(%dma_wait3A_78 : memref<640x128xf32, #tpu.memory_space<hbm>>)
        tpu.yield
      }) : () -> ()
    } else {
    }
    return
  }
}

#map = affine_map<(d0, d1) -> (0, 0)>
module attributes {stable_mosaic.version = 14 : i64} {
  func.func @body(%arg0: i32, %arg1: i32, %arg2: memref<2560x128xi32, #tpu.memory_space<hbm>>, %arg3: memref<2560x128xi32, #tpu.memory_space<hbm>>, %arg4: memref<10000x128xi32, #tpu.memory_space<hbm>>, %arg5: memref<10000x128xi32, #tpu.memory_space<hbm>>, %arg6: memref<327680x128xi32, #tpu.memory_space<hbm>>, %arg7: memref<327680x128xi32, #tpu.memory_space<hbm>>, %arg8: memref<80x128xi32, #tpu.memory_space<vmem>>, %arg9: memref<80x128xi32, #tpu.memory_space<vmem>>, %arg10: memref<128x128xi32, #tpu.memory_space<vmem>>, %arg11: memref<128x128xi32, #tpu.memory_space<vmem>>, %arg12: memref<128x128xi32, #tpu.memory_space<vmem>>, %arg13: memref<128x128xi32, #tpu.memory_space<vmem>>, %arg14: memref<!tpu.dma_semaphore, #tpu.memory_space<semaphore_mem>>, %arg15: memref<!tpu.dma_semaphore, #tpu.memory_space<semaphore_mem>>, %arg16: memref<!tpu.dma_semaphore, #tpu.memory_space<semaphore_mem>>, %arg17: memref<!tpu.dma_semaphore, #tpu.memory_space<semaphore_mem>>, %arg18: memref<!tpu.dma_semaphore, #tpu.memory_space<semaphore_mem>>, %arg19: memref<!tpu.dma_semaphore, #tpu.memory_space<semaphore_mem>>, %arg20: memref<!tpu.dma_semaphore, #tpu.memory_space<semaphore_mem>>, %arg21: memref<!tpu.dma_semaphore, #tpu.memory_space<semaphore_mem>>) attributes {dimension_semantics = [#tpu.dimension_semantics<core_parallel>, #tpu.dimension_semantics<subcore_parallel>], iteration_bounds = array<i64: 2, 16>, scalar_prefetch = 0 : i64, scratch_operands = 14 : i64, tpu.core_type = #tpu.core_type<sc_vector_subcore>, window_params = [{transform_indices = #map}, {transform_indices = #map}, {transform_indices = #map}, {transform_indices = #map}, {transform_indices = #map}, {transform_indices = #map}]} {
    %mul3A = arith.constant 2 : i32
    %mul3A_0 = arith.muli %arg1, %mul3A : i32
    %add3A = arith.addi %mul3A_0, %arg0 : i32
    %mul3A_1 = arith.constant 80 : i32
    %mul3A_2 = arith.muli %add3A, %mul3A_1 : i32
    "tpu.region"() ({
      %run_scoped3A = tpu.sem_alloc : memref<!tpu.dma_semaphore, #tpu.memory_space<semaphore_mem>>
      %dma_start3A_59 = arith.constant 0 : i32
      %dma_start3A_60 = tpu.memref_slice %arg2[%mul3A_2, %dma_start3A_59] : memref<2560x128xi32, #tpu.memory_space<hbm>> -> memref<80x128xi32, #tpu.memory_space<hbm>>
      %dma_start3A_61 = arith.constant 0 : i32
      %dma_start3A_62 = tpu.memref_slice %arg2[%mul3A_2, %dma_start3A_61] : memref<2560x128xi32, #tpu.memory_space<hbm>> -> memref<80x128xi32, #tpu.memory_space<hbm>>
      tpu.enqueue_dma source(%dma_start3A_62 : memref<80x128xi32, #tpu.memory_space<hbm>>) target(%arg8 : memref<80x128xi32, #tpu.memory_space<vmem>>) target_semaphore(%run_scoped3A : memref<!tpu.dma_semaphore, #tpu.memory_space<semaphore_mem>>)
      %dma_wait3A_63 = arith.constant 0 : i32
      %dma_wait3A_64 = tpu.memref_slice %arg2[%mul3A_2, %dma_wait3A_63] : memref<2560x128xi32, #tpu.memory_space<hbm>> -> memref<80x128xi32, #tpu.memory_space<hbm>>
      %dma_wait3A_65 = arith.constant 0 : i32
      %dma_wait3A_66 = tpu.memref_slice %arg2[%mul3A_2, %dma_wait3A_65] : memref<2560x128xi32, #tpu.memory_space<hbm>> -> memref<80x128xi32, #tpu.memory_space<hbm>>
      tpu.wait_dma2 semaphore(%run_scoped3A : memref<!tpu.dma_semaphore, #tpu.memory_space<semaphore_mem>>) src(%dma_wait3A_66 : memref<80x128xi32, #tpu.memory_space<hbm>>) dst(%arg8 : memref<80x128xi32, #tpu.memory_space<vmem>>)
      tpu.yield
    }) : () -> ()
    "tpu.region"() ({
      %run_scoped3A = tpu.sem_alloc : memref<!tpu.dma_semaphore, #tpu.memory_space<semaphore_mem>>
      %dma_start3A_59 = arith.constant 0 : i32
      %dma_start3A_60 = tpu.memref_slice %arg3[%mul3A_2, %dma_start3A_59] : memref<2560x128xi32, #tpu.memory_space<hbm>> -> memref<80x128xi32, #tpu.memory_space<hbm>>
      %dma_start3A_61 = arith.constant 0 : i32
      %dma_start3A_62 = tpu.memref_slice %arg3[%mul3A_2, %dma_start3A_61] : memref<2560x128xi32, #tpu.memory_space<hbm>> -> memref<80x128xi32, #tpu.memory_space<hbm>>
      tpu.enqueue_dma source(%dma_start3A_62 : memref<80x128xi32, #tpu.memory_space<hbm>>) target(%arg9 : memref<80x128xi32, #tpu.memory_space<vmem>>) target_semaphore(%run_scoped3A : memref<!tpu.dma_semaphore, #tpu.memory_space<semaphore_mem>>)
      %dma_wait3A_63 = arith.constant 0 : i32
      %dma_wait3A_64 = tpu.memref_slice %arg3[%mul3A_2, %dma_wait3A_63] : memref<2560x128xi32, #tpu.memory_space<hbm>> -> memref<80x128xi32, #tpu.memory_space<hbm>>
      %dma_wait3A_65 = arith.constant 0 : i32
      %dma_wait3A_66 = tpu.memref_slice %arg3[%mul3A_2, %dma_wait3A_65] : memref<2560x128xi32, #tpu.memory_space<hbm>> -> memref<80x128xi32, #tpu.memory_space<hbm>>
      tpu.wait_dma2 semaphore(%run_scoped3A : memref<!tpu.dma_semaphore, #tpu.memory_space<semaphore_mem>>) src(%dma_wait3A_66 : memref<80x128xi32, #tpu.memory_space<hbm>>) dst(%arg9 : memref<80x128xi32, #tpu.memory_space<vmem>>)
      tpu.yield
    }) : () -> ()
    %dma_start3A = arith.constant 0 : i32
    %dma_start3A_3 = arith.constant 0 : i32
    %dma_start3A_4 = tpu.memref_slice %arg8[%dma_start3A, %dma_start3A_3] : memref<80x128xi32, #tpu.memory_space<vmem>> -> memref<1x128xi32, #tpu.memory_space<vmem>>
    %dma_start3A_5 = tpu.memref_squeeze %dma_start3A_4 : memref<1x128xi32, #tpu.memory_space<vmem>> -> memref<128xi32, #tpu.memory_space<vmem>>
    %dma_start3A_6 = arith.constant 0 : i32
    %dma_start3A_7 = arith.constant 0 : i32
    %dma_start3A_8 = tpu.memref_slice %arg4[%dma_start3A_6, %dma_start3A_7] : memref<10000x128xi32, #tpu.memory_space<hbm>> -> memref<10000x128xi32, #tpu.memory_space<hbm>>
    tpu.enqueue_indirect_dma source(%dma_start3A_8 : memref<10000x128xi32, #tpu.memory_space<hbm>>) target(%arg10 : memref<128x128xi32, #tpu.memory_space<vmem>>) offsets(%dma_start3A_5 : memref<128xi32, #tpu.memory_space<vmem>>) semaphore(%arg14 : memref<!tpu.dma_semaphore, #tpu.memory_space<semaphore_mem>>)
    %dma_start3A_9 = arith.constant 0 : i32
    %dma_start3A_10 = arith.constant 0 : i32
    %dma_start3A_11 = tpu.memref_slice %arg9[%dma_start3A_9, %dma_start3A_10] : memref<80x128xi32, #tpu.memory_space<vmem>> -> memref<1x128xi32, #tpu.memory_space<vmem>>
    %dma_start3A_12 = tpu.memref_squeeze %dma_start3A_11 : memref<1x128xi32, #tpu.memory_space<vmem>> -> memref<128xi32, #tpu.memory_space<vmem>>
    %dma_start3A_13 = arith.constant 0 : i32
    %dma_start3A_14 = arith.constant 0 : i32
    %dma_start3A_15 = tpu.memref_slice %arg5[%dma_start3A_13, %dma_start3A_14] : memref<10000x128xi32, #tpu.memory_space<hbm>> -> memref<10000x128xi32, #tpu.memory_space<hbm>>
    tpu.enqueue_indirect_dma source(%dma_start3A_15 : memref<10000x128xi32, #tpu.memory_space<hbm>>) target(%arg12 : memref<128x128xi32, #tpu.memory_space<vmem>>) offsets(%dma_start3A_12 : memref<128xi32, #tpu.memory_space<vmem>>) semaphore(%arg16 : memref<!tpu.dma_semaphore, #tpu.memory_space<semaphore_mem>>)
    %dma_start3A_16 = arith.constant 1 : i32
    %dma_start3A_17 = arith.constant 0 : i32
    %dma_start3A_18 = tpu.memref_slice %arg8[%dma_start3A_16, %dma_start3A_17] : memref<80x128xi32, #tpu.memory_space<vmem>> -> memref<1x128xi32, #tpu.memory_space<vmem>>
    %dma_start3A_19 = tpu.memref_squeeze %dma_start3A_18 : memref<1x128xi32, #tpu.memory_space<vmem>> -> memref<128xi32, #tpu.memory_space<vmem>>
    %dma_start3A_20 = arith.constant 0 : i32
    %dma_start3A_21 = arith.constant 0 : i32
    %dma_start3A_22 = tpu.memref_slice %arg4[%dma_start3A_20, %dma_start3A_21] : memref<10000x128xi32, #tpu.memory_space<hbm>> -> memref<10000x128xi32, #tpu.memory_space<hbm>>
    tpu.enqueue_indirect_dma source(%dma_start3A_22 : memref<10000x128xi32, #tpu.memory_space<hbm>>) target(%arg11 : memref<128x128xi32, #tpu.memory_space<vmem>>) offsets(%dma_start3A_19 : memref<128xi32, #tpu.memory_space<vmem>>) semaphore(%arg15 : memref<!tpu.dma_semaphore, #tpu.memory_space<semaphore_mem>>)
    %dma_start3A_23 = arith.constant 1 : i32
    %dma_start3A_24 = arith.constant 0 : i32
    %dma_start3A_25 = tpu.memref_slice %arg9[%dma_start3A_23, %dma_start3A_24] : memref<80x128xi32, #tpu.memory_space<vmem>> -> memref<1x128xi32, #tpu.memory_space<vmem>>
    %dma_start3A_26 = tpu.memref_squeeze %dma_start3A_25 : memref<1x128xi32, #tpu.memory_space<vmem>> -> memref<128xi32, #tpu.memory_space<vmem>>
    %dma_start3A_27 = arith.constant 0 : i32
    %dma_start3A_28 = arith.constant 0 : i32
    %dma_start3A_29 = tpu.memref_slice %arg5[%dma_start3A_27, %dma_start3A_28] : memref<10000x128xi32, #tpu.memory_space<hbm>> -> memref<10000x128xi32, #tpu.memory_space<hbm>>
    tpu.enqueue_indirect_dma source(%dma_start3A_29 : memref<10000x128xi32, #tpu.memory_space<hbm>>) target(%arg13 : memref<128x128xi32, #tpu.memory_space<vmem>>) offsets(%dma_start3A_26 : memref<128xi32, #tpu.memory_space<vmem>>) semaphore(%arg17 : memref<!tpu.dma_semaphore, #tpu.memory_space<semaphore_mem>>)
    %scan3A = arith.constant 0 : i32
    %scan3A_30 = arith.constant 0 : i32
    %scan3A_31 = arith.constant 40 : i32
    %scan3A_32 = arith.addi %scan3A_30, %scan3A_31 : i32
    %scan3A_33 = arith.constant 1 : i32
    %scan3A_34 = scf.for %scan3A_59 = %scan3A_30 to %scan3A_32 step %scan3A_33 iter_args(%scan3A_60 = %scan3A) -> (i32)  : i32 {
      %mul3A_61 = arith.constant 2 : i32
      %mul3A_62 = arith.muli %scan3A_59, %mul3A_61 : i32
      %add3A_63 = arith.constant 0 : i32
      %add3A_64 = arith.addi %mul3A_62, %add3A_63 : i32
      %dma_wait3A_65 = arith.constant 0 : i32
      %dma_wait3A_66 = arith.constant 0 : i32
      %dma_wait3A_67 = tpu.memref_slice %arg8[%dma_wait3A_65, %dma_wait3A_66] : memref<80x128xi32, #tpu.memory_space<vmem>> -> memref<1x128xi32, #tpu.memory_space<vmem>>
      %dma_wait3A_68 = tpu.memref_squeeze %dma_wait3A_67 : memref<1x128xi32, #tpu.memory_space<vmem>> -> memref<128xi32, #tpu.memory_space<vmem>>
      %dma_wait3A_69 = arith.constant 0 : i32
      %dma_wait3A_70 = arith.constant 0 : i32
      %dma_wait3A_71 = tpu.memref_slice %arg4[%dma_wait3A_69, %dma_wait3A_70] : memref<10000x128xi32, #tpu.memory_space<hbm>> -> memref<10000x128xi32, #tpu.memory_space<hbm>>
      tpu.wait_indirect_dma semaphore(%arg14 : memref<!tpu.dma_semaphore, #tpu.memory_space<semaphore_mem>>) src(%dma_wait3A_71 : memref<10000x128xi32, #tpu.memory_space<hbm>>) dst(%arg10 : memref<128x128xi32, #tpu.memory_space<vmem>>)
      %add3A_72 = arith.addi %mul3A_2, %add3A_64 : i32
      %mul3A_73 = arith.constant 128 : i32
      %mul3A_74 = arith.muli %add3A_72, %mul3A_73 : i32
      %dma_start3A_75 = arith.constant 0 : i32
      %dma_start3A_76 = tpu.memref_slice %arg6[%mul3A_74, %dma_start3A_75] : memref<327680x128xi32, #tpu.memory_space<hbm>> -> memref<128x128xi32, #tpu.memory_space<hbm>>
      %dma_start3A_77 = arith.constant 0 : i32
      %dma_start3A_78 = tpu.memref_slice %arg6[%mul3A_74, %dma_start3A_77] : memref<327680x128xi32, #tpu.memory_space<hbm>> -> memref<128x128xi32, #tpu.memory_space<hbm>>
      tpu.enqueue_dma source(%arg10 : memref<128x128xi32, #tpu.memory_space<vmem>>) target(%dma_start3A_78 : memref<128x128xi32, #tpu.memory_space<hbm>>) target_semaphore(%arg18 : memref<!tpu.dma_semaphore, #tpu.memory_space<semaphore_mem>>)
      %dma_wait3A_79 = arith.constant 0 : i32
      %dma_wait3A_80 = arith.constant 0 : i32
      %dma_wait3A_81 = tpu.memref_slice %arg9[%dma_wait3A_79, %dma_wait3A_80] : memref<80x128xi32, #tpu.memory_space<vmem>> -> memref<1x128xi32, #tpu.memory_space<vmem>>
      %dma_wait3A_82 = tpu.memref_squeeze %dma_wait3A_81 : memref<1x128xi32, #tpu.memory_space<vmem>> -> memref<128xi32, #tpu.memory_space<vmem>>
      %dma_wait3A_83 = arith.constant 0 : i32
      %dma_wait3A_84 = arith.constant 0 : i32
      %dma_wait3A_85 = tpu.memref_slice %arg5[%dma_wait3A_83, %dma_wait3A_84] : memref<10000x128xi32, #tpu.memory_space<hbm>> -> memref<10000x128xi32, #tpu.memory_space<hbm>>
      tpu.wait_indirect_dma semaphore(%arg16 : memref<!tpu.dma_semaphore, #tpu.memory_space<semaphore_mem>>) src(%dma_wait3A_85 : memref<10000x128xi32, #tpu.memory_space<hbm>>) dst(%arg12 : memref<128x128xi32, #tpu.memory_space<vmem>>)
      %add3A_86 = arith.addi %mul3A_2, %add3A_64 : i32
      %mul3A_87 = arith.constant 128 : i32
      %mul3A_88 = arith.muli %add3A_86, %mul3A_87 : i32
      %dma_start3A_89 = arith.constant 0 : i32
      %dma_start3A_90 = tpu.memref_slice %arg7[%mul3A_88, %dma_start3A_89] : memref<327680x128xi32, #tpu.memory_space<hbm>> -> memref<128x128xi32, #tpu.memory_space<hbm>>
      %dma_start3A_91 = arith.constant 0 : i32
      %dma_start3A_92 = tpu.memref_slice %arg7[%mul3A_88, %dma_start3A_91] : memref<327680x128xi32, #tpu.memory_space<hbm>> -> memref<128x128xi32, #tpu.memory_space<hbm>>
      tpu.enqueue_dma source(%arg12 : memref<128x128xi32, #tpu.memory_space<vmem>>) target(%dma_start3A_92 : memref<128x128xi32, #tpu.memory_space<hbm>>) target_semaphore(%arg20 : memref<!tpu.dma_semaphore, #tpu.memory_space<semaphore_mem>>)
      %add3A_93 = arith.constant 2 : i32
      %add3A_94 = arith.addi %add3A_64, %add3A_93 : i32
      %lt3A = arith.constant 80 : i32
      %lt3A_95 = arith.cmpi slt, %add3A_94, %lt3A : i32
      %convert_element_type3A = arith.extui %lt3A_95 : i1 to i32
      %cond3A = arith.constant 0 : i32
      %cond3A_96 = arith.cmpi ne, %convert_element_type3A, %cond3A : i32
      scf.if %cond3A_96 {
        %dma_wait3A_137 = arith.constant 0 : i32
        %dma_wait3A_138 = arith.constant 0 : i32
        %dma_wait3A_139 = tpu.memref_slice %arg6[%dma_wait3A_137, %dma_wait3A_138] : memref<327680x128xi32, #tpu.memory_space<hbm>> -> memref<128x128xi32, #tpu.memory_space<hbm>>
        %dma_wait3A_140 = arith.constant 0 : i32
        %dma_wait3A_141 = arith.constant 0 : i32
        %dma_wait3A_142 = tpu.memref_slice %arg6[%dma_wait3A_140, %dma_wait3A_141] : memref<327680x128xi32, #tpu.memory_space<hbm>> -> memref<128x128xi32, #tpu.memory_space<hbm>>
        tpu.wait_dma2 semaphore(%arg18 : memref<!tpu.dma_semaphore, #tpu.memory_space<semaphore_mem>>) src(%arg10 : memref<128x128xi32, #tpu.memory_space<vmem>>) dst(%dma_wait3A_142 : memref<128x128xi32, #tpu.memory_space<hbm>>)
        %add3A_143 = arith.constant 2 : i32
        %add3A_144 = arith.addi %add3A_64, %add3A_143 : i32
        %dma_start3A_145 = arith.constant 0 : i32
        %dma_start3A_146 = tpu.memref_slice %arg8[%add3A_144, %dma_start3A_145] : memref<80x128xi32, #tpu.memory_space<vmem>> -> memref<1x128xi32, #tpu.memory_space<vmem>>
        %dma_start3A_147 = tpu.memref_squeeze %dma_start3A_146 : memref<1x128xi32, #tpu.memory_space<vmem>> -> memref<128xi32, #tpu.memory_space<vmem>>
        %dma_start3A_148 = arith.constant 0 : i32
        %dma_start3A_149 = arith.constant 0 : i32
        %dma_start3A_150 = tpu.memref_slice %arg4[%dma_start3A_148, %dma_start3A_149] : memref<10000x128xi32, #tpu.memory_space<hbm>> -> memref<10000x128xi32, #tpu.memory_space<hbm>>
        tpu.enqueue_indirect_dma source(%dma_start3A_150 : memref<10000x128xi32, #tpu.memory_space<hbm>>) target(%arg10 : memref<128x128xi32, #tpu.memory_space<vmem>>) offsets(%dma_start3A_147 : memref<128xi32, #tpu.memory_space<vmem>>) semaphore(%arg14 : memref<!tpu.dma_semaphore, #tpu.memory_space<semaphore_mem>>)
        %dma_wait3A_151 = arith.constant 0 : i32
        %dma_wait3A_152 = arith.constant 0 : i32
        %dma_wait3A_153 = tpu.memref_slice %arg7[%dma_wait3A_151, %dma_wait3A_152] : memref<327680x128xi32, #tpu.memory_space<hbm>> -> memref<128x128xi32, #tpu.memory_space<hbm>>
        %dma_wait3A_154 = arith.constant 0 : i32
        %dma_wait3A_155 = arith.constant 0 : i32
        %dma_wait3A_156 = tpu.memref_slice %arg7[%dma_wait3A_154, %dma_wait3A_155] : memref<327680x128xi32, #tpu.memory_space<hbm>> -> memref<128x128xi32, #tpu.memory_space<hbm>>
        tpu.wait_dma2 semaphore(%arg20 : memref<!tpu.dma_semaphore, #tpu.memory_space<semaphore_mem>>) src(%arg12 : memref<128x128xi32, #tpu.memory_space<vmem>>) dst(%dma_wait3A_156 : memref<128x128xi32, #tpu.memory_space<hbm>>)
        %add3A_157 = arith.constant 2 : i32
        %add3A_158 = arith.addi %add3A_64, %add3A_157 : i32
        %dma_start3A_159 = arith.constant 0 : i32
        %dma_start3A_160 = tpu.memref_slice %arg9[%add3A_158, %dma_start3A_159] : memref<80x128xi32, #tpu.memory_space<vmem>> -> memref<1x128xi32, #tpu.memory_space<vmem>>
        %dma_start3A_161 = tpu.memref_squeeze %dma_start3A_160 : memref<1x128xi32, #tpu.memory_space<vmem>> -> memref<128xi32, #tpu.memory_space<vmem>>
        %dma_start3A_162 = arith.constant 0 : i32
        %dma_start3A_163 = arith.constant 0 : i32
        %dma_start3A_164 = tpu.memref_slice %arg5[%dma_start3A_162, %dma_start3A_163] : memref<10000x128xi32, #tpu.memory_space<hbm>> -> memref<10000x128xi32, #tpu.memory_space<hbm>>
        tpu.enqueue_indirect_dma source(%dma_start3A_164 : memref<10000x128xi32, #tpu.memory_space<hbm>>) target(%arg12 : memref<128x128xi32, #tpu.memory_space<vmem>>) offsets(%dma_start3A_161 : memref<128xi32, #tpu.memory_space<vmem>>) semaphore(%arg16 : memref<!tpu.dma_semaphore, #tpu.memory_space<semaphore_mem>>)
      } else {
      }
      %mul3A_97 = arith.constant 2 : i32
      %mul3A_98 = arith.muli %scan3A_59, %mul3A_97 : i32
      %add3A_99 = arith.constant 1 : i32
      %add3A_100 = arith.addi %mul3A_98, %add3A_99 : i32
      %dma_wait3A_101 = arith.constant 0 : i32
      %dma_wait3A_102 = arith.constant 0 : i32
      %dma_wait3A_103 = tpu.memref_slice %arg8[%dma_wait3A_101, %dma_wait3A_102] : memref<80x128xi32, #tpu.memory_space<vmem>> -> memref<1x128xi32, #tpu.memory_space<vmem>>
      %dma_wait3A_104 = tpu.memref_squeeze %dma_wait3A_103 : memref<1x128xi32, #tpu.memory_space<vmem>> -> memref<128xi32, #tpu.memory_space<vmem>>
      %dma_wait3A_105 = arith.constant 0 : i32
      %dma_wait3A_106 = arith.constant 0 : i32
      %dma_wait3A_107 = tpu.memref_slice %arg4[%dma_wait3A_105, %dma_wait3A_106] : memref<10000x128xi32, #tpu.memory_space<hbm>> -> memref<10000x128xi32, #tpu.memory_space<hbm>>
      tpu.wait_indirect_dma semaphore(%arg15 : memref<!tpu.dma_semaphore, #tpu.memory_space<semaphore_mem>>) src(%dma_wait3A_107 : memref<10000x128xi32, #tpu.memory_space<hbm>>) dst(%arg11 : memref<128x128xi32, #tpu.memory_space<vmem>>)
      %add3A_108 = arith.addi %mul3A_2, %add3A_100 : i32
      %mul3A_109 = arith.constant 128 : i32
      %mul3A_110 = arith.muli %add3A_108, %mul3A_109 : i32
      %dma_start3A_111 = arith.constant 0 : i32
      %dma_start3A_112 = tpu.memref_slice %arg6[%mul3A_110, %dma_start3A_111] : memref<327680x128xi32, #tpu.memory_space<hbm>> -> memref<128x128xi32, #tpu.memory_space<hbm>>
      %dma_start3A_113 = arith.constant 0 : i32
      %dma_start3A_114 = tpu.memref_slice %arg6[%mul3A_110, %dma_start3A_113] : memref<327680x128xi32, #tpu.memory_space<hbm>> -> memref<128x128xi32, #tpu.memory_space<hbm>>
      tpu.enqueue_dma source(%arg11 : memref<128x128xi32, #tpu.memory_space<vmem>>) target(%dma_start3A_114 : memref<128x128xi32, #tpu.memory_space<hbm>>) target_semaphore(%arg19 : memref<!tpu.dma_semaphore, #tpu.memory_space<semaphore_mem>>)
      %dma_wait3A_115 = arith.constant 0 : i32
      %dma_wait3A_116 = arith.constant 0 : i32
      %dma_wait3A_117 = tpu.memref_slice %arg9[%dma_wait3A_115, %dma_wait3A_116] : memref<80x128xi32, #tpu.memory_space<vmem>> -> memref<1x128xi32, #tpu.memory_space<vmem>>
      %dma_wait3A_118 = tpu.memref_squeeze %dma_wait3A_117 : memref<1x128xi32, #tpu.memory_space<vmem>> -> memref<128xi32, #tpu.memory_space<vmem>>
      %dma_wait3A_119 = arith.constant 0 : i32
      %dma_wait3A_120 = arith.constant 0 : i32
      %dma_wait3A_121 = tpu.memref_slice %arg5[%dma_wait3A_119, %dma_wait3A_120] : memref<10000x128xi32, #tpu.memory_space<hbm>> -> memref<10000x128xi32, #tpu.memory_space<hbm>>
      tpu.wait_indirect_dma semaphore(%arg17 : memref<!tpu.dma_semaphore, #tpu.memory_space<semaphore_mem>>) src(%dma_wait3A_121 : memref<10000x128xi32, #tpu.memory_space<hbm>>) dst(%arg13 : memref<128x128xi32, #tpu.memory_space<vmem>>)
      %add3A_122 = arith.addi %mul3A_2, %add3A_100 : i32
      %mul3A_123 = arith.constant 128 : i32
      %mul3A_124 = arith.muli %add3A_122, %mul3A_123 : i32
      %dma_start3A_125 = arith.constant 0 : i32
      %dma_start3A_126 = tpu.memref_slice %arg7[%mul3A_124, %dma_start3A_125] : memref<327680x128xi32, #tpu.memory_space<hbm>> -> memref<128x128xi32, #tpu.memory_space<hbm>>
      %dma_start3A_127 = arith.constant 0 : i32
      %dma_start3A_128 = tpu.memref_slice %arg7[%mul3A_124, %dma_start3A_127] : memref<327680x128xi32, #tpu.memory_space<hbm>> -> memref<128x128xi32, #tpu.memory_space<hbm>>
      tpu.enqueue_dma source(%arg13 : memref<128x128xi32, #tpu.memory_space<vmem>>) target(%dma_start3A_128 : memref<128x128xi32, #tpu.memory_space<hbm>>) target_semaphore(%arg21 : memref<!tpu.dma_semaphore, #tpu.memory_space<semaphore_mem>>)
      %add3A_129 = arith.constant 2 : i32
      %add3A_130 = arith.addi %add3A_100, %add3A_129 : i32
      %lt3A_131 = arith.constant 80 : i32
      %lt3A_132 = arith.cmpi slt, %add3A_130, %lt3A_131 : i32
      %convert_element_type3A_133 = arith.extui %lt3A_132 : i1 to i32
      %cond3A_134 = arith.constant 0 : i32
      %cond3A_135 = arith.cmpi ne, %convert_element_type3A_133, %cond3A_134 : i32
      scf.if %cond3A_135 {
        %dma_wait3A_137 = arith.constant 0 : i32
        %dma_wait3A_138 = arith.constant 0 : i32
        %dma_wait3A_139 = tpu.memref_slice %arg6[%dma_wait3A_137, %dma_wait3A_138] : memref<327680x128xi32, #tpu.memory_space<hbm>> -> memref<128x128xi32, #tpu.memory_space<hbm>>
        %dma_wait3A_140 = arith.constant 0 : i32
        %dma_wait3A_141 = arith.constant 0 : i32
        %dma_wait3A_142 = tpu.memref_slice %arg6[%dma_wait3A_140, %dma_wait3A_141] : memref<327680x128xi32, #tpu.memory_space<hbm>> -> memref<128x128xi32, #tpu.memory_space<hbm>>
        tpu.wait_dma2 semaphore(%arg19 : memref<!tpu.dma_semaphore, #tpu.memory_space<semaphore_mem>>) src(%arg11 : memref<128x128xi32, #tpu.memory_space<vmem>>) dst(%dma_wait3A_142 : memref<128x128xi32, #tpu.memory_space<hbm>>)
        %add3A_143 = arith.constant 2 : i32
        %add3A_144 = arith.addi %add3A_100, %add3A_143 : i32
        %dma_start3A_145 = arith.constant 0 : i32
        %dma_start3A_146 = tpu.memref_slice %arg8[%add3A_144, %dma_start3A_145] : memref<80x128xi32, #tpu.memory_space<vmem>> -> memref<1x128xi32, #tpu.memory_space<vmem>>
        %dma_start3A_147 = tpu.memref_squeeze %dma_start3A_146 : memref<1x128xi32, #tpu.memory_space<vmem>> -> memref<128xi32, #tpu.memory_space<vmem>>
        %dma_start3A_148 = arith.constant 0 : i32
        %dma_start3A_149 = arith.constant 0 : i32
        %dma_start3A_150 = tpu.memref_slice %arg4[%dma_start3A_148, %dma_start3A_149] : memref<10000x128xi32, #tpu.memory_space<hbm>> -> memref<10000x128xi32, #tpu.memory_space<hbm>>
        tpu.enqueue_indirect_dma source(%dma_start3A_150 : memref<10000x128xi32, #tpu.memory_space<hbm>>) target(%arg11 : memref<128x128xi32, #tpu.memory_space<vmem>>) offsets(%dma_start3A_147 : memref<128xi32, #tpu.memory_space<vmem>>) semaphore(%arg15 : memref<!tpu.dma_semaphore, #tpu.memory_space<semaphore_mem>>)
        %dma_wait3A_151 = arith.constant 0 : i32
        %dma_wait3A_152 = arith.constant 0 : i32
        %dma_wait3A_153 = tpu.memref_slice %arg7[%dma_wait3A_151, %dma_wait3A_152] : memref<327680x128xi32, #tpu.memory_space<hbm>> -> memref<128x128xi32, #tpu.memory_space<hbm>>
        %dma_wait3A_154 = arith.constant 0 : i32
        %dma_wait3A_155 = arith.constant 0 : i32
        %dma_wait3A_156 = tpu.memref_slice %arg7[%dma_wait3A_154, %dma_wait3A_155] : memref<327680x128xi32, #tpu.memory_space<hbm>> -> memref<128x128xi32, #tpu.memory_space<hbm>>
        tpu.wait_dma2 semaphore(%arg21 : memref<!tpu.dma_semaphore, #tpu.memory_space<semaphore_mem>>) src(%arg13 : memref<128x128xi32, #tpu.memory_space<vmem>>) dst(%dma_wait3A_156 : memref<128x128xi32, #tpu.memory_space<hbm>>)
        %add3A_157 = arith.constant 2 : i32
        %add3A_158 = arith.addi %add3A_100, %add3A_157 : i32
        %dma_start3A_159 = arith.constant 0 : i32
        %dma_start3A_160 = tpu.memref_slice %arg9[%add3A_158, %dma_start3A_159] : memref<80x128xi32, #tpu.memory_space<vmem>> -> memref<1x128xi32, #tpu.memory_space<vmem>>
        %dma_start3A_161 = tpu.memref_squeeze %dma_start3A_160 : memref<1x128xi32, #tpu.memory_space<vmem>> -> memref<128xi32, #tpu.memory_space<vmem>>
        %dma_start3A_162 = arith.constant 0 : i32
        %dma_start3A_163 = arith.constant 0 : i32
        %dma_start3A_164 = tpu.memref_slice %arg5[%dma_start3A_162, %dma_start3A_163] : memref<10000x128xi32, #tpu.memory_space<hbm>> -> memref<10000x128xi32, #tpu.memory_space<hbm>>
        tpu.enqueue_indirect_dma source(%dma_start3A_164 : memref<10000x128xi32, #tpu.memory_space<hbm>>) target(%arg13 : memref<128x128xi32, #tpu.memory_space<vmem>>) offsets(%dma_start3A_161 : memref<128xi32, #tpu.memory_space<vmem>>) semaphore(%arg17 : memref<!tpu.dma_semaphore, #tpu.memory_space<semaphore_mem>>)
      } else {
      }
      %scan3A_136 = arith.constant 0 : i32
      scf.yield %scan3A_136 : i32
    }
    %scan3A_35 = arith.constant 40 : i32
    %dma_wait3A = arith.constant 0 : i32
    %dma_wait3A_36 = arith.constant 0 : i32
    %dma_wait3A_37 = tpu.memref_slice %arg6[%dma_wait3A, %dma_wait3A_36] : memref<327680x128xi32, #tpu.memory_space<hbm>> -> memref<128x128xi32, #tpu.memory_space<hbm>>
    %dma_wait3A_38 = arith.constant 0 : i32
    %dma_wait3A_39 = arith.constant 0 : i32
    %dma_wait3A_40 = tpu.memref_slice %arg6[%dma_wait3A_38, %dma_wait3A_39] : memref<327680x128xi32, #tpu.memory_space<hbm>> -> memref<128x128xi32, #tpu.memory_space<hbm>>
    tpu.wait_dma2 semaphore(%arg18 : memref<!tpu.dma_semaphore, #tpu.memory_space<semaphore_mem>>) src(%arg10 : memref<128x128xi32, #tpu.memory_space<vmem>>) dst(%dma_wait3A_40 : memref<128x128xi32, #tpu.memory_space<hbm>>)
    %dma_wait3A_41 = arith.constant 0 : i32
    %dma_wait3A_42 = arith.constant 0 : i32
    %dma_wait3A_43 = tpu.memref_slice %arg7[%dma_wait3A_41, %dma_wait3A_42] : memref<327680x128xi32, #tpu.memory_space<hbm>> -> memref<128x128xi32, #tpu.memory_space<hbm>>
    %dma_wait3A_44 = arith.constant 0 : i32
    %dma_wait3A_45 = arith.constant 0 : i32
    %dma_wait3A_46 = tpu.memref_slice %arg7[%dma_wait3A_44, %dma_wait3A_45] : memref<327680x128xi32, #tpu.memory_space<hbm>> -> memref<128x128xi32, #tpu.memory_space<hbm>>
    tpu.wait_dma2 semaphore(%arg20 : memref<!tpu.dma_semaphore, #tpu.memory_space<semaphore_mem>>) src(%arg12 : memref<128x128xi32, #tpu.memory_space<vmem>>) dst(%dma_wait3A_46 : memref<128x128xi32, #tpu.memory_space<hbm>>)
    %dma_wait3A_47 = arith.constant 0 : i32
    %dma_wait3A_48 = arith.constant 0 : i32
    %dma_wait3A_49 = tpu.memref_slice %arg6[%dma_wait3A_47, %dma_wait3A_48] : memref<327680x128xi32, #tpu.memory_space<hbm>> -> memref<128x128xi32, #tpu.memory_space<hbm>>
    %dma_wait3A_50 = arith.constant 0 : i32
    %dma_wait3A_51 = arith.constant 0 : i32
    %dma_wait3A_52 = tpu.memref_slice %arg6[%dma_wait3A_50, %dma_wait3A_51] : memref<327680x128xi32, #tpu.memory_space<hbm>> -> memref<128x128xi32, #tpu.memory_space<hbm>>
    tpu.wait_dma2 semaphore(%arg19 : memref<!tpu.dma_semaphore, #tpu.memory_space<semaphore_mem>>) src(%arg11 : memref<128x128xi32, #tpu.memory_space<vmem>>) dst(%dma_wait3A_52 : memref<128x128xi32, #tpu.memory_space<hbm>>)
    %dma_wait3A_53 = arith.constant 0 : i32
    %dma_wait3A_54 = arith.constant 0 : i32
    %dma_wait3A_55 = tpu.memref_slice %arg7[%dma_wait3A_53, %dma_wait3A_54] : memref<327680x128xi32, #tpu.memory_space<hbm>> -> memref<128x128xi32, #tpu.memory_space<hbm>>
    %dma_wait3A_56 = arith.constant 0 : i32
    %dma_wait3A_57 = arith.constant 0 : i32
    %dma_wait3A_58 = tpu.memref_slice %arg7[%dma_wait3A_56, %dma_wait3A_57] : memref<327680x128xi32, #tpu.memory_space<hbm>> -> memref<128x128xi32, #tpu.memory_space<hbm>>
    tpu.wait_dma2 semaphore(%arg21 : memref<!tpu.dma_semaphore, #tpu.memory_space<semaphore_mem>>) src(%arg13 : memref<128x128xi32, #tpu.memory_space<vmem>>) dst(%dma_wait3A_58 : memref<128x128xi32, #tpu.memory_space<hbm>>)
    return
  }
}

module attributes {stable_mosaic.version = 14 : i64} {
  func.func @body(%arg0: i32, %arg1: memref<1000x128xf32, #tpu.memory_space<vmem>>, %arg2: memref<128x256xf32, #tpu.memory_space<vmem>>, %arg3: memref<1x256xf32, #tpu.memory_space<vmem>>, %arg4: memref<1000x128xf32, #tpu.memory_space<vmem>>, %arg5: memref<1000x128xf32, #tpu.memory_space<vmem>>) attributes {dimension_semantics = [#tpu.dimension_semantics<arbitrary>], iteration_bounds = array<i64: 10>, scalar_prefetch = 0 : i64, scratch_operands = 0 : i64, tpu.core_type = #tpu.core_type<tc>, window_params = [{transform_indices = @transform_0, window_bounds = array<i64: 1000, 128>}, {pipeline_mode = #tpu.pipeline_mode<synchronous>, transform_indices = @transform_1, window_bounds = array<i64: 128, 256>}, {pipeline_mode = #tpu.pipeline_mode<synchronous>, transform_indices = @transform_2, window_bounds = array<i64: 1, 256>}, {transform_indices = @transform_3, window_bounds = array<i64: 1000, 128>}, {transform_indices = @transform_4, window_bounds = array<i64: 1000, 128>}]} {
    %get3A = arith.constant 0 : index
    %get3A_0 = arith.constant 0 : index
    %get3A_1 = vector.load %arg1[%get3A, %get3A_0] : memref<1000x128xf32, #tpu.memory_space<vmem>>, vector<1000x128xf32>
    %get3A_2 = arith.constant 0 : index
    %get3A_3 = arith.constant 0 : index
    %get3A_4 = vector.load %arg2[%get3A_2, %get3A_3] : memref<128x256xf32, #tpu.memory_space<vmem>>, vector<128x256xf32>
    %dot_general3A = arith.constant dense<0.000000e+00> : vector<1000x256xf32>
    %dot_general3A_5 = tpu.matmul %get3A_1, %get3A_4, %dot_general3A {dimension_numbers = #tpu.dot_dimension_numbers<[1], [0], [0], [1], [0, 0, 1, 1], [], []>, transpose_lhs_hint = false} : vector<1000x128xf32>, vector<128x256xf32>, vector<1000x256xf32> -> vector<1000x256xf32>
    %get3A_6 = arith.constant 0 : index
    %get3A_7 = arith.constant 0 : index
    %get3A_8 = vector.load %arg3[%get3A_6, %get3A_7] : memref<1x256xf32, #tpu.memory_space<vmem>>, vector<1x256xf32>
    %add3A = vector.broadcast %get3A_8 : vector<1x256xf32> to vector<1000x256xf32>
    %add3A_9 = arith.addf %dot_general3A_5, %add3A : vector<1000x256xf32>
    %slice3A = vector.extract_strided_slice %add3A_9 {offsets = [0, 0], sizes = [1000, 128], strides = [1, 1]} : vector<1000x256xf32> to vector<1000x128xf32>
    %swap3A = arith.constant 0 : index
    %swap3A_10 = arith.constant 0 : index
    %swap3A_11 = vector.load %arg4[%swap3A, %swap3A_10] : memref<1000x128xf32, #tpu.memory_space<vmem>>, vector<1000x128xf32>
    tpu.vector_store %arg4[%swap3A, %swap3A_10], %slice3A {strides = array<i32>} : memref<1000x128xf32, #tpu.memory_space<vmem>>, vector<1000x128xf32>,
    %slice3A_12 = vector.extract_strided_slice %add3A_9 {offsets = [0, 128], sizes = [1000, 128], strides = [1, 1]} : vector<1000x256xf32> to vector<1000x128xf32>
    %swap3A_13 = arith.constant 0 : index
    %swap3A_14 = arith.constant 0 : index
    %swap3A_15 = vector.load %arg5[%swap3A_13, %swap3A_14] : memref<1000x128xf32, #tpu.memory_space<vmem>>, vector<1000x128xf32>
    tpu.vector_store %arg5[%swap3A_13, %swap3A_14], %slice3A_12 {strides = array<i32>} : memref<1000x128xf32, #tpu.memory_space<vmem>>, vector<1000x128xf32>,
    return
  }
  func.func @transform_0(%arg0: i32) -> (i32, i32) {
    %c0_i32 = arith.constant 0 : i32
    %c0_i32_0 = arith.constant 0 : i32
    return %arg0, %c0_i32 : i32, i32
  }
  func.func @transform_1(%arg0: i32) -> (i32, i32) {
    %c0_i32 = arith.constant 0 : i32
    %c0_i32_0 = arith.constant 0 : i32
    %c0_i32_1 = arith.constant 0 : i32
    return %c0_i32, %c0_i32_0 : i32, i32
  }
  func.func @transform_2(%arg0: i32) -> (i32, i32) {
    %c0_i32 = arith.constant 0 : i32
    %c0_i32_0 = arith.constant 0 : i32
    %c0_i32_1 = arith.constant 0 : i32
    return %c0_i32, %c0_i32_0 : i32, i32
  }
  func.func @transform_3(%arg0: i32) -> (i32, i32) {
    %c0_i32 = arith.constant 0 : i32
    %c0_i32_0 = arith.constant 0 : i32
    return %arg0, %c0_i32 : i32, i32
  }
  func.func @transform_4(%arg0: i32) -> (i32, i32) {
    %c0_i32 = arith.constant 0 : i32
    %c0_i32_0 = arith.constant 0 : i32
    return %arg0, %c0_i32 : i32, i32
  }
}

module attributes {stable_mosaic.version = 14 : i64} {
  func.func @body(%arg0: i32, %arg1: memref<1000x128xf32, #tpu.memory_space<vmem>>, %arg2: memref<1000x128xf32, #tpu.memory_space<vmem>>, %arg3: memref<1000x128xf32, #tpu.memory_space<vmem>>, %arg4: memref<1000x128xf32, #tpu.memory_space<vmem>>, %arg5: memref<1000x1xf32, #tpu.memory_space<vmem>>, %arg6: memref<256x256xf32, #tpu.memory_space<vmem>>, %arg7: memref<1x256xf32, #tpu.memory_space<vmem>>, %arg8: memref<1x256xf32, #tpu.memory_space<vmem>>, %arg9: memref<1x256xf32, #tpu.memory_space<vmem>>, %arg10: memref<1000x128xf32, #tpu.memory_space<vmem>>, %arg11: memref<1000x128xf32, #tpu.memory_space<vmem>>) attributes {dimension_semantics = [#tpu.dimension_semantics<arbitrary>], iteration_bounds = array<i64: 10>, scalar_prefetch = 0 : i64, scratch_operands = 0 : i64, tpu.core_type = #tpu.core_type<tc>, window_params = [{transform_indices = @transform_0, window_bounds = array<i64: 1000, 128>}, {transform_indices = @transform_1, window_bounds = array<i64: 1000, 128>}, {transform_indices = @transform_2, window_bounds = array<i64: 1000, 128>}, {transform_indices = @transform_3, window_bounds = array<i64: 1000, 128>}, {transform_indices = @transform_4, window_bounds = array<i64: 1000, 1>}, {pipeline_mode = #tpu.pipeline_mode<synchronous>, transform_indices = @transform_5, window_bounds = array<i64: 256, 256>}, {pipeline_mode = #tpu.pipeline_mode<synchronous>, transform_indices = @transform_6, window_bounds = array<i64: 1, 256>}, {pipeline_mode = #tpu.pipeline_mode<synchronous>, transform_indices = @transform_7, window_bounds = array<i64: 1, 256>}, {pipeline_mode = #tpu.pipeline_mode<synchronous>, transform_indices = @transform_8, window_bounds = array<i64: 1, 256>}, {transform_indices = @transform_9, window_bounds = array<i64: 1000, 128>}, {transform_indices = @transform_10, window_bounds = array<i64: 1000, 128>}]} {
    %get3A = arith.constant 0 : index
    %get3A_0 = arith.constant 0 : index
    %get3A_1 = vector.load %arg5[%get3A, %get3A_0] : memref<1000x1xf32, #tpu.memory_space<vmem>>, vector<1000x1xf32>
    %max3A = arith.constant 1.000000e+00 : f32
    %max3A_2 = vector.broadcast %max3A : f32 to vector<1000x1xf32>
    %max3A_3 = arith.maximumf %get3A_1, %max3A_2 : vector<1000x1xf32>
    %div3A = arith.constant 1.000000e+00 : f32
    %div3A_4 = vector.broadcast %div3A : f32 to vector<1000x1xf32>
    %div3A_5 = arith.divf %div3A_4, %max3A_3 : vector<1000x1xf32>
    %get3A_6 = arith.constant 0 : index
    %get3A_7 = arith.constant 0 : index
    %get3A_8 = vector.load %arg3[%get3A_6, %get3A_7] : memref<1000x128xf32, #tpu.memory_space<vmem>>, vector<1000x128xf32>
    %mul3A = vector.broadcast %div3A_5 : vector<1000x1xf32> to vector<1000x128xf32>
    %mul3A_9 = arith.mulf %get3A_8, %mul3A : vector<1000x128xf32>
    %get3A_10 = arith.constant 0 : index
    %get3A_11 = arith.constant 0 : index
    %get3A_12 = vector.load %arg4[%get3A_10, %get3A_11] : memref<1000x128xf32, #tpu.memory_space<vmem>>, vector<1000x128xf32>
    %mul3A_13 = vector.broadcast %div3A_5 : vector<1000x1xf32> to vector<1000x128xf32>
    %mul3A_14 = arith.mulf %get3A_12, %mul3A_13 : vector<1000x128xf32>
    %get3A_15 = arith.constant 0 : index
    %get3A_16 = arith.constant 0 : index
    %get3A_17 = vector.load %arg6[%get3A_15, %get3A_16] : memref<256x256xf32, #tpu.memory_space<vmem>>, vector<128x256xf32>
    %dot_general3A = arith.constant dense<0.000000e+00> : vector<1000x256xf32>
    %dot_general3A_18 = tpu.matmul %mul3A_9, %get3A_17, %dot_general3A {dimension_numbers = #tpu.dot_dimension_numbers<[1], [0], [0], [1], [0, 0, 1, 1], [], []>, transpose_lhs_hint = false} : vector<1000x128xf32>, vector<128x256xf32>, vector<1000x256xf32> -> vector<1000x256xf32>
    %get3A_19 = arith.constant 128 : index
    %get3A_20 = arith.constant 0 : index
    %get3A_21 = vector.load %arg6[%get3A_19, %get3A_20] : memref<256x256xf32, #tpu.memory_space<vmem>>, vector<128x256xf32>
    %dot_general3A_22 = arith.constant dense<0.000000e+00> : vector<1000x256xf32>
    %dot_general3A_23 = tpu.matmul %mul3A_14, %get3A_21, %dot_general3A_22 {dimension_numbers = #tpu.dot_dimension_numbers<[1], [0], [0], [1], [0, 0, 1, 1], [], []>, transpose_lhs_hint = false} : vector<1000x128xf32>, vector<128x256xf32>, vector<1000x256xf32> -> vector<1000x256xf32>
    %add3A = arith.addf %dot_general3A_18, %dot_general3A_23 : vector<1000x256xf32>
    %get3A_24 = arith.constant 0 : index
    %get3A_25 = arith.constant 0 : index
    %get3A_26 = vector.load %arg7[%get3A_24, %get3A_25] : memref<1x256xf32, #tpu.memory_space<vmem>>, vector<1x256xf32>
    %add3A_27 = vector.broadcast %get3A_26 : vector<1x256xf32> to vector<1000x256xf32>
    %add3A_28 = arith.addf %add3A, %add3A_27 : vector<1000x256xf32>
    %get3A_29 = arith.constant 0 : index
    %get3A_30 = arith.constant 0 : index
    %get3A_31 = vector.load %arg1[%get3A_29, %get3A_30] : memref<1000x128xf32, #tpu.memory_space<vmem>>, vector<1000x128xf32>
    %get3A_32 = arith.constant 0 : index
    %get3A_33 = arith.constant 0 : index
    %get3A_34 = vector.load %arg2[%get3A_32, %get3A_33] : memref<1000x128xf32, #tpu.memory_space<vmem>>, vector<1000x128xf32>
    %concatenate3A = tpu.concatenate %get3A_31, %get3A_34 in 1 : vector<1000x128xf32>, vector<1000x128xf32> -> vector<1000x256xf32>
    %add3A_35 = arith.addf %concatenate3A, %add3A_28 : vector<1000x256xf32>
    %reduce_sum3A = arith.constant dense<0.000000e+00> : vector<1000xf32>
    %reduce_sum3A_36 = vector.multi_reduction <add>, %add3A_35, %reduce_sum3A [1] : vector<1000x256xf32> to vector<1000xf32>
    %broadcast_in_dim3A = vector.shape_cast %reduce_sum3A_36 : vector<1000xf32> to vector<1000x1xf32>
    %div3A_37 = arith.constant 2.560000e+02 : f32
    %div3A_38 = vector.broadcast %div3A_37 : f32 to vector<1000x1xf32>
    %div3A_39 = arith.divf %broadcast_in_dim3A, %div3A_38 : vector<1000x1xf32>
    %sub3A = vector.broadcast %div3A_39 : vector<1000x1xf32> to vector<1000x256xf32>
    %sub3A_40 = arith.subf %add3A_35, %sub3A : vector<1000x256xf32>
    %integer_pow3A = arith.mulf %sub3A_40, %sub3A_40 : vector<1000x256xf32>
    %reduce_sum3A_41 = arith.constant dense<0.000000e+00> : vector<1000xf32>
    %reduce_sum3A_42 = vector.multi_reduction <add>, %integer_pow3A, %reduce_sum3A_41 [1] : vector<1000x256xf32> to vector<1000xf32>
    %broadcast_in_dim3A_43 = vector.shape_cast %reduce_sum3A_42 : vector<1000xf32> to vector<1000x1xf32>
    %div3A_44 = arith.constant 2.560000e+02 : f32
    %div3A_45 = vector.broadcast %div3A_44 : f32 to vector<1000x1xf32>
    %div3A_46 = arith.divf %broadcast_in_dim3A_43, %div3A_45 : vector<1000x1xf32>
    %sub3A_47 = vector.broadcast %div3A_39 : vector<1000x1xf32> to vector<1000x256xf32>
    %sub3A_48 = arith.subf %add3A_35, %sub3A_47 : vector<1000x256xf32>
    %add3A_49 = arith.constant 9.99999974E-6 : f32
    %add3A_50 = vector.broadcast %add3A_49 : f32 to vector<1000x1xf32>
    %add3A_51 = arith.addf %div3A_46, %add3A_50 : vector<1000x1xf32>
    %rsqrt3A = math.rsqrt %add3A_51 : vector<1000x1xf32>
    %mul3A_52 = vector.broadcast %rsqrt3A : vector<1000x1xf32> to vector<1000x256xf32>
    %mul3A_53 = arith.mulf %sub3A_48, %mul3A_52 : vector<1000x256xf32>
    %get3A_54 = arith.constant 0 : index
    %get3A_55 = arith.constant 0 : index
    %get3A_56 = vector.load %arg8[%get3A_54, %get3A_55] : memref<1x256xf32, #tpu.memory_space<vmem>>, vector<1x256xf32>
    %mul3A_57 = vector.broadcast %get3A_56 : vector<1x256xf32> to vector<1000x256xf32>
    %mul3A_58 = arith.mulf %mul3A_53, %mul3A_57 : vector<1000x256xf32>
    %get3A_59 = arith.constant 0 : index
    %get3A_60 = arith.constant 0 : index
    %get3A_61 = vector.load %arg9[%get3A_59, %get3A_60] : memref<1x256xf32, #tpu.memory_space<vmem>>, vector<1x256xf32>
    %add3A_62 = vector.broadcast %get3A_61 : vector<1x256xf32> to vector<1000x256xf32>
    %add3A_63 = arith.addf %mul3A_58, %add3A_62 : vector<1000x256xf32>
    %max3A_64 = arith.constant 0.000000e+00 : f32
    %max3A_65 = vector.broadcast %max3A_64 : f32 to vector<1000x256xf32>
    %max3A_66 = arith.maximumf %add3A_63, %max3A_65 : vector<1000x256xf32>
    %slice3A = vector.extract_strided_slice %max3A_66 {offsets = [0, 0], sizes = [1000, 128], strides = [1, 1]} : vector<1000x256xf32> to vector<1000x128xf32>
    %swap3A = arith.constant 0 : index
    %swap3A_67 = arith.constant 0 : index
    %swap3A_68 = vector.load %arg10[%swap3A, %swap3A_67] : memref<1000x128xf32, #tpu.memory_space<vmem>>, vector<1000x128xf32>
    tpu.vector_store %arg10[%swap3A, %swap3A_67], %slice3A {strides = array<i32>} : memref<1000x128xf32, #tpu.memory_space<vmem>>, vector<1000x128xf32>,
    %slice3A_69 = vector.extract_strided_slice %max3A_66 {offsets = [0, 128], sizes = [1000, 128], strides = [1, 1]} : vector<1000x256xf32> to vector<1000x128xf32>
    %swap3A_70 = arith.constant 0 : index
    %swap3A_71 = arith.constant 0 : index
    %swap3A_72 = vector.load %arg11[%swap3A_70, %swap3A_71] : memref<1000x128xf32, #tpu.memory_space<vmem>>, vector<1000x128xf32>
    tpu.vector_store %arg11[%swap3A_70, %swap3A_71], %slice3A_69 {strides = array<i32>} : memref<1000x128xf32, #tpu.memory_space<vmem>>, vector<1000x128xf32>,
    return
  }
  func.func @transform_0(%arg0: i32) -> (i32, i32) {
    %c0_i32 = arith.constant 0 : i32
    %c0_i32_0 = arith.constant 0 : i32
    return %arg0, %c0_i32 : i32, i32
  }
  func.func @transform_1(%arg0: i32) -> (i32, i32) {
    %c0_i32 = arith.constant 0 : i32
    %c0_i32_0 = arith.constant 0 : i32
    return %arg0, %c0_i32 : i32, i32
  }
  func.func @transform_2(%arg0: i32) -> (i32, i32) {
    %c0_i32 = arith.constant 0 : i32
    %c0_i32_0 = arith.constant 0 : i32
    return %arg0, %c0_i32 : i32, i32
  }
  func.func @transform_3(%arg0: i32) -> (i32, i32) {
    %c0_i32 = arith.constant 0 : i32
    %c0_i32_0 = arith.constant 0 : i32
    return %arg0, %c0_i32 : i32, i32
  }
  func.func @transform_4(%arg0: i32) -> (i32, i32) {
    %c0_i32 = arith.constant 0 : i32
    %c0_i32_0 = arith.constant 0 : i32
    return %arg0, %c0_i32 : i32, i32
  }
  func.func @transform_5(%arg0: i32) -> (i32, i32) {
    %c0_i32 = arith.constant 0 : i32
    %c0_i32_0 = arith.constant 0 : i32
    %c0_i32_1 = arith.constant 0 : i32
    return %c0_i32, %c0_i32_0 : i32, i32
  }
  func.func @transform_6(%arg0: i32) -> (i32, i32) {
    %c0_i32 = arith.constant 0 : i32
    %c0_i32_0 = arith.constant 0 : i32
    %c0_i32_1 = arith.constant 0 : i32
    return %c0_i32, %c0_i32_0 : i32, i32
  }
  func.func @transform_7(%arg0: i32) -> (i32, i32) {
    %c0_i32 = arith.constant 0 : i32
    %c0_i32_0 = arith.constant 0 : i32
    %c0_i32_1 = arith.constant 0 : i32
    return %c0_i32, %c0_i32_0 : i32, i32
  }
  func.func @transform_8(%arg0: i32) -> (i32, i32) {
    %c0_i32 = arith.constant 0 : i32
    %c0_i32_0 = arith.constant 0 : i32
    %c0_i32_1 = arith.constant 0 : i32
    return %c0_i32, %c0_i32_0 : i32, i32
  }
  func.func @transform_9(%arg0: i32) -> (i32, i32) {
    %c0_i32 = arith.constant 0 : i32
    %c0_i32_0 = arith.constant 0 : i32
    return %arg0, %c0_i32 : i32, i32
  }
  func.func @transform_10(%arg0: i32) -> (i32, i32) {
    %c0_i32 = arith.constant 0 : i32
    %c0_i32_0 = arith.constant 0 : i32
    return %arg0, %c0_i32 : i32, i32
  }
}

module attributes {stable_mosaic.version = 14 : i64} {
  func.func @body(%arg0: i32, %arg1: memref<1000x128xf32, #tpu.memory_space<vmem>>, %arg2: memref<1000x128xf32, #tpu.memory_space<vmem>>, %arg3: memref<1000x128xf32, #tpu.memory_space<vmem>>, %arg4: memref<1000x128xf32, #tpu.memory_space<vmem>>, %arg5: memref<1000x1xf32, #tpu.memory_space<vmem>>, %arg6: memref<256x256xf32, #tpu.memory_space<vmem>>, %arg7: memref<1x256xf32, #tpu.memory_space<vmem>>, %arg8: memref<1x256xf32, #tpu.memory_space<vmem>>, %arg9: memref<1x256xf32, #tpu.memory_space<vmem>>, %arg10: memref<256x256xf32, #tpu.memory_space<vmem>>, %arg11: memref<1x256xf32, #tpu.memory_space<vmem>>, %arg12: memref<256x256xf32, #tpu.memory_space<vmem>>, %arg13: memref<1x256xf32, #tpu.memory_space<vmem>>, %arg14: memref<1000x128xi32, #tpu.memory_space<vmem>>, %arg15: memref<1000x128xi32, #tpu.memory_space<vmem>>) attributes {dimension_semantics = [#tpu.dimension_semantics<arbitrary>], iteration_bounds = array<i64: 10>, scalar_prefetch = 0 : i64, scratch_operands = 0 : i64, tpu.core_type = #tpu.core_type<tc>, window_params = [{transform_indices = @transform_0, window_bounds = array<i64: 1000, 128>}, {transform_indices = @transform_1, window_bounds = array<i64: 1000, 128>}, {transform_indices = @transform_2, window_bounds = array<i64: 1000, 128>}, {transform_indices = @transform_3, window_bounds = array<i64: 1000, 128>}, {transform_indices = @transform_4, window_bounds = array<i64: 1000, 1>}, {pipeline_mode = #tpu.pipeline_mode<synchronous>, transform_indices = @transform_5, window_bounds = array<i64: 256, 256>}, {pipeline_mode = #tpu.pipeline_mode<synchronous>, transform_indices = @transform_6, window_bounds = array<i64: 1, 256>}, {pipeline_mode = #tpu.pipeline_mode<synchronous>, transform_indices = @transform_7, window_bounds = array<i64: 1, 256>}, {pipeline_mode = #tpu.pipeline_mode<synchronous>, transform_indices = @transform_8, window_bounds = array<i64: 1, 256>}, {pipeline_mode = #tpu.pipeline_mode<synchronous>, transform_indices = @transform_9, window_bounds = array<i64: 256, 256>}, {pipeline_mode = #tpu.pipeline_mode<synchronous>, transform_indices = @transform_10, window_bounds = array<i64: 1, 256>}, {pipeline_mode = #tpu.pipeline_mode<synchronous>, transform_indices = @transform_11, window_bounds = array<i64: 256, 256>}, {pipeline_mode = #tpu.pipeline_mode<synchronous>, transform_indices = @transform_12, window_bounds = array<i64: 1, 256>}, {transform_indices = @transform_13, window_bounds = array<i64: 1000, 128>}, {transform_indices = @transform_14, window_bounds = array<i64: 1000, 128>}]} {
    %get3A = arith.constant 0 : index
    %get3A_0 = arith.constant 0 : index
    %get3A_1 = vector.load %arg5[%get3A, %get3A_0] : memref<1000x1xf32, #tpu.memory_space<vmem>>, vector<1000x1xf32>
    %max3A = arith.constant 1.000000e+00 : f32
    %max3A_2 = vector.broadcast %max3A : f32 to vector<1000x1xf32>
    %max3A_3 = arith.maximumf %get3A_1, %max3A_2 : vector<1000x1xf32>
    %div3A = arith.constant 1.000000e+00 : f32
    %div3A_4 = vector.broadcast %div3A : f32 to vector<1000x1xf32>
    %div3A_5 = arith.divf %div3A_4, %max3A_3 : vector<1000x1xf32>
    %get3A_6 = arith.constant 0 : index
    %get3A_7 = arith.constant 0 : index
    %get3A_8 = vector.load %arg3[%get3A_6, %get3A_7] : memref<1000x128xf32, #tpu.memory_space<vmem>>, vector<1000x128xf32>
    %mul3A = vector.broadcast %div3A_5 : vector<1000x1xf32> to vector<1000x128xf32>
    %mul3A_9 = arith.mulf %get3A_8, %mul3A : vector<1000x128xf32>
    %get3A_10 = arith.constant 0 : index
    %get3A_11 = arith.constant 0 : index
    %get3A_12 = vector.load %arg4[%get3A_10, %get3A_11] : memref<1000x128xf32, #tpu.memory_space<vmem>>, vector<1000x128xf32>
    %mul3A_13 = vector.broadcast %div3A_5 : vector<1000x1xf32> to vector<1000x128xf32>
    %mul3A_14 = arith.mulf %get3A_12, %mul3A_13 : vector<1000x128xf32>
    %get3A_15 = arith.constant 0 : index
    %get3A_16 = arith.constant 0 : index
    %get3A_17 = vector.load %arg6[%get3A_15, %get3A_16] : memref<256x256xf32, #tpu.memory_space<vmem>>, vector<128x256xf32>
    %dot_general3A = arith.constant dense<0.000000e+00> : vector<1000x256xf32>
    %dot_general3A_18 = tpu.matmul %mul3A_9, %get3A_17, %dot_general3A {dimension_numbers = #tpu.dot_dimension_numbers<[1], [0], [0], [1], [0, 0, 1, 1], [], []>, transpose_lhs_hint = false} : vector<1000x128xf32>, vector<128x256xf32>, vector<1000x256xf32> -> vector<1000x256xf32>
    %get3A_19 = arith.constant 128 : index
    %get3A_20 = arith.constant 0 : index
    %get3A_21 = vector.load %arg6[%get3A_19, %get3A_20] : memref<256x256xf32, #tpu.memory_space<vmem>>, vector<128x256xf32>
    %dot_general3A_22 = arith.constant dense<0.000000e+00> : vector<1000x256xf32>
    %dot_general3A_23 = tpu.matmul %mul3A_14, %get3A_21, %dot_general3A_22 {dimension_numbers = #tpu.dot_dimension_numbers<[1], [0], [0], [1], [0, 0, 1, 1], [], []>, transpose_lhs_hint = false} : vector<1000x128xf32>, vector<128x256xf32>, vector<1000x256xf32> -> vector<1000x256xf32>
    %add3A = arith.addf %dot_general3A_18, %dot_general3A_23 : vector<1000x256xf32>
    %get3A_24 = arith.constant 0 : index
    %get3A_25 = arith.constant 0 : index
    %get3A_26 = vector.load %arg7[%get3A_24, %get3A_25] : memref<1x256xf32, #tpu.memory_space<vmem>>, vector<1x256xf32>
    %add3A_27 = vector.broadcast %get3A_26 : vector<1x256xf32> to vector<1000x256xf32>
    %add3A_28 = arith.addf %add3A, %add3A_27 : vector<1000x256xf32>
    %get3A_29 = arith.constant 0 : index
    %get3A_30 = arith.constant 0 : index
    %get3A_31 = vector.load %arg1[%get3A_29, %get3A_30] : memref<1000x128xf32, #tpu.memory_space<vmem>>, vector<1000x128xf32>
    %get3A_32 = arith.constant 0 : index
    %get3A_33 = arith.constant 0 : index
    %get3A_34 = vector.load %arg2[%get3A_32, %get3A_33] : memref<1000x128xf32, #tpu.memory_space<vmem>>, vector<1000x128xf32>
    %concatenate3A = tpu.concatenate %get3A_31, %get3A_34 in 1 : vector<1000x128xf32>, vector<1000x128xf32> -> vector<1000x256xf32>
    %add3A_35 = arith.addf %concatenate3A, %add3A_28 : vector<1000x256xf32>
    %reduce_sum3A = arith.constant dense<0.000000e+00> : vector<1000xf32>
    %reduce_sum3A_36 = vector.multi_reduction <add>, %add3A_35, %reduce_sum3A [1] : vector<1000x256xf32> to vector<1000xf32>
    %broadcast_in_dim3A = vector.shape_cast %reduce_sum3A_36 : vector<1000xf32> to vector<1000x1xf32>
    %div3A_37 = arith.constant 2.560000e+02 : f32
    %div3A_38 = vector.broadcast %div3A_37 : f32 to vector<1000x1xf32>
    %div3A_39 = arith.divf %broadcast_in_dim3A, %div3A_38 : vector<1000x1xf32>
    %sub3A = vector.broadcast %div3A_39 : vector<1000x1xf32> to vector<1000x256xf32>
    %sub3A_40 = arith.subf %add3A_35, %sub3A : vector<1000x256xf32>
    %integer_pow3A = arith.mulf %sub3A_40, %sub3A_40 : vector<1000x256xf32>
    %reduce_sum3A_41 = arith.constant dense<0.000000e+00> : vector<1000xf32>
    %reduce_sum3A_42 = vector.multi_reduction <add>, %integer_pow3A, %reduce_sum3A_41 [1] : vector<1000x256xf32> to vector<1000xf32>
    %broadcast_in_dim3A_43 = vector.shape_cast %reduce_sum3A_42 : vector<1000xf32> to vector<1000x1xf32>
    %div3A_44 = arith.constant 2.560000e+02 : f32
    %div3A_45 = vector.broadcast %div3A_44 : f32 to vector<1000x1xf32>
    %div3A_46 = arith.divf %broadcast_in_dim3A_43, %div3A_45 : vector<1000x1xf32>
    %sub3A_47 = vector.broadcast %div3A_39 : vector<1000x1xf32> to vector<1000x256xf32>
    %sub3A_48 = arith.subf %add3A_35, %sub3A_47 : vector<1000x256xf32>
    %add3A_49 = arith.constant 9.99999974E-6 : f32
    %add3A_50 = vector.broadcast %add3A_49 : f32 to vector<1000x1xf32>
    %add3A_51 = arith.addf %div3A_46, %add3A_50 : vector<1000x1xf32>
    %rsqrt3A = math.rsqrt %add3A_51 : vector<1000x1xf32>
    %mul3A_52 = vector.broadcast %rsqrt3A : vector<1000x1xf32> to vector<1000x256xf32>
    %mul3A_53 = arith.mulf %sub3A_48, %mul3A_52 : vector<1000x256xf32>
    %get3A_54 = arith.constant 0 : index
    %get3A_55 = arith.constant 0 : index
    %get3A_56 = vector.load %arg8[%get3A_54, %get3A_55] : memref<1x256xf32, #tpu.memory_space<vmem>>, vector<1x256xf32>
    %mul3A_57 = vector.broadcast %get3A_56 : vector<1x256xf32> to vector<1000x256xf32>
    %mul3A_58 = arith.mulf %mul3A_53, %mul3A_57 : vector<1000x256xf32>
    %get3A_59 = arith.constant 0 : index
    %get3A_60 = arith.constant 0 : index
    %get3A_61 = vector.load %arg9[%get3A_59, %get3A_60] : memref<1x256xf32, #tpu.memory_space<vmem>>, vector<1x256xf32>
    %add3A_62 = vector.broadcast %get3A_61 : vector<1x256xf32> to vector<1000x256xf32>
    %add3A_63 = arith.addf %mul3A_58, %add3A_62 : vector<1000x256xf32>
    %max3A_64 = arith.constant 0.000000e+00 : f32
    %max3A_65 = vector.broadcast %max3A_64 : f32 to vector<1000x256xf32>
    %max3A_66 = arith.maximumf %add3A_63, %max3A_65 : vector<1000x256xf32>
    %get3A_67 = arith.constant 0 : index
    %get3A_68 = arith.constant 0 : index
    %get3A_69 = vector.load %arg10[%get3A_67, %get3A_68] : memref<256x256xf32, #tpu.memory_space<vmem>>, vector<256x256xf32>
    %dot_general3A_70 = arith.constant dense<0.000000e+00> : vector<1000x256xf32>
    %dot_general3A_71 = tpu.matmul %max3A_66, %get3A_69, %dot_general3A_70 {dimension_numbers = #tpu.dot_dimension_numbers<[1], [0], [0], [1], [0, 0, 1, 1], [], []>, transpose_lhs_hint = false} : vector<1000x256xf32>, vector<256x256xf32>, vector<1000x256xf32> -> vector<1000x256xf32>
    %get3A_72 = arith.constant 0 : index
    %get3A_73 = arith.constant 0 : index
    %get3A_74 = vector.load %arg11[%get3A_72, %get3A_73] : memref<1x256xf32, #tpu.memory_space<vmem>>, vector<1x256xf32>
    %add3A_75 = vector.broadcast %get3A_74 : vector<1x256xf32> to vector<1000x256xf32>
    %add3A_76 = arith.addf %dot_general3A_71, %add3A_75 : vector<1000x256xf32>
    %get3A_77 = arith.constant 0 : index
    %get3A_78 = arith.constant 0 : index
    %get3A_79 = vector.load %arg12[%get3A_77, %get3A_78] : memref<256x256xf32, #tpu.memory_space<vmem>>, vector<256x256xf32>
    %dot_general3A_80 = arith.constant dense<0.000000e+00> : vector<1000x256xf32>
    %dot_general3A_81 = tpu.matmul %max3A_66, %get3A_79, %dot_general3A_80 {dimension_numbers = #tpu.dot_dimension_numbers<[1], [0], [0], [1], [0, 0, 1, 1], [], []>, transpose_lhs_hint = false} : vector<1000x256xf32>, vector<256x256xf32>, vector<1000x256xf32> -> vector<1000x256xf32>
    %get3A_82 = arith.constant 0 : index
    %get3A_83 = arith.constant 0 : index
    %get3A_84 = vector.load %arg13[%get3A_82, %get3A_83] : memref<1x256xf32, #tpu.memory_space<vmem>>, vector<1x256xf32>
    %add3A_85 = vector.broadcast %get3A_84 : vector<1x256xf32> to vector<1000x256xf32>
    %add3A_86 = arith.addf %dot_general3A_81, %add3A_85 : vector<1000x256xf32>
    %slice3A = vector.extract_strided_slice %add3A_76 {offsets = [0, 0], sizes = [1000, 128], strides = [1, 1]} : vector<1000x256xf32> to vector<1000x128xf32>
    %bitcast_convert_type3A = tpu.bitcast %slice3A : vector<1000x128xf32> -> vector<1000x128xi32>
    %add3A_87 = arith.constant 32767 : i32
    %add3A_88 = vector.broadcast %add3A_87 : i32 to vector<1000x128xi32>
    %add3A_89 = arith.addi %bitcast_convert_type3A, %add3A_88 : vector<1000x128xi32>
    %shift_right_logical3A = arith.constant 16 : i32
    %shift_right_logical3A_90 = vector.broadcast %shift_right_logical3A : i32 to vector<1000x128xi32>
    %shift_right_logical3A_91 = arith.shrui %bitcast_convert_type3A, %shift_right_logical3A_90 : vector<1000x128xi32>
    %and3A = arith.constant 1 : i32
    %and3A_92 = vector.broadcast %and3A : i32 to vector<1000x128xi32>
    %and3A_93 = arith.andi %shift_right_logical3A_91, %and3A_92 : vector<1000x128xi32>
    %add3A_94 = arith.addi %add3A_89, %and3A_93 : vector<1000x128xi32>
    %shift_right_logical3A_95 = arith.constant 16 : i32
    %shift_right_logical3A_96 = vector.broadcast %shift_right_logical3A_95 : i32 to vector<1000x128xi32>
    %shift_right_logical3A_97 = arith.shrui %add3A_94, %shift_right_logical3A_96 : vector<1000x128xi32>
    %slice3A_98 = vector.extract_strided_slice %add3A_76 {offsets = [0, 128], sizes = [1000, 128], strides = [1, 1]} : vector<1000x256xf32> to vector<1000x128xf32>
    %bitcast_convert_type3A_99 = tpu.bitcast %slice3A_98 : vector<1000x128xf32> -> vector<1000x128xi32>
    %add3A_100 = arith.constant 32767 : i32
    %add3A_101 = vector.broadcast %add3A_100 : i32 to vector<1000x128xi32>
    %add3A_102 = arith.addi %bitcast_convert_type3A_99, %add3A_101 : vector<1000x128xi32>
    %shift_right_logical3A_103 = arith.constant 16 : i32
    %shift_right_logical3A_104 = vector.broadcast %shift_right_logical3A_103 : i32 to vector<1000x128xi32>
    %shift_right_logical3A_105 = arith.shrui %bitcast_convert_type3A_99, %shift_right_logical3A_104 : vector<1000x128xi32>
    %and3A_106 = arith.constant 1 : i32
    %and3A_107 = vector.broadcast %and3A_106 : i32 to vector<1000x128xi32>
    %and3A_108 = arith.andi %shift_right_logical3A_105, %and3A_107 : vector<1000x128xi32>
    %add3A_109 = arith.addi %add3A_102, %and3A_108 : vector<1000x128xi32>
    %shift_right_logical3A_110 = arith.constant 16 : i32
    %shift_right_logical3A_111 = vector.broadcast %shift_right_logical3A_110 : i32 to vector<1000x128xi32>
    %shift_right_logical3A_112 = arith.shrui %add3A_109, %shift_right_logical3A_111 : vector<1000x128xi32>
    %shift_left3A = arith.constant 16 : i32
    %shift_left3A_113 = vector.broadcast %shift_left3A : i32 to vector<1000x128xi32>
    %shift_left3A_114 = arith.shli %shift_right_logical3A_112, %shift_left3A_113 : vector<1000x128xi32>
    %or3A = arith.ori %shift_right_logical3A_97, %shift_left3A_114 : vector<1000x128xi32>
    %bitcast_convert_type3A_115 = tpu.bitcast %or3A : vector<1000x128xi32> -> vector<1000x128xi32>
    %swap3A = arith.constant 0 : index
    %swap3A_116 = arith.constant 0 : index
    %swap3A_117 = vector.load %arg14[%swap3A, %swap3A_116] : memref<1000x128xi32, #tpu.memory_space<vmem>>, vector<1000x128xi32>
    tpu.vector_store %arg14[%swap3A, %swap3A_116], %bitcast_convert_type3A_115 {strides = array<i32>} : memref<1000x128xi32, #tpu.memory_space<vmem>>, vector<1000x128xi32>,
    %slice3A_118 = vector.extract_strided_slice %add3A_86 {offsets = [0, 0], sizes = [1000, 128], strides = [1, 1]} : vector<1000x256xf32> to vector<1000x128xf32>
    %bitcast_convert_type3A_119 = tpu.bitcast %slice3A_118 : vector<1000x128xf32> -> vector<1000x128xi32>
    %add3A_120 = arith.constant 32767 : i32
    %add3A_121 = vector.broadcast %add3A_120 : i32 to vector<1000x128xi32>
    %add3A_122 = arith.addi %bitcast_convert_type3A_119, %add3A_121 : vector<1000x128xi32>
    %shift_right_logical3A_123 = arith.constant 16 : i32
    %shift_right_logical3A_124 = vector.broadcast %shift_right_logical3A_123 : i32 to vector<1000x128xi32>
    %shift_right_logical3A_125 = arith.shrui %bitcast_convert_type3A_119, %shift_right_logical3A_124 : vector<1000x128xi32>
    %and3A_126 = arith.constant 1 : i32
    %and3A_127 = vector.broadcast %and3A_126 : i32 to vector<1000x128xi32>
    %and3A_128 = arith.andi %shift_right_logical3A_125, %and3A_127 : vector<1000x128xi32>
    %add3A_129 = arith.addi %add3A_122, %and3A_128 : vector<1000x128xi32>
    %shift_right_logical3A_130 = arith.constant 16 : i32
    %shift_right_logical3A_131 = vector.broadcast %shift_right_logical3A_130 : i32 to vector<1000x128xi32>
    %shift_right_logical3A_132 = arith.shrui %add3A_129, %shift_right_logical3A_131 : vector<1000x128xi32>
    %slice3A_133 = vector.extract_strided_slice %add3A_86 {offsets = [0, 128], sizes = [1000, 128], strides = [1, 1]} : vector<1000x256xf32> to vector<1000x128xf32>
    %bitcast_convert_type3A_134 = tpu.bitcast %slice3A_133 : vector<1000x128xf32> -> vector<1000x128xi32>
    %add3A_135 = arith.constant 32767 : i32
    %add3A_136 = vector.broadcast %add3A_135 : i32 to vector<1000x128xi32>
    %add3A_137 = arith.addi %bitcast_convert_type3A_134, %add3A_136 : vector<1000x128xi32>
    %shift_right_logical3A_138 = arith.constant 16 : i32
    %shift_right_logical3A_139 = vector.broadcast %shift_right_logical3A_138 : i32 to vector<1000x128xi32>
    %shift_right_logical3A_140 = arith.shrui %bitcast_convert_type3A_134, %shift_right_logical3A_139 : vector<1000x128xi32>
    %and3A_141 = arith.constant 1 : i32
    %and3A_142 = vector.broadcast %and3A_141 : i32 to vector<1000x128xi32>
    %and3A_143 = arith.andi %shift_right_logical3A_140, %and3A_142 : vector<1000x128xi32>
    %add3A_144 = arith.addi %add3A_137, %and3A_143 : vector<1000x128xi32>
    %shift_right_logical3A_145 = arith.constant 16 : i32
    %shift_right_logical3A_146 = vector.broadcast %shift_right_logical3A_145 : i32 to vector<1000x128xi32>
    %shift_right_logical3A_147 = arith.shrui %add3A_144, %shift_right_logical3A_146 : vector<1000x128xi32>
    %shift_left3A_148 = arith.constant 16 : i32
    %shift_left3A_149 = vector.broadcast %shift_left3A_148 : i32 to vector<1000x128xi32>
    %shift_left3A_150 = arith.shli %shift_right_logical3A_147, %shift_left3A_149 : vector<1000x128xi32>
    %or3A_151 = arith.ori %shift_right_logical3A_132, %shift_left3A_150 : vector<1000x128xi32>
    %bitcast_convert_type3A_152 = tpu.bitcast %or3A_151 : vector<1000x128xi32> -> vector<1000x128xi32>
    %swap3A_153 = arith.constant 0 : index
    %swap3A_154 = arith.constant 0 : index
    %swap3A_155 = vector.load %arg15[%swap3A_153, %swap3A_154] : memref<1000x128xi32, #tpu.memory_space<vmem>>, vector<1000x128xi32>
    tpu.vector_store %arg15[%swap3A_153, %swap3A_154], %bitcast_convert_type3A_152 {strides = array<i32>} : memref<1000x128xi32, #tpu.memory_space<vmem>>, vector<1000x128xi32>,
    return
  }
  func.func @transform_0(%arg0: i32) -> (i32, i32) {
    %c0_i32 = arith.constant 0 : i32
    %c0_i32_0 = arith.constant 0 : i32
    return %arg0, %c0_i32 : i32, i32
  }
  func.func @transform_1(%arg0: i32) -> (i32, i32) {
    %c0_i32 = arith.constant 0 : i32
    %c0_i32_0 = arith.constant 0 : i32
    return %arg0, %c0_i32 : i32, i32
  }
  func.func @transform_2(%arg0: i32) -> (i32, i32) {
    %c0_i32 = arith.constant 0 : i32
    %c0_i32_0 = arith.constant 0 : i32
    return %arg0, %c0_i32 : i32, i32
  }
  func.func @transform_3(%arg0: i32) -> (i32, i32) {
    %c0_i32 = arith.constant 0 : i32
    %c0_i32_0 = arith.constant 0 : i32
    return %arg0, %c0_i32 : i32, i32
  }
  func.func @transform_4(%arg0: i32) -> (i32, i32) {
    %c0_i32 = arith.constant 0 : i32
    %c0_i32_0 = arith.constant 0 : i32
    return %arg0, %c0_i32 : i32, i32
  }
  func.func @transform_5(%arg0: i32) -> (i32, i32) {
    %c0_i32 = arith.constant 0 : i32
    %c0_i32_0 = arith.constant 0 : i32
    %c0_i32_1 = arith.constant 0 : i32
    return %c0_i32, %c0_i32_0 : i32, i32
  }
  func.func @transform_6(%arg0: i32) -> (i32, i32) {
    %c0_i32 = arith.constant 0 : i32
    %c0_i32_0 = arith.constant 0 : i32
    %c0_i32_1 = arith.constant 0 : i32
    return %c0_i32, %c0_i32_0 : i32, i32
  }
  func.func @transform_7(%arg0: i32) -> (i32, i32) {
    %c0_i32 = arith.constant 0 : i32
    %c0_i32_0 = arith.constant 0 : i32
    %c0_i32_1 = arith.constant 0 : i32
    return %c0_i32, %c0_i32_0 : i32, i32
  }
  func.func @transform_8(%arg0: i32) -> (i32, i32) {
    %c0_i32 = arith.constant 0 : i32
    %c0_i32_0 = arith.constant 0 : i32
    %c0_i32_1 = arith.constant 0 : i32
    return %c0_i32, %c0_i32_0 : i32, i32
  }
  func.func @transform_9(%arg0: i32) -> (i32, i32) {
    %c0_i32 = arith.constant 0 : i32
    %c0_i32_0 = arith.constant 0 : i32
    %c0_i32_1 = arith.constant 0 : i32
    return %c0_i32, %c0_i32_0 : i32, i32
  }
  func.func @transform_10(%arg0: i32) -> (i32, i32) {
    %c0_i32 = arith.constant 0 : i32
    %c0_i32_0 = arith.constant 0 : i32
    %c0_i32_1 = arith.constant 0 : i32
    return %c0_i32, %c0_i32_0 : i32, i32
  }
  func.func @transform_11(%arg0: i32) -> (i32, i32) {
    %c0_i32 = arith.constant 0 : i32
    %c0_i32_0 = arith.constant 0 : i32
    %c0_i32_1 = arith.constant 0 : i32
    return %c0_i32, %c0_i32_0 : i32, i32
  }
  func.func @transform_12(%arg0: i32) -> (i32, i32) {
    %c0_i32 = arith.constant 0 : i32
    %c0_i32_0 = arith.constant 0 : i32
    %c0_i32_1 = arith.constant 0 : i32
    return %c0_i32, %c0_i32_0 : i32, i32
  }
  func.func @transform_13(%arg0: i32) -> (i32, i32) {
    %c0_i32 = arith.constant 0 : i32
    %c0_i32_0 = arith.constant 0 : i32
    return %arg0, %c0_i32 : i32, i32
  }
  func.func @transform_14(%arg0: i32) -> (i32, i32) {
    %c0_i32 = arith.constant 0 : i32
    %c0_i32_0 = arith.constant 0 : i32
    return %arg0, %c0_i32 : i32, i32
  }
}

module attributes {stable_mosaic.version = 14 : i64} {
  func.func @body(%arg0: i32, %arg1: memref<2560x128xi32, #tpu.memory_space<vmem>>, %arg2: memref<2560x128xi32, #tpu.memory_space<vmem>>, %arg3: memref<1x128xf32, #tpu.memory_space<vmem>>, %arg4: memref<1x128xf32, #tpu.memory_space<vmem>>, %arg5: memref<128x128xf32, #tpu.memory_space<vmem>>, %arg6: memref<128x128xf32, #tpu.memory_space<vmem>>, %arg7: memref<1x128xf32, #tpu.memory_space<vmem>>, %arg8: memref<128x1xf32, #tpu.memory_space<vmem>>, %arg9: memref<1x1xf32, #tpu.memory_space<vmem>>, %arg10: memref<1x2560xf32, #tpu.memory_space<vmem>>) attributes {dimension_semantics = [#tpu.dimension_semantics<arbitrary>], iteration_bounds = array<i64: 125>, scalar_prefetch = 0 : i64, scratch_operands = 0 : i64, tpu.core_type = #tpu.core_type<tc>, window_params = [{transform_indices = @transform_0, window_bounds = array<i64: 2560, 128>}, {transform_indices = @transform_1, window_bounds = array<i64: 2560, 128>}, {pipeline_mode = #tpu.pipeline_mode<synchronous>, transform_indices = @transform_2, window_bounds = array<i64: 1, 128>}, {pipeline_mode = #tpu.pipeline_mode<synchronous>, transform_indices = @transform_3, window_bounds = array<i64: 1, 128>}, {pipeline_mode = #tpu.pipeline_mode<synchronous>, transform_indices = @transform_4, window_bounds = array<i64: 128, 128>}, {pipeline_mode = #tpu.pipeline_mode<synchronous>, transform_indices = @transform_5, window_bounds = array<i64: 128, 128>}, {pipeline_mode = #tpu.pipeline_mode<synchronous>, transform_indices = @transform_6, window_bounds = array<i64: 1, 128>}, {pipeline_mode = #tpu.pipeline_mode<synchronous>, transform_indices = @transform_7, window_bounds = array<i64: 128, 1>}, {pipeline_mode = #tpu.pipeline_mode<synchronous>, transform_indices = @transform_8, window_bounds = array<i64: 1, 1>}, {transform_indices = @transform_9, window_bounds = array<i64: 1, 2560>}]} {
    %get3A = arith.constant 0 : index
    %get3A_0 = arith.constant 0 : index
    %get3A_1 = vector.load %arg1[%get3A, %get3A_0] : memref<2560x128xi32, #tpu.memory_space<vmem>>, vector<2560x128xi32>
    %bitcast_convert_type3A = tpu.bitcast %get3A_1 : vector<2560x128xi32> -> vector<2560x128xi32>
    %shift_left3A = arith.constant 16 : i32
    %shift_left3A_2 = vector.broadcast %shift_left3A : i32 to vector<2560x128xi32>
    %shift_left3A_3 = arith.shli %bitcast_convert_type3A, %shift_left3A_2 : vector<2560x128xi32>
    %bitcast_convert_type3A_4 = tpu.bitcast %shift_left3A_3 : vector<2560x128xi32> -> vector<2560x128xf32>
    %and3A = arith.constant -65536 : i32
    %and3A_5 = vector.broadcast %and3A : i32 to vector<2560x128xi32>
    %and3A_6 = arith.andi %bitcast_convert_type3A, %and3A_5 : vector<2560x128xi32>
    %bitcast_convert_type3A_7 = tpu.bitcast %and3A_6 : vector<2560x128xi32> -> vector<2560x128xf32>
    %get3A_8 = arith.constant 0 : index
    %get3A_9 = arith.constant 0 : index
    %get3A_10 = vector.load %arg2[%get3A_8, %get3A_9] : memref<2560x128xi32, #tpu.memory_space<vmem>>, vector<2560x128xi32>
    %bitcast_convert_type3A_11 = tpu.bitcast %get3A_10 : vector<2560x128xi32> -> vector<2560x128xi32>
    %shift_left3A_12 = arith.constant 16 : i32
    %shift_left3A_13 = vector.broadcast %shift_left3A_12 : i32 to vector<2560x128xi32>
    %shift_left3A_14 = arith.shli %bitcast_convert_type3A_11, %shift_left3A_13 : vector<2560x128xi32>
    %bitcast_convert_type3A_15 = tpu.bitcast %shift_left3A_14 : vector<2560x128xi32> -> vector<2560x128xf32>
    %and3A_16 = arith.constant -65536 : i32
    %and3A_17 = vector.broadcast %and3A_16 : i32 to vector<2560x128xi32>
    %and3A_18 = arith.andi %bitcast_convert_type3A_11, %and3A_17 : vector<2560x128xi32>
    %bitcast_convert_type3A_19 = tpu.bitcast %and3A_18 : vector<2560x128xi32> -> vector<2560x128xf32>
    %add3A = arith.addf %bitcast_convert_type3A_4, %bitcast_convert_type3A_15 : vector<2560x128xf32>
    %get3A_20 = arith.constant 0 : index
    %get3A_21 = arith.constant 0 : index
    %get3A_22 = vector.load %arg3[%get3A_20, %get3A_21] : memref<1x128xf32, #tpu.memory_space<vmem>>, vector<1x128xf32>
    %add3A_23 = vector.broadcast %get3A_22 : vector<1x128xf32> to vector<2560x128xf32>
    %add3A_24 = arith.addf %add3A, %add3A_23 : vector<2560x128xf32>
    %max3A = arith.constant 0.000000e+00 : f32
    %max3A_25 = vector.broadcast %max3A : f32 to vector<2560x128xf32>
    %max3A_26 = arith.maximumf %add3A_24, %max3A_25 : vector<2560x128xf32>
    %add3A_27 = arith.addf %bitcast_convert_type3A_7, %bitcast_convert_type3A_19 : vector<2560x128xf32>
    %get3A_28 = arith.constant 0 : index
    %get3A_29 = arith.constant 0 : index
    %get3A_30 = vector.load %arg4[%get3A_28, %get3A_29] : memref<1x128xf32, #tpu.memory_space<vmem>>, vector<1x128xf32>
    %add3A_31 = vector.broadcast %get3A_30 : vector<1x128xf32> to vector<2560x128xf32>
    %add3A_32 = arith.addf %add3A_27, %add3A_31 : vector<2560x128xf32>
    %max3A_33 = arith.constant 0.000000e+00 : f32
    %max3A_34 = vector.broadcast %max3A_33 : f32 to vector<2560x128xf32>
    %max3A_35 = arith.maximumf %add3A_32, %max3A_34 : vector<2560x128xf32>
    %get3A_36 = arith.constant 0 : index
    %get3A_37 = arith.constant 0 : index
    %get3A_38 = vector.load %arg5[%get3A_36, %get3A_37] : memref<128x128xf32, #tpu.memory_space<vmem>>, vector<128x128xf32>
    %dot_general3A = arith.constant dense<0.000000e+00> : vector<2560x128xf32>
    %dot_general3A_39 = tpu.matmul %max3A_26, %get3A_38, %dot_general3A {dimension_numbers = #tpu.dot_dimension_numbers<[1], [0], [0], [1], [0, 0, 1, 1], [], []>, transpose_lhs_hint = false} : vector<2560x128xf32>, vector<128x128xf32>, vector<2560x128xf32> -> vector<2560x128xf32>
    %get3A_40 = arith.constant 0 : index
    %get3A_41 = arith.constant 0 : index
    %get3A_42 = vector.load %arg6[%get3A_40, %get3A_41] : memref<128x128xf32, #tpu.memory_space<vmem>>, vector<128x128xf32>
    %dot_general3A_43 = arith.constant dense<0.000000e+00> : vector<2560x128xf32>
    %dot_general3A_44 = tpu.matmul %max3A_35, %get3A_42, %dot_general3A_43 {dimension_numbers = #tpu.dot_dimension_numbers<[1], [0], [0], [1], [0, 0, 1, 1], [], []>, transpose_lhs_hint = false} : vector<2560x128xf32>, vector<128x128xf32>, vector<2560x128xf32> -> vector<2560x128xf32>
    %add3A_45 = arith.addf %dot_general3A_39, %dot_general3A_44 : vector<2560x128xf32>
    %get3A_46 = arith.constant 0 : index
    %get3A_47 = arith.constant 0 : index
    %get3A_48 = vector.load %arg7[%get3A_46, %get3A_47] : memref<1x128xf32, #tpu.memory_space<vmem>>, vector<1x128xf32>
    %add3A_49 = vector.broadcast %get3A_48 : vector<1x128xf32> to vector<2560x128xf32>
    %add3A_50 = arith.addf %add3A_45, %add3A_49 : vector<2560x128xf32>
    %max3A_51 = arith.constant 0.000000e+00 : f32
    %max3A_52 = vector.broadcast %max3A_51 : f32 to vector<2560x128xf32>
    %max3A_53 = arith.maximumf %add3A_50, %max3A_52 : vector<2560x128xf32>
    %get3A_54 = arith.constant 0 : index
    %get3A_55 = arith.constant 0 : index
    %get3A_56 = vector.load %arg8[%get3A_54, %get3A_55] : memref<128x1xf32, #tpu.memory_space<vmem>>, vector<128x1xf32>
    %dot_general3A_57 = arith.constant dense<0.000000e+00> : vector<2560x1xf32>
    %dot_general3A_58 = tpu.matmul %max3A_53, %get3A_56, %dot_general3A_57 {dimension_numbers = #tpu.dot_dimension_numbers<[1], [0], [0], [1], [0, 0, 1, 1], [], []>, transpose_lhs_hint = false} : vector<2560x128xf32>, vector<128x1xf32>, vector<2560x1xf32> -> vector<2560x1xf32>
    %get3A_59 = arith.constant 0 : index
    %get3A_60 = arith.constant 0 : index
    %get3A_61 = vector.load %arg9[%get3A_59, %get3A_60] : memref<1x1xf32, #tpu.memory_space<vmem>>, vector<1x1xf32>
    %add3A_62 = vector.broadcast %get3A_61 : vector<1x1xf32> to vector<2560x1xf32>
    %add3A_63 = arith.addf %dot_general3A_58, %add3A_62 : vector<2560x1xf32>
    %reshape3A = vector.shape_cast %add3A_63 : vector<2560x1xf32> to vector<1x2560xf32>
    %swap3A = arith.constant 0 : index
    %swap3A_64 = arith.constant 0 : index
    %swap3A_65 = vector.load %arg10[%swap3A, %swap3A_64] : memref<1x2560xf32, #tpu.memory_space<vmem>>, vector<1x2560xf32>
    tpu.vector_store %arg10[%swap3A, %swap3A_64], %reshape3A {strides = array<i32>} : memref<1x2560xf32, #tpu.memory_space<vmem>>, vector<1x2560xf32>,
    return
  }
  func.func @transform_0(%arg0: i32) -> (i32, i32) {
    %c0_i32 = arith.constant 0 : i32
    %c0_i32_0 = arith.constant 0 : i32
    return %arg0, %c0_i32 : i32, i32
  }
  func.func @transform_1(%arg0: i32) -> (i32, i32) {
    %c0_i32 = arith.constant 0 : i32
    %c0_i32_0 = arith.constant 0 : i32
    return %arg0, %c0_i32 : i32, i32
  }
  func.func @transform_2(%arg0: i32) -> (i32, i32) {
    %c0_i32 = arith.constant 0 : i32
    %c0_i32_0 = arith.constant 0 : i32
    %c0_i32_1 = arith.constant 0 : i32
    return %c0_i32, %c0_i32_0 : i32, i32
  }
  func.func @transform_3(%arg0: i32) -> (i32, i32) {
    %c0_i32 = arith.constant 0 : i32
    %c0_i32_0 = arith.constant 0 : i32
    %c0_i32_1 = arith.constant 0 : i32
    return %c0_i32, %c0_i32_0 : i32, i32
  }
  func.func @transform_4(%arg0: i32) -> (i32, i32) {
    %c0_i32 = arith.constant 0 : i32
    %c0_i32_0 = arith.constant 0 : i32
    %c0_i32_1 = arith.constant 0 : i32
    return %c0_i32, %c0_i32_0 : i32, i32
  }
  func.func @transform_5(%arg0: i32) -> (i32, i32) {
    %c0_i32 = arith.constant 0 : i32
    %c0_i32_0 = arith.constant 0 : i32
    %c0_i32_1 = arith.constant 0 : i32
    return %c0_i32, %c0_i32_0 : i32, i32
  }
  func.func @transform_6(%arg0: i32) -> (i32, i32) {
    %c0_i32 = arith.constant 0 : i32
    %c0_i32_0 = arith.constant 0 : i32
    %c0_i32_1 = arith.constant 0 : i32
    return %c0_i32, %c0_i32_0 : i32, i32
  }
  func.func @transform_7(%arg0: i32) -> (i32, i32) {
    %c0_i32 = arith.constant 0 : i32
    %c0_i32_0 = arith.constant 0 : i32
    %c0_i32_1 = arith.constant 0 : i32
    return %c0_i32, %c0_i32_0 : i32, i32
  }
  func.func @transform_8(%arg0: i32) -> (i32, i32) {
    %c0_i32 = arith.constant 0 : i32
    %c0_i32_0 = arith.constant 0 : i32
    %c0_i32_1 = arith.constant 0 : i32
    return %c0_i32, %c0_i32_0 : i32, i32
  }
  func.func @transform_9(%arg0: i32) -> (i32, i32) {
    %c0_i32 = arith.constant 0 : i32
    %c0_i32_0 = arith.constant 0 : i32
    return %c0_i32, %arg0 : i32, i32
  }
}

</mosaic_0001>

<sc_bundles>
// kernel: kernel.12.cloned.1.call-start
scs
__scs_entry_jumppad:
0x0: {  	(pc) =	sbr.rel $0x88, $3  }
0x1: {  	(tag) =	ssettag $0x0;
	lr =	simm.s32 $0x1  }
0x2: {  	[smem:$0x3F8C] =	sst lr;
	_ =	strace $0xD0000000  }
0x3: {  	_ = 	snop  }
0x4: {  	_ = 	snop  }
0x5: {  	_ = 	snop  }
0x6: {  	_ = 	snop  }
0x7: {  	_ = 	snop  }
__scs_overlays_trampoline_lowered:
0x8: {  	[smem:$0x3F9B] =	sst s0  }
0x9: {  	[smem:$0x3F9C] =	sst s1  }
0xa: {  	[smem:$0x3F9D] =	sst s2  }
0xb: {  	[smem:$0x3F9E] =	sst s3  }
0xc: {  	[smem:$0x3F9F] =	sst s4  }
0xd: {  	[smem:$0x3FA0] =	sst s5  }
0xe: {  	[smem:$0x3FA1] =	sst s6  }
0xf: {  	[smem:$0x3FA2] =	sst s7  }
0x10: {  	[smem:$0x3FA3] =	sst s8  }
0x11: {  	[smem:$0x3FA4] =	sst s9;
	s0 =	simm.s32 @!p0 $0x0  }
0x12: {  	s1 =	sld [smem:$0x3F8A];
	s0 =	simm.s32 @p0 $0x1  }
0x13: {  	[smem:$0x3FA5] =	sst s0;
	s0 =	simm.s32 @!p1 $0x0  }
0x14: {  	s2 =	sld [smem:$0x3F89];
	s0 =	simm.s32 @p1 $0x1  }
0x15: {  	[smem:$0x3FA6] =	sst s0;
	s0 =	simm.s32 @!p2 $0x0  }
0x16: {  	s3 =	sld [smem:$0x3FDB];
	s0 =	simm.s32 @p2 $0x1  }
0x17: {  	s4 =	simm.s32 $0x1BF5;
	[smem:$0x3FA8] =	sst s0  }
0x18: {  	s0 =	sld [smem:$0x3F8B];
	_ =	swait.ge [sflag:s4], $0x0  }
0x19: {  	s7 =	sld [smem:$0x3F8C]  }
0x1a: {  	s8 =	sadd.s32 $0xFFFFE003, lr  }
0x1b: {  	s9 =	sadd.s32 $0xFFFFFEF7, lr;
	s5 =	simm.s32 $0xFFFFFFFF;
	p2 =	slt.u32 s8, $0xFFFFF086  }
0x1c: {  	p1 =	slt.u32 s9, $0xF7A;
	s5 =	simm.s32 @!p2 $0x0  }
0x1d: {  	s5 =	simm.s32 @p1 $0x1;
	p0 =	seq.s32 s7, s2  }
0x1e: {  	s7 =	smul.u32 @!p0 $0xF7A, s2;
	p2 =	seq.s32 @!p0 s5, $0x0  }
0x1f: {  	s9 =	smul.u32 $0xF7A, s1;
	s8 =	simm.s32 @!p0 $0x1BF5;
	p2 =	por !p2, p0  }
0x20: {  	[sflag:s8] =	ssyncset.s32 @!p0 $0xFFFFF086;
	s6 =	sadd.s32 @!p0 s3, s7;
	s7 =	simm.s32 @!p0 $0x108  }
0x21: {  	s3 =	sadd.s32 s3, s9;
	s6 =	sadd.s32 @!p0 $0x88, s6;
	s7 =	simm.s32 @p2 $0x1082  }
0x22: {  	[simem:s7], [sflag:s8] =	dma.local @!p0 [hbm:s6], $0xF7A  }
0x23: {  	s9 =	sor.u32 $0xD0000000, s2;
	s6 =	simm.s32 $0x108;
	_ =	swait.ge @!p0 [sflag:s8], $0x0  }
0x24: {  	s3 =	sadd.s32 $0x88, s3;
	s6 =	simm.s32 @!p1 $0x1082;
	[sflag:s4] =	ssyncset.s32 $0xFFFFF086  }
0x25: {  	[simem:s6], [sflag:s4] =	dma.local [hbm:s3], $0xF7A  }
0x26: {  	[smem:$0x3F8C] =	sst s1;
	(tag) =	ssettag s2;
	_ =	strace s9  }
0x27: {  	s1 =	sld [smem:$0x3F9C]  }
0x28: {  	s2 =	sld [smem:$0x3F9D]  }
0x29: {  	s4 =	sld [smem:$0x3F9F]  }
0x2a: {  	p0 =	seq.s32 s5, $0x0;
	s5 =	sld [smem:$0x3FA0]  }
0x2b: {  	s6 =	sld [smem:$0x3FA1]  }
0x2c: {  	s7 =	sld [smem:$0x3FA2]  }
0x2d: {  	s3 =	simm.s32 $0x108;
	s8 =	sld [smem:$0x3FA3]  }
0x2e: {  	s3 =	simm.s32 @!p0 $0x1082;
	s9 =	sld [smem:$0x3FA4]  }
0x2f: {  	lr =	sadd.s32 s0, s3;
	s0 =	sld [smem:$0x3F9B]  }
0x30: {  	s3 =	sld [smem:$0x3F9E]  }
0x31: {  	[smem:$0x3FA7] =	sst s10  }
0x32: {  	s10 =	sld [smem:$0x3FA5];
	_ =	sdelay $0x3  }
0x33: {  	p0 =	seq.s32 s10, $0x1;
	s10 =	sld [smem:$0x3FA7];
	_ =	sdelay $0x3  }
0x34: {  	[smem:$0x3FA7] =	sst s10  }
0x35: {  	s10 =	sld [smem:$0x3FA6];
	_ =	sdelay $0x3  }
0x36: {  	p1 =	seq.s32 s10, $0x1;
	s10 =	sld [smem:$0x3FA7];
	_ =	sdelay $0x3  }
0x37: {  	[smem:$0x3FA7] =	sst s10  }
0x38: {  	s10 =	sld [smem:$0x3FA8]  }
0x39: {  	_ = 	snop;
	(pc) =	sbr.ind lr, $3  }
0x3a: {  	_ = 	snop  }
0x3b: {  	_ = 	snop  }
0x3c: {  	p2 =	seq.s32 s10, $0x1;
	s10 =	sld [smem:$0x3FA7]  }
0x3d: {  	_ =	shalt  }
0x3e: {  	_ =	shalt  }
0x3f: {  	_ =	shalt  }
0x40: {  	_ =	shalt  }
0x41: {  	_ =	shalt  }
0x42: {  	_ =	shalt  }
0x43: {  	_ =	shalt  }
0x44: {  	_ =	shalt  }
0x45: {  	_ =	shalt  }
0x46: {  	_ =	shalt  }
0x47: {  	_ =	shalt  }
0x48: {  	_ =	shalt  }
0x49: {  	_ =	shalt  }
0x4a: {  	_ =	shalt  }
0x4b: {  	_ =	shalt  }
0x4c: {  	_ =	shalt  }
0x4d: {  	_ =	shalt  }
0x4e: {  	_ =	shalt  }
0x4f: {  	_ =	shalt  }
0x50: {  	_ =	shalt  }
0x51: {  	_ =	shalt  }
0x52: {  	_ =	shalt  }
0x53: {  	_ =	shalt  }
0x54: {  	_ =	shalt  }
0x55: {  	_ =	shalt  }
0x56: {  	_ =	shalt  }
0x57: {  	_ =	shalt  }
0x58: {  	_ =	shalt  }
0x59: {  	_ =	shalt  }
0x5a: {  	_ =	shalt  }
0x5b: {  	_ =	shalt  }
0x5c: {  	_ =	shalt  }
0x5d: {  	_ =	shalt  }
0x5e: {  	_ =	shalt  }
0x5f: {  	_ =	shalt  }
0x60: {  	_ =	shalt  }
0x61: {  	_ =	shalt  }
0x62: {  	_ =	shalt  }
0x63: {  	_ =	shalt  }
0x64: {  	_ =	shalt  }
0x65: {  	_ =	shalt  }
0x66: {  	_ =	shalt  }
0x67: {  	_ =	shalt  }
0x68: {  	_ =	shalt  }
0x69: {  	_ =	shalt  }
0x6a: {  	_ =	shalt  }
0x6b: {  	_ =	shalt  }
0x6c: {  	_ =	shalt  }
0x6d: {  	_ =	shalt  }
0x6e: {  	_ =	shalt  }
0x6f: {  	_ =	shalt  }
0x70: {  	_ =	shalt  }
0x71: {  	_ =	shalt  }
0x72: {  	_ =	shalt  }
0x73: {  	_ =	shalt  }
0x74: {  	_ =	shalt  }
0x75: {  	_ =	shalt  }
0x76: {  	_ =	shalt  }
0x77: {  	_ =	shalt  }
0x78: {  	_ =	shalt  }
0x79: {  	_ =	shalt  }
0x7a: {  	_ =	shalt  }
0x7b: {  	_ =	shalt  }
0x7c: {  	_ =	shalt  }
0x7d: {  	_ =	shalt  }
0x7e: {  	_ =	shalt  }
0x7f: {  	_ =	shalt  }
0x80: {  	_ =	shalt  }
0x81: {  	_ =	shalt  }
0x82: {  	_ =	shalt  }
0x83: {  	_ =	shalt  }
0x84: {  	_ =	shalt  }
0x85: {  	_ =	shalt  }
0x86: {  	_ =	shalt  }
0x87: {  	_ =	shalt  }
.Lfunc_end0:
.L_simem_size_0:
called_computation.1_lowered:
.L_overlay_start_0:
0x88: {  	s2 =	sld [smem:$0x3FD9]  }
0x89: {  	s3 =	sld [smem:$0x3FFE];
	_ =	sdelay $0x1  }
0x8a: {  	s1 =	srdreg.scid  }
0x8b: {  	s0 =	sand.u32 $0x1, s1  }
0x8c: {  	s16 =	sshll.u32 s0, $0xA;
	s2 =	sadd.s32 s3, s2  }
0x8d: {  	s2 =	sadd.s32 s2, s16  }
0x8e: {  	[smem:$0x3FB3] =	sst s2  }
0x8f: {  	_ = 	snop  }
0x90: {  	(tm) =	ssettm $0x1  }
0x91: {  	s17 =	sld [smem:$0x3FFB];
	_ =	sdelay $0x3  }
0x92: {  	_ =	strace s17  }
0x93: {  	s2 =	sld [smem:$0x3FFC];
	_ =	sdelay $0x3  }
0x94: {  	_ =	strace s2  }
0x95: {  	s2 =	sld [smem:$0x3FFD];
	_ =	sdelay $0x3  }
0x96: {  	_ =	strace s2  }
0x97: {  	_ =	strace $0x8FFFFFFF  }
0x98: {  	s18 =	sld [smem:$0x3FDB];
	_ =	sdelay $0x1  }
0x99: {  	s19 =	simm.s32 $_scs_section_size  }
0x9a: {  	s4 =	simm.s32 $_size__tile_overlayer_lowered;
	s5 =	simm.s32 $_tile_overlayer_lowered  }
0x9b: {  	s22 =	simm.s32 $0x1BFF;
	s21 =	sshll.u32 s5, $0x1;
	s2 =	sadd.s32 s19, s18  }
0x9c: {  	s6 =	simm.s32 $0x0;
	s20 =	sshll.u32 s4, $0x1;
	s4 =	sadd.s32 s21, s2  }
0x9d: {  	[timem:s6], [sflag:s22] =	dma.local [hbm:s4], s20  }
0x9e: {  	_ =	swait.ge [sflag:s22], s20  }
0x9f: {  	s3 =	ssub.s32 $0x0, s20;
	[sflag:s22] =	ssyncset.done $0x0  }
0xa0: {  	[sflag:s22] =	ssyncadd.s32 s3;
	_ =	sdelay $0x1  }
0xa1: {  	s23 =	simm.s32 $0x1B8B  }
0xa2: {  	_ =	swait.ge [sflag:s23], $0x1  }
0xa3: {  	[sflag:s23] =	ssyncset.done $0x0  }
0xa4: {  	s25 =	simm.s32 $0x1B8E;
	s24 =	sld [smem:$0x3FFE];
	[sflag:s23] =	ssyncadd.s32 $0xFFFFFFFF  }
0xa5: {  	s26 =	simm.s32 $execute0_lowered;
	[smem:$0x3FD2] =	sst s25  }
0xa6: {  	s4 =	sshll.u32 s26, $0x1;
	_ =	strace $0x80000049;
	[dreg:$0x1] =	wrdreg $0xFFFFFFFF  }
0xa7: {  	s28 =	simm.s32 $_size_execute0_lowered;
	s2 =	sadd.s32 s2, s4;
	[dreg:$0x0] =	wrdreg $0x0  }
0xa8: {  	s4 =	sshll.u32 s28, $0x1;
	[dreg:$0x2] =	wrdreg s2  }
0xa9: {  	[dreg:$0x3] =	wrdreg s4  }
0xaa: {  	[dreg:$0x4] =	wrdreg $0xC0  }
0xab: {  	_ =	task [dreg:s6], $0x5FFFF  }
0xac: {  	[dreg:$0x1] =	wrdreg $0xFFFFFFFF  }
0xad: {  	[dreg:$0x0] =	wrdreg $0x60  }
0xae: {  	[dreg:$0x2] =	wrdreg s24  }
0xaf: {  	[dreg:$0x3] =	wrdreg $0x24800  }
0xb0: {  	[dreg:$0x4] =	wrdreg $0x164800  }
0xb1: {  	[dreg:$0x5] =	wrdreg $0x9  }
0xb2: {  	_ =	task.clear_ibuf [dreg:s6], $0x6FFFF;
	_ =	strace $0x90000049  }
0xb3: {  	s29 =	simm.s32 $0x9;
	_ =	strace $0x8000004B  }
0xb4: {  	_ =	swait.ge [sflag:s29], $0x1  }
0xb5: {  	[sflag:s29] =	ssyncadd.s32 $0xFFFFFFFF  }
0xb6: {  	_ =	strace $0x9000004B  }
0xb7: {  	_ =	sfence  }
0xb8: {  	s30 =	sld [smem:$0x0];
	_ =	sdelay $0x2  }
0xb9: {  	s31 =	sshll.u32 s1, $0xD;
	s1 =	sshrl.u32 s1, $0x2  }
0xba: {  	s3 =	sand.u32 $0x4000, s31;
	s1 =	sadd.s32 s1, s30  }
0xbb: {  	s0 =	sor.u32 s3, s0;
	s1 =	sshll.u32 s1, $0x11  }
0xbc: {  	s0 =	sor.u32 s1, s0  }
0xbd: {  	s0 =	sadd.s32 $0x8F2B, s0  }
0xbe: {  	[sflag:s0] =	ssyncadd.remote.s32 $0x1  }
0xbf: {  	_ =	sfence.sel $0xFFFF  }
0xc0: {  	[dreg:$0x0] =	wrdreg $0xFFFFFFFF;
	(pc) =	sbr.abs _section_cstart, $3  }
0xc1: {  	[dreg:$0x1] =	wrdreg $0xFFFFFFFF  }
0xc2: {  	_ =	task.clear_ibuf [dreg:s6], $0x2FFFF;
	_ =	strace $0x9FFFFFFF  }
0xc3: {  	(tm) =	ssettm $0x7FFFFFFF  }
tec
execute0_lowered:
.L_overlay_start_1:
0x0: {  	(tag) =	ssettag $0x1  }
0x1: {  	s0 =	rddreg [dreg:$0x0]  }
0x2: {  	s1 =	rddreg [dreg:$0x1]  }
0x3: {  	s8 =	rddreg [dreg:$0x2];
	s2 =	simm.s32 $0x0  }
0x4: {  	s7 =	srdreg.scid;
	s3 =	stileid.u32;
	s19 =	simm.s32 $0x2000  }
0x5: {  	s20 =	simm.s32 $0x3;
	s21 =	simm.s32 $0x1000;
	s22 =	simm.s32 $0x80  }
0x6: {  	s23 =	simm.s32 $0x16700;
	s24 =	simm.s32 $0x1A700;
	s25 =	simm.s32 $0x1  }
0x7: {  	s26 =	simm.s32 $0x2;
	s28 =	simm.s32 $0x1F00;
	s29 =	simm.s32 $0x1F80  }
0x8: {  	s30 =	simm.s32 $0x0;
	[smem:$0x7FF] =	sst s2;
	s4 =	sadd.s32 $0x11600, s0  }
0x9: {  	s5 =	sadd.s32 $0x7600, s0;
	s6 =	sadd.s32 $0x1B600, s0;
	s10 =	smul.u32 $0x50000, s3  }
0xa: {  	s9 =	sand.u32 $0x1, s7;
	s7 =	sadd.s32 $0x42800, s0;
	s12 =	smul.u32 $0xA00, s3  }
0xb: {  	s13 =	sadd.s32 $0x69A00, s0;
	s0 =	sadd.s32 $0x91A00, s0;
	_ =	strace $0x8000004A  }
0xc: {  	s11 =	ssub.s32 $0x2, s9;
	[dreg:$0x4] =	wrdreg s13;
	s13 =	smul.u32 $0x2800, s3  }
.Ltmp0:
0xd: {  	[dreg:$0x5] =	wrdreg s0;
	p0 =	seq.s32 s9, $0x0;
	(pc) =	sbr.rel .LBB2_1-.Ltmp0, $4  }
0xe: {  	s31 =	sshrl.u32 s11, $0x1;
	s10 =	sshrl.u32 s10, $0x2;
	s12 =	sshrl.u32 s12, $0x2  }
0xf: {  	s0 =	ssub.s32 s11, s31;
	s10 =	sadd.s32 s10, s1;
	s12 =	sadd.s32 s12, s8  }
0x10: {  	s11 =	smul.u32 $0x5000, s3;
	s14 =	smax.u32 s0, $0x1;
	s15 =	sadd.s32 $0x80, s12  }
0x11: {  	v0 =	vimm.f32 $0.0e+00;
	v1 =	vimm.f32 $1.000000000e+00;
	s16 =	sadd.s32 $0x100, s12;
	s17 =	sadd.s32 $0x180, s12;
	s18 =	sadd.s32 $0x200, s12  }
.LBB2_14:
0x12: {  	s0 =	sadd.s32 s0, s13;
	s3 =	stileid.u32;
	s30 =	sadd.s32 $0x1, s30  }
0x13: {  	[bflag:$0x0] =	sbarrier.arrive $0xFFFF;
	s3 =	sshll.u32 s3, $0x6;
	p1 =	sne.s32 s30, s14  }
.Ltmp1:
0x14: {  	s8 =	sshrl.u32 s10, $0x3;
	s3 =	sor.u32 $0x1C03, s3;
	(pc) =	sbr.rel @!p1 .LBB2_15-.Ltmp1, $4  }
0x15: {  	[hbm:s0], [sflag:s3] =	dma.local [spmem:s8], $0x2800  }
0x16: {  	_ =	swait.ge [sflag:s20], $0x2800  }
0x17: {  	[sflag:s20] =	ssyncset.done $0x0  }
0x18: {  	[sflag:s20] =	ssyncadd.s32 $0xFFFFD800  }
.LBB2_1:
0x19: {  	s0 =	sand.u32 $0xE00, s2  }
0x1a: {  	s8 =	sand.u32 $0x70, s2;
	s9 =	sshrl.u32 s0, $0x2  }
0x1b: {  	s0 =	simm.s32 $0x40;
	s31 =	sor.u32 s8, s9;
	s8 =	simm.s32 $0x0  }
.LBB2_2:
0x1c: {  	p1 =	sne.s32 s0, $0xFC0  }
0x1d: {  	[tilespmem:s31+$0x2000] =	vst v0;
	s8 =	sadd.s32 $0x10, s8;
	s9 =	smov.u32 s0;
	s0 =	sadd.s32 $0x40, s0  }
.Ltmp2:
0x1e: {  	(pc) =	sbr.rel @p1 .LBB2_2-.Ltmp2, $4  }
0x1f: {  	_ = 	snop  }
0x20: {  	s9 =	sand.u32 $0xE00, s9  }
0x21: {  	s31 =	sand.u32 $0x70, s8;
	s9 =	sshrl.u32 s9, $0x2  }
0x22: {  	s31 =	sor.u32 s31, s9  }
0x23: {  	[tilespmem:s31+$0x2000] =	vst v0  }
0x24: {  	[tilespmem:$0x2400] =	vst v1  }
0x25: {  	[tilespmem:$0x2410] =	vst v1  }
0x26: {  	[tilespmem:$0x2420] =	vst v1  }
0x27: {  	[tilespmem:$0x2430] =	vst v1  }
0x28: {  	[tilespmem:$0x2440] =	vst v1  }
0x29: {  	[tilespmem:$0x2450] =	vst v1  }
0x2a: {  	[tilespmem:$0x2460] =	vst v1  }
0x2b: {  	s0 =	sadd.s32 $0x0, s10;
	[tilespmem:$0x2470] =	vst v1  }
0x2c: {  	[spmem:s0] =	stream.linear.scatter [tilespmem:s19], [sflag:$0x3], $0x400, $0x38;
	[tilespmem:$0x1E700] =	vst v63  }
0x2d: {  	s0 =	simm.s32 $0x1000;
	_ =	swait.ge [sflag:s20], $0x400  }
.LBB2_4:
0x2e: {  	s8 =	sshra.s32 s0, $0x2;
	[sflag:s20] =	ssyncset.done $0x0;
	p1 =	seq.s32 s0, $0x4F000  }
.Ltmp3:
0x2f: {  	s8 =	sadd.s32 s8, s10;
	[sflag:s20] =	ssyncadd.s32 $0xFFFFFC00;
	(pc) =	sbr.rel @!p1 .LBB2_4-.Ltmp3, $3  }
0x30: {  	[spmem:s8] =	stream.linear.scatter [tilespmem:s19], [sflag:$0x3], $0x400, $0x38;
	[tilespmem:$0x1E700] =	vst v63  }
0x31: {  	s0 =	sadd.s32 $0x1000, s0;
	_ =	sdelay $0x1  }
0x32: {  	_ =	swait.ge [sflag:s20], $0x400  }
0x33: {  	[sflag:s20] =	ssyncset.done $0x0  }
0x34: {  	[sflag:s20] =	ssyncadd.s32 $0xFFFFFC00  }
0x35: {  	[spmem:s12] =	stream.linear.scatter [tilespmem:s19], [sflag:$0x3], $0x80, $0x38;
	[tilespmem:$0x1E700] =	vst v63  }
0x36: {  	_ =	swait.ge [sflag:s20], $0x80  }
0x37: {  	[sflag:s20] =	ssyncset.done $0x0  }
0x38: {  	[sflag:s20] =	ssyncadd.s32 $0xFFFFFF80  }
0x39: {  	[spmem:s15] =	stream.linear.scatter [tilespmem:s19], [sflag:$0x3], $0x80, $0x38;
	[tilespmem:$0x1E700] =	vst v63  }
0x3a: {  	_ =	swait.ge [sflag:s20], $0x80  }
0x3b: {  	[sflag:s20] =	ssyncset.done $0x0  }
0x3c: {  	[sflag:s20] =	ssyncadd.s32 $0xFFFFFF80  }
0x3d: {  	[spmem:s16] =	stream.linear.scatter [tilespmem:s19], [sflag:$0x3], $0x80, $0x38;
	[tilespmem:$0x1E700] =	vst v63  }
0x3e: {  	_ =	swait.ge [sflag:s20], $0x80  }
0x3f: {  	[sflag:s20] =	ssyncset.done $0x0  }
0x40: {  	[sflag:s20] =	ssyncadd.s32 $0xFFFFFF80  }
0x41: {  	[spmem:s17] =	stream.linear.scatter [tilespmem:s19], [sflag:$0x3], $0x80, $0x38;
	[tilespmem:$0x1E700] =	vst v63  }
0x42: {  	_ =	swait.ge [sflag:s20], $0x80  }
0x43: {  	[sflag:s20] =	ssyncset.done $0x0  }
0x44: {  	[sflag:s20] =	ssyncadd.s32 $0xFFFFFF80  }
0x45: {  	[spmem:s18] =	stream.linear.scatter [tilespmem:s19], [sflag:$0x3], $0x80, $0x38;
	[tilespmem:$0x1E700] =	vst v63  }
.Ltmp4:
0x46: {  	_ =	swait.ge [sflag:s20], $0x80;
	(pc) =	sbr.rel @!p0 .LBB2_10-.Ltmp4, $4  }
0x47: {  	[sflag:s20] =	ssyncset.done $0x0  }
0x48: {  	[sflag:s20] =	ssyncadd.s32 $0xFFFFFF80  }
0x49: {  	[bflag:$0x0] =	sbarrier.arrive $0xFFFF  }
0x4a: {  	s31 =	simm.s32 $0x0;
	s0 =	simm.s32 $0x0;
	s8 =	simm.s32 $0x0  }
.LBB2_6:
0x4b: {  	s8 =	sshll.u32 s0, $0xC  }
0x4c: {  	s8 =	sadd.s32 s11, s8  }
0x4d: {  	s8 =	sshrl.u32 s8, $0x3  }
0x4e: {  	s9 =	sadd.s32 s4, s8  }
0x4f: {  	[tilespmem:s31], [sflag:$0x3] =	stream.linear.gather [hbm4b:s9+s31], $0x1000, $0x38;
	[tilespmem:$0x1E700] =	vst v63  }
0x50: {  	_ =	swait.ge [sflag:s20], $0x1000  }
0x51: {  	[sflag:s20] =	ssyncset.done $0x0  }
0x52: {  	s8 =	sadd.s32 s5, s8;
	[sflag:s20] =	ssyncadd.s32 $0xFFFFF000  }
0x53: {  	[tilespmem:s21], [sflag:$0x3] =	stream.linear.gather [hbm4b:s8+s31], $0x1000, $0x38;
	[tilespmem:$0x1E700] =	vst v63  }
0x54: {  	_ =	swait.ge [sflag:s20], $0x1000  }
0x55: {  	[sflag:s20] =	ssyncset.done $0x0  }
0x56: {  	[sflag:s20] =	ssyncadd.s32 $0xFFFFF000  }
0x57: {  	[tilespmem:s23], [sflag:$0x1] =	stream.indirect.gather [hbm4b:s6+s22], $0x80, s31, s22, $0xb8;
	[tilespmem:$0x1E700] =	vst v63  }
0x58: {  	_ = 	snop  }
0x59: {  	[tilespmem:s24], [sflag:$0x2] =	stream.indirect.gather [hbm4b:s6+s22], $0x80, s22, s22, $0xb8;
	[tilespmem:$0x1E700] =	vst v63  }
0x5a: {  	_ =	swait.ge [sflag:s25], $0x4000  }
0x5b: {  	[sflag:s25] =	ssyncset.done $0x0  }
0x5c: {  	s9 =	simm.s32 $0x1000;
	[sflag:s25] =	ssyncadd.s32 $0xFFFFC000  }
0x5d: {  	[spmem:s1] =	stream.indirect.scatter.add.f32 [tilespmem:s23], [sflag:$0x3], $0x80, s9, s22, $0xb8;
	[tilespmem:$0x1E700] =	vst v63  }
0x5e: {  	_ =	swait.ge [sflag:s20], $0x4000  }
0x5f: {  	[sflag:s20] =	ssyncset.done $0x0  }
0x60: {  	s3 =	simm.s32 $0x100;
	[sflag:s20] =	ssyncadd.s32 $0xFFFFC000  }
0x61: {  	[tilespmem:s23], [sflag:$0x1] =	stream.indirect.gather [hbm4b:s6+s22], $0x80, s3, s22, $0xb8;
	[tilespmem:$0x1E700] =	vst v63  }
0x62: {  	_ =	swait.ge [sflag:s26], $0x4000  }
0x63: {  	[sflag:s26] =	ssyncset.done $0x0  }
0x64: {  	s9 =	simm.s32 $0x1080;
	[sflag:s26] =	ssyncadd.s32 $0xFFFFC000  }
0x65: {  	[spmem:s1] =	stream.indirect.scatter.add.f32 [tilespmem:s24], [sflag:$0x3], $0x80, s9, s22, $0xb8;
	[tilespmem:$0x1E700] =	vst v63  }
0x66: {  	_ =	swait.ge [sflag:s20], $0x4000  }
0x67: {  	[sflag:s20] =	ssyncset.done $0x0  }
0x68: {  	s8 =	simm.s32 $0x400;
	s9 =	simm.s32 $0x180;
	[sflag:s20] =	ssyncadd.s32 $0xFFFFC000  }
.LBB2_7:
0x69: {  	[tilespmem:s24], [sflag:$0x2] =	stream.indirect.gather [hbm4b:s6+s22], $0x80, s9, s22, $0xb8;
	[tilespmem:$0x1E700] =	vst v63  }
0x6a: {  	s9 =	smov.u32 s8  }
0x6b: {  	p1 =	sne.s32 s8, $0x3800;
	s8 =	sadd.s32 $0x400, s8;
	_ =	swait.ge [sflag:s25], $0x4000  }
0x6c: {  	s9 =	sshra.s32 s9, $0x2;
	[sflag:s25] =	ssyncset.done $0x0  }
0x6d: {  	s3 =	sadd.s32 $0x1000, s9;
	[sflag:s25] =	ssyncadd.s32 $0xFFFFC000  }
0x6e: {  	[spmem:s1] =	stream.indirect.scatter.add.f32 [tilespmem:s23], [sflag:$0x3], $0x80, s3, s22, $0xb8;
	[tilespmem:$0x1E700] =	vst v63  }
0x6f: {  	_ =	swait.ge [sflag:s20], $0x4000  }
0x70: {  	[sflag:s20] =	ssyncset.done $0x0  }
0x71: {  	s3 =	sadd.s32 $0x100, s9;
	[sflag:s20] =	ssyncadd.s32 $0xFFFFC000  }
0x72: {  	[tilespmem:s23], [sflag:$0x1] =	stream.indirect.gather [hbm4b:s6+s22], $0x80, s3, s22, $0xb8;
	[tilespmem:$0x1E700] =	vst v63  }
0x73: {  	_ =	swait.ge [sflag:s26], $0x4000  }
0x74: {  	[sflag:s26] =	ssyncset.done $0x0  }
.Ltmp5:
0x75: {  	s3 =	sadd.s32 $0x1080, s9;
	[sflag:s26] =	ssyncadd.s32 $0xFFFFC000;
	(pc) =	sbr.rel @p1 .LBB2_7-.Ltmp5, $4  }
0x76: {  	[spmem:s1] =	stream.indirect.scatter.add.f32 [tilespmem:s24], [sflag:$0x3], $0x80, s3, s22, $0xb8;
	[tilespmem:$0x1E700] =	vst v63  }
0x77: {  	_ =	swait.ge [sflag:s20], $0x4000  }
0x78: {  	[sflag:s20] =	ssyncset.done $0x0  }
0x79: {  	s9 =	sadd.s32 $0x180, s9;
	[sflag:s20] =	ssyncadd.s32 $0xFFFFC000  }
0x7a: {  	[tilespmem:s24], [sflag:$0x2] =	stream.indirect.gather [hbm4b:s6+s22], $0x80, s9, s22, $0xb8;
	[tilespmem:$0x1E700] =	vst v63  }
0x7b: {  	_ =	swait.ge [sflag:s25], $0x4000  }
0x7c: {  	[sflag:s25] =	ssyncset.done $0x0  }
0x7d: {  	[sflag:s25] =	ssyncadd.s32 $0xFFFFC000  }
0x7e: {  	[spmem:s1] =	stream.indirect.scatter.add.f32 [tilespmem:s23], [sflag:$0x3], $0x80, s28, s22, $0xb8;
	[tilespmem:$0x1E700] =	vst v63  }
0x7f: {  	_ =	swait.ge [sflag:s20], $0x4000  }
0x80: {  	[sflag:s20] =	ssyncset.done $0x0  }
0x81: {  	[sflag:s20] =	ssyncadd.s32 $0xFFFFC000  }
0x82: {  	s0 =	sadd.s32 $0x1, s0;
	_ =	swait.ge [sflag:s26], $0x4000  }
0x83: {  	p1 =	seq.s32 s0, $0x5;
	[sflag:s26] =	ssyncset.done $0x0  }
.Ltmp6:
0x84: {  	[sflag:s26] =	ssyncadd.s32 $0xFFFFC000;
	(pc) =	sbr.rel @!p1 .LBB2_6-.Ltmp6, $4  }
0x85: {  	[spmem:s1] =	stream.indirect.scatter.add.f32 [tilespmem:s24], [sflag:$0x3], $0x80, s29, s22, $0xb8;
	[tilespmem:$0x1E700] =	vst v63  }
0x86: {  	_ =	swait.ge [sflag:s20], $0x4000  }
0x87: {  	[sflag:s20] =	ssyncset.done $0x0  }
0x88: {  	[sflag:s20] =	ssyncadd.s32 $0xFFFFC000  }
.Ltmp7:
0x89: {  	(pc) =	sbr.rel .LBB2_14-.Ltmp7, $2  }
0x8a: {  	_ =	sdelay $0x2  }
0x8b: {  	s0 =	rddreg [dreg:$0x4]  }
.LBB2_10:
0x8c: {  	s0 =	sshll.u32 s8, $0xC  }
0x8d: {  	s0 =	sadd.s32 s11, s0  }
0x8e: {  	s0 =	sshrl.u32 s0, $0x3  }
0x8f: {  	s3 =	sadd.s32 s4, s0  }
0x90: {  	[tilespmem:s31], [sflag:$0x3] =	stream.linear.gather [hbm4b:s3+s31], $0x1000, $0x38;
	[tilespmem:$0x1E700] =	vst v63  }
0x91: {  	_ =	swait.ge [sflag:s20], $0x1000  }
0x92: {  	[sflag:s20] =	ssyncset.done $0x0  }
0x93: {  	s0 =	sadd.s32 s5, s0;
	[sflag:s20] =	ssyncadd.s32 $0xFFFFF000  }
0x94: {  	[tilespmem:s21], [sflag:$0x3] =	stream.linear.gather [hbm4b:s0+s31], $0x1000, $0x38;
	[tilespmem:$0x1E700] =	vst v63  }
0x95: {  	_ =	swait.ge [sflag:s20], $0x1000  }
0x96: {  	[sflag:s20] =	ssyncset.done $0x0  }
0x97: {  	[sflag:s20] =	ssyncadd.s32 $0xFFFFF000  }
0x98: {  	[tilespmem:s23], [sflag:$0x1] =	stream.indirect.gather [hbm4b:s7+s22], $0x80, s31, s22, $0xb8;
	[tilespmem:$0x1E700] =	vst v63  }
0x99: {  	_ = 	snop  }
0x9a: {  	[tilespmem:s24], [sflag:$0x2] =	stream.indirect.gather [hbm4b:s7+s22], $0x80, s22, s22, $0xb8;
	[tilespmem:$0x1E700] =	vst v63  }
0x9b: {  	_ =	swait.ge [sflag:s25], $0x4000  }
0x9c: {  	[sflag:s25] =	ssyncset.done $0x0  }
0x9d: {  	s9 =	simm.s32 $0x1000;
	[sflag:s25] =	ssyncadd.s32 $0xFFFFC000  }
0x9e: {  	[spmem:s1] =	stream.indirect.scatter.add.f32 [tilespmem:s23], [sflag:$0x3], $0x80, s9, s22, $0xb8;
	[tilespmem:$0x1E700] =	vst v63  }
0x9f: {  	_ =	swait.ge [sflag:s20], $0x4000  }
0xa0: {  	[sflag:s20] =	ssyncset.done $0x0  }
0xa1: {  	s3 =	simm.s32 $0x100;
	[sflag:s20] =	ssyncadd.s32 $0xFFFFC000  }
0xa2: {  	[tilespmem:s23], [sflag:$0x1] =	stream.indirect.gather [hbm4b:s7+s22], $0x80, s3, s22, $0xb8;
	[tilespmem:$0x1E700] =	vst v63  }
0xa3: {  	_ =	swait.ge [sflag:s26], $0x4000  }
0xa4: {  	[sflag:s26] =	ssyncset.done $0x0  }
0xa5: {  	s9 =	simm.s32 $0x1080;
	[sflag:s26] =	ssyncadd.s32 $0xFFFFC000  }
0xa6: {  	[spmem:s1] =	stream.indirect.scatter.add.f32 [tilespmem:s24], [sflag:$0x3], $0x80, s9, s22, $0xb8;
	[tilespmem:$0x1E700] =	vst v63  }
0xa7: {  	_ =	swait.ge [sflag:s20], $0x4000  }
0xa8: {  	[sflag:s20] =	ssyncset.done $0x0  }
0xa9: {  	s0 =	simm.s32 $0x400;
	s9 =	simm.s32 $0x180;
	[sflag:s20] =	ssyncadd.s32 $0xFFFFC000  }
.LBB2_11:
0xaa: {  	[tilespmem:s24], [sflag:$0x2] =	stream.indirect.gather [hbm4b:s7+s22], $0x80, s9, s22, $0xb8;
	[tilespmem:$0x1E700] =	vst v63  }
0xab: {  	s3 =	smov.u32 s0  }
0xac: {  	p1 =	sne.s32 s0, $0x3800;
	s0 =	sadd.s32 $0x400, s0;
	_ =	swait.ge [sflag:s25], $0x4000  }
0xad: {  	s3 =	sshra.s32 s3, $0x2;
	[sflag:s25] =	ssyncset.done $0x0  }
0xae: {  	s9 =	sadd.s32 $0x1000, s3;
	[sflag:s25] =	ssyncadd.s32 $0xFFFFC000  }
0xaf: {  	[spmem:s1] =	stream.indirect.scatter.add.f32 [tilespmem:s23], [sflag:$0x3], $0x80, s9, s22, $0xb8;
	[tilespmem:$0x1E700] =	vst v63  }
0xb0: {  	_ =	swait.ge [sflag:s20], $0x4000  }
0xb1: {  	[sflag:s20] =	ssyncset.done $0x0  }
0xb2: {  	s9 =	sadd.s32 $0x100, s3;
	[sflag:s20] =	ssyncadd.s32 $0xFFFFC000  }
0xb3: {  	[tilespmem:s23], [sflag:$0x1] =	stream.indirect.gather [hbm4b:s7+s22], $0x80, s9, s22, $0xb8;
	[tilespmem:$0x1E700] =	vst v63  }
0xb4: {  	_ =	swait.ge [sflag:s26], $0x4000  }
0xb5: {  	[sflag:s26] =	ssyncset.done $0x0  }
.Ltmp8:
0xb6: {  	s9 =	sadd.s32 $0x1080, s3;
	[sflag:s26] =	ssyncadd.s32 $0xFFFFC000;
	(pc) =	sbr.rel @p1 .LBB2_11-.Ltmp8, $4  }
0xb7: {  	[spmem:s1] =	stream.indirect.scatter.add.f32 [tilespmem:s24], [sflag:$0x3], $0x80, s9, s22, $0xb8;
	[tilespmem:$0x1E700] =	vst v63  }
0xb8: {  	_ =	swait.ge [sflag:s20], $0x4000  }
0xb9: {  	[sflag:s20] =	ssyncset.done $0x0  }
0xba: {  	s9 =	sadd.s32 $0x180, s3;
	[sflag:s20] =	ssyncadd.s32 $0xFFFFC000  }
0xbb: {  	[tilespmem:s24], [sflag:$0x2] =	stream.indirect.gather [hbm4b:s7+s22], $0x80, s9, s22, $0xb8;
	[tilespmem:$0x1E700] =	vst v63  }
0xbc: {  	_ =	swait.ge [sflag:s25], $0x4000  }
0xbd: {  	[sflag:s25] =	ssyncset.done $0x0  }
0xbe: {  	[sflag:s25] =	ssyncadd.s32 $0xFFFFC000  }
0xbf: {  	[spmem:s1] =	stream.indirect.scatter.add.f32 [tilespmem:s23], [sflag:$0x3], $0x80, s28, s22, $0xb8;
	[tilespmem:$0x1E700] =	vst v63  }
0xc0: {  	_ =	swait.ge [sflag:s20], $0x4000  }
0xc1: {  	[sflag:s20] =	ssyncset.done $0x0  }
0xc2: {  	[sflag:s20] =	ssyncadd.s32 $0xFFFFC000  }
0xc3: {  	s8 =	sadd.s32 $0x1, s8;
	_ =	swait.ge [sflag:s26], $0x4000  }
0xc4: {  	p1 =	sne.s32 s8, $0x5;
	[sflag:s26] =	ssyncset.done $0x0  }
.Ltmp9:
0xc5: {  	[sflag:s26] =	ssyncadd.s32 $0xFFFFC000;
	(pc) =	sbr.rel @p1 .LBB2_10-.Ltmp9, $4  }
0xc6: {  	[spmem:s1] =	stream.indirect.scatter.add.f32 [tilespmem:s24], [sflag:$0x3], $0x80, s29, s22, $0xb8;
	[tilespmem:$0x1E700] =	vst v63  }
0xc7: {  	_ =	swait.ge [sflag:s20], $0x4000  }
0xc8: {  	[sflag:s20] =	ssyncset.done $0x0  }
0xc9: {  	[sflag:s20] =	ssyncadd.s32 $0xFFFFC000  }
.Ltmp10:
0xca: {  	(pc) =	sbr.rel .LBB2_14-.Ltmp10, $2  }
0xcb: {  	_ =	sdelay $0x2  }
0xcc: {  	s0 =	rddreg [dreg:$0x5]  }
.LBB2_15:
0xcd: {  	_ =	sfence.sel $0x180000  }
0xce: {  	[bflag:$0x0] =	sbarrier.arrive $0xFFFF  }
0xcf: {  	_ =	strace $0x9000004A  }
0xd0: {  	s0 =	stileid.u32;
	[bflag:$0x2] =	sbarrier.arrive $0xFFFF  }
0xd1: {  	p0 =	sne.s32 s0, $0x0;
	s0 =	rddreg [dreg:$0x3]  }
0xd2: {  	s0 =	sadd.s32 @!p0 $0x100000, s0  }
0xd3: {  	[sflag:s0] =	ssyncadd.tile.s32 @!p0 $0x1;
	_ =	shalt  }
.Lfunc_end2:
_tile_overlayer_lowered:
.L_overlay_start_2:
0xd4: {  	(tag) =	ssettag $0x2  }
0xd5: {  	s0 =	rddreg [dreg:$0x0];
	s2 =	stileid.u32  }
0xd6: {  	s1 =	rddreg [dreg:$0x1];
	p0 =	sne.s32 s2, $0x0  }
0xd7: {  	s3 =	rddreg [dreg:$0x2];
	[bflag:$0x3] =	sbarrier.arrive $0xFFFF;
	s2 =	simm.s32 @!p0 $0x1C03  }
0xd8: {  	[timem:s3], [sflag:s2] =	dma.local @!p0 [hbm:s0], s1  }
0xd9: {  	s0 =	simm.s32 @!p0 $0x3  }
0xda: {  	_ =	swait.ge @!p0 [sflag:s0], s1  }
0xdb: {  	s1 =	ssub.s32 @!p0 $0x0, s1;
	[sflag:s0] =	ssyncset.done @!p0 $0x0  }
0xdc: {  	[sflag:s0] =	ssyncadd.s32 @!p0 s1  }
0xdd: {  	[bflag:$0x3] =	sbarrier.arrive $0xFFFF  }
0xde: {  	_ =	shalt  }

// kernel: kernel.15.cloned.1.call-start
scs
__scs_entry_jumppad:
0x0: {  	(pc) =	sbr.rel $0x88, $3  }
0x1: {  	(tag) =	ssettag $0x0;
	lr =	simm.s32 $0x1  }
0x2: {  	[smem:$0x3F8C] =	sst lr;
	_ =	strace $0xD0000000  }
0x3: {  	_ = 	snop  }
0x4: {  	_ = 	snop  }
0x5: {  	_ = 	snop  }
0x6: {  	_ = 	snop  }
0x7: {  	_ = 	snop  }
__scs_overlays_trampoline_lowered:
0x8: {  	[smem:$0x3F9B] =	sst s0  }
0x9: {  	[smem:$0x3F9C] =	sst s1  }
0xa: {  	[smem:$0x3F9D] =	sst s2  }
0xb: {  	[smem:$0x3F9E] =	sst s3  }
0xc: {  	[smem:$0x3F9F] =	sst s4  }
0xd: {  	[smem:$0x3FA0] =	sst s5  }
0xe: {  	[smem:$0x3FA1] =	sst s6  }
0xf: {  	[smem:$0x3FA2] =	sst s7  }
0x10: {  	[smem:$0x3FA3] =	sst s8  }
0x11: {  	[smem:$0x3FA4] =	sst s9;
	s0 =	simm.s32 @!p0 $0x0  }
0x12: {  	s1 =	sld [smem:$0x3F8A];
	s0 =	simm.s32 @p0 $0x1  }
0x13: {  	[smem:$0x3FA5] =	sst s0;
	s0 =	simm.s32 @!p1 $0x0  }
0x14: {  	s2 =	sld [smem:$0x3F89];
	s0 =	simm.s32 @p1 $0x1  }
0x15: {  	[smem:$0x3FA6] =	sst s0;
	s0 =	simm.s32 @!p2 $0x0  }
0x16: {  	s3 =	sld [smem:$0x3FDB];
	s0 =	simm.s32 @p2 $0x1  }
0x17: {  	s4 =	simm.s32 $0x1BF5;
	[smem:$0x3FA8] =	sst s0  }
0x18: {  	s0 =	sld [smem:$0x3F8B];
	_ =	swait.ge [sflag:s4], $0x0  }
0x19: {  	s7 =	sld [smem:$0x3F8C]  }
0x1a: {  	s8 =	sadd.s32 $0xFFFFE003, lr  }
0x1b: {  	s9 =	sadd.s32 $0xFFFFFEF7, lr;
	s5 =	simm.s32 $0xFFFFFFFF;
	p2 =	slt.u32 s8, $0xFFFFF086  }
0x1c: {  	p1 =	slt.u32 s9, $0xF7A;
	s5 =	simm.s32 @!p2 $0x0  }
0x1d: {  	s5 =	simm.s32 @p1 $0x1;
	p0 =	seq.s32 s7, s2  }
0x1e: {  	s7 =	smul.u32 @!p0 $0xF7A, s2;
	p2 =	seq.s32 @!p0 s5, $0x0  }
0x1f: {  	s9 =	smul.u32 $0xF7A, s1;
	s8 =	simm.s32 @!p0 $0x1BF5;
	p2 =	por !p2, p0  }
0x20: {  	[sflag:s8] =	ssyncset.s32 @!p0 $0xFFFFF086;
	s6 =	sadd.s32 @!p0 s3, s7;
	s7 =	simm.s32 @!p0 $0x108  }
0x21: {  	s3 =	sadd.s32 s3, s9;
	s6 =	sadd.s32 @!p0 $0x88, s6;
	s7 =	simm.s32 @p2 $0x1082  }
0x22: {  	[simem:s7], [sflag:s8] =	dma.local @!p0 [hbm:s6], $0xF7A  }
0x23: {  	s9 =	sor.u32 $0xD0000000, s2;
	s6 =	simm.s32 $0x108;
	_ =	swait.ge @!p0 [sflag:s8], $0x0  }
0x24: {  	s3 =	sadd.s32 $0x88, s3;
	s6 =	simm.s32 @!p1 $0x1082;
	[sflag:s4] =	ssyncset.s32 $0xFFFFF086  }
0x25: {  	[simem:s6], [sflag:s4] =	dma.local [hbm:s3], $0xF7A  }
0x26: {  	[smem:$0x3F8C] =	sst s1;
	(tag) =	ssettag s2;
	_ =	strace s9  }
0x27: {  	s1 =	sld [smem:$0x3F9C]  }
0x28: {  	s2 =	sld [smem:$0x3F9D]  }
0x29: {  	s4 =	sld [smem:$0x3F9F]  }
0x2a: {  	p0 =	seq.s32 s5, $0x0;
	s5 =	sld [smem:$0x3FA0]  }
0x2b: {  	s6 =	sld [smem:$0x3FA1]  }
0x2c: {  	s7 =	sld [smem:$0x3FA2]  }
0x2d: {  	s3 =	simm.s32 $0x108;
	s8 =	sld [smem:$0x3FA3]  }
0x2e: {  	s3 =	simm.s32 @!p0 $0x1082;
	s9 =	sld [smem:$0x3FA4]  }
0x2f: {  	lr =	sadd.s32 s0, s3;
	s0 =	sld [smem:$0x3F9B]  }
0x30: {  	s3 =	sld [smem:$0x3F9E]  }
0x31: {  	[smem:$0x3FA7] =	sst s10  }
0x32: {  	s10 =	sld [smem:$0x3FA5];
	_ =	sdelay $0x3  }
0x33: {  	p0 =	seq.s32 s10, $0x1;
	s10 =	sld [smem:$0x3FA7];
	_ =	sdelay $0x3  }
0x34: {  	[smem:$0x3FA7] =	sst s10  }
0x35: {  	s10 =	sld [smem:$0x3FA6];
	_ =	sdelay $0x3  }
0x36: {  	p1 =	seq.s32 s10, $0x1;
	s10 =	sld [smem:$0x3FA7];
	_ =	sdelay $0x3  }
0x37: {  	[smem:$0x3FA7] =	sst s10  }
0x38: {  	s10 =	sld [smem:$0x3FA8]  }
0x39: {  	_ = 	snop;
	(pc) =	sbr.ind lr, $3  }
0x3a: {  	_ = 	snop  }
0x3b: {  	_ = 	snop  }
0x3c: {  	p2 =	seq.s32 s10, $0x1;
	s10 =	sld [smem:$0x3FA7]  }
0x3d: {  	_ =	shalt  }
0x3e: {  	_ =	shalt  }
0x3f: {  	_ =	shalt  }
0x40: {  	_ =	shalt  }
0x41: {  	_ =	shalt  }
0x42: {  	_ =	shalt  }
0x43: {  	_ =	shalt  }
0x44: {  	_ =	shalt  }
0x45: {  	_ =	shalt  }
0x46: {  	_ =	shalt  }
0x47: {  	_ =	shalt  }
0x48: {  	_ =	shalt  }
0x49: {  	_ =	shalt  }
0x4a: {  	_ =	shalt  }
0x4b: {  	_ =	shalt  }
0x4c: {  	_ =	shalt  }
0x4d: {  	_ =	shalt  }
0x4e: {  	_ =	shalt  }
0x4f: {  	_ =	shalt  }
0x50: {  	_ =	shalt  }
0x51: {  	_ =	shalt  }
0x52: {  	_ =	shalt  }
0x53: {  	_ =	shalt  }
0x54: {  	_ =	shalt  }
0x55: {  	_ =	shalt  }
0x56: {  	_ =	shalt  }
0x57: {  	_ =	shalt  }
0x58: {  	_ =	shalt  }
0x59: {  	_ =	shalt  }
0x5a: {  	_ =	shalt  }
0x5b: {  	_ =	shalt  }
0x5c: {  	_ =	shalt  }
0x5d: {  	_ =	shalt  }
0x5e: {  	_ =	shalt  }
0x5f: {  	_ =	shalt  }
0x60: {  	_ =	shalt  }
0x61: {  	_ =	shalt  }
0x62: {  	_ =	shalt  }
0x63: {  	_ =	shalt  }
0x64: {  	_ =	shalt  }
0x65: {  	_ =	shalt  }
0x66: {  	_ =	shalt  }
0x67: {  	_ =	shalt  }
0x68: {  	_ =	shalt  }
0x69: {  	_ =	shalt  }
0x6a: {  	_ =	shalt  }
0x6b: {  	_ =	shalt  }
0x6c: {  	_ =	shalt  }
0x6d: {  	_ =	shalt  }
0x6e: {  	_ =	shalt  }
0x6f: {  	_ =	shalt  }
0x70: {  	_ =	shalt  }
0x71: {  	_ =	shalt  }
0x72: {  	_ =	shalt  }
0x73: {  	_ =	shalt  }
0x74: {  	_ =	shalt  }
0x75: {  	_ =	shalt  }
0x76: {  	_ =	shalt  }
0x77: {  	_ =	shalt  }
0x78: {  	_ =	shalt  }
0x79: {  	_ =	shalt  }
0x7a: {  	_ =	shalt  }
0x7b: {  	_ =	shalt  }
0x7c: {  	_ =	shalt  }
0x7d: {  	_ =	shalt  }
0x7e: {  	_ =	shalt  }
0x7f: {  	_ =	shalt  }
0x80: {  	_ =	shalt  }
0x81: {  	_ =	shalt  }
0x82: {  	_ =	shalt  }
0x83: {  	_ =	shalt  }
0x84: {  	_ =	shalt  }
0x85: {  	_ =	shalt  }
0x86: {  	_ =	shalt  }
0x87: {  	_ =	shalt  }
.Lfunc_end0:
.L_simem_size_0:
called_computation.2_lowered:
.L_overlay_start_0:
0x88: {  	s2 =	sld [smem:$0x3FD9]  }
0x89: {  	s3 =	sld [smem:$0x3FFE];
	_ =	sdelay $0x1  }
0x8a: {  	s1 =	srdreg.scid  }
0x8b: {  	s0 =	sand.u32 $0x1, s1  }
0x8c: {  	s16 =	sshll.u32 s0, $0xA;
	s2 =	sadd.s32 s3, s2  }
0x8d: {  	s2 =	sadd.s32 s2, s16  }
0x8e: {  	[smem:$0x3FB3] =	sst s2  }
0x8f: {  	_ = 	snop  }
0x90: {  	(tm) =	ssettm $0x1  }
0x91: {  	s17 =	sld [smem:$0x3FFB];
	_ =	sdelay $0x3  }
0x92: {  	_ =	strace s17  }
0x93: {  	s2 =	sld [smem:$0x3FFC];
	_ =	sdelay $0x3  }
0x94: {  	_ =	strace s2  }
0x95: {  	s2 =	sld [smem:$0x3FFD];
	_ =	sdelay $0x3  }
0x96: {  	_ =	strace s2  }
0x97: {  	_ =	strace $0x8FFFFFFF  }
0x98: {  	s18 =	sld [smem:$0x3FDB];
	_ =	sdelay $0x1  }
0x99: {  	s19 =	simm.s32 $_scs_section_size  }
0x9a: {  	s4 =	simm.s32 $_size__tile_overlayer_lowered;
	s5 =	simm.s32 $_tile_overlayer_lowered  }
0x9b: {  	s22 =	simm.s32 $0x1BFF;
	s21 =	sshll.u32 s5, $0x1;
	s2 =	sadd.s32 s19, s18  }
0x9c: {  	s6 =	simm.s32 $0x0;
	s20 =	sshll.u32 s4, $0x1;
	s4 =	sadd.s32 s21, s2  }
0x9d: {  	[timem:s6], [sflag:s22] =	dma.local [hbm:s4], s20  }
0x9e: {  	_ =	swait.ge [sflag:s22], s20  }
0x9f: {  	s3 =	ssub.s32 $0x0, s20;
	[sflag:s22] =	ssyncset.done $0x0  }
0xa0: {  	[sflag:s22] =	ssyncadd.s32 s3;
	_ =	sdelay $0x1  }
0xa1: {  	s23 =	simm.s32 $0x1B8B  }
0xa2: {  	_ =	swait.ge [sflag:s23], $0x1  }
0xa3: {  	[sflag:s23] =	ssyncset.done $0x0  }
0xa4: {  	s25 =	simm.s32 $0x1B8E;
	s24 =	sld [smem:$0x3FFE];
	[sflag:s23] =	ssyncadd.s32 $0xFFFFFFFF  }
0xa5: {  	s26 =	simm.s32 $execute0_lowered;
	[smem:$0x3FD2] =	sst s25  }
0xa6: {  	s4 =	sshll.u32 s26, $0x1;
	_ =	strace $0x8000004C;
	[dreg:$0x1] =	wrdreg $0xFFFFFFFF  }
0xa7: {  	s28 =	simm.s32 $_size_execute0_lowered;
	s2 =	sadd.s32 s2, s4;
	[dreg:$0x0] =	wrdreg $0x0  }
0xa8: {  	s4 =	sshll.u32 s28, $0x1;
	[dreg:$0x2] =	wrdreg s2  }
0xa9: {  	[dreg:$0x3] =	wrdreg s4  }
0xaa: {  	[dreg:$0x4] =	wrdreg $0xC0  }
0xab: {  	_ =	task [dreg:s6], $0x5FFFF  }
0xac: {  	[dreg:$0x1] =	wrdreg $0xFFFFFFFF  }
0xad: {  	[dreg:$0x0] =	wrdreg $0x60  }
0xae: {  	[dreg:$0x2] =	wrdreg s24  }
0xaf: {  	[dreg:$0x3] =	wrdreg $0x9  }
0xb0: {  	_ =	task.clear_ibuf [dreg:s6], $0x4FFFF;
	_ =	strace $0x9000004C  }
0xb1: {  	s29 =	simm.s32 $0x9;
	_ =	strace $0x8000004E  }
0xb2: {  	_ =	swait.ge [sflag:s29], $0x1  }
0xb3: {  	[sflag:s29] =	ssyncadd.s32 $0xFFFFFFFF  }
0xb4: {  	_ =	strace $0x9000004E  }
0xb5: {  	_ =	sfence  }
0xb6: {  	s30 =	sld [smem:$0x0];
	_ =	sdelay $0x2  }
0xb7: {  	s31 =	sshll.u32 s1, $0xD;
	s1 =	sshrl.u32 s1, $0x2  }
0xb8: {  	s3 =	sand.u32 $0x4000, s31;
	s1 =	sadd.s32 s1, s30  }
0xb9: {  	s0 =	sor.u32 s3, s0;
	s1 =	sshll.u32 s1, $0x11  }
0xba: {  	s0 =	sor.u32 s1, s0  }
0xbb: {  	s0 =	sadd.s32 $0x8F2B, s0  }
0xbc: {  	[sflag:s0] =	ssyncadd.remote.s32 $0x1  }
0xbd: {  	_ =	sfence.sel $0xFFFF  }
0xbe: {  	[dreg:$0x0] =	wrdreg $0xFFFFFFFF;
	(pc) =	sbr.abs _section_cstart, $3  }
0xbf: {  	[dreg:$0x1] =	wrdreg $0xFFFFFFFF  }
0xc0: {  	_ =	task.clear_ibuf [dreg:s6], $0x2FFFF;
	_ =	strace $0x9FFFFFFF  }
0xc1: {  	(tm) =	ssettm $0x7FFFFFFF  }
tec
execute0_lowered:
.L_overlay_start_1:
0x0: {  	(tag) =	ssettag $0x1  }
0x1: {  	s0 =	srdreg.scid  }
0x2: {  	s11 =	stileid.u32;
	s5 =	rddreg [dreg:$0x0]  }
0x3: {  	s2 =	simm.s32 $0x0;
	s16 =	simm.s32 $0x2800;
	s17 =	simm.s32 $0x80  }
0x4: {  	s18 =	simm.s32 $0x5000;
	s19 =	simm.s32 $0xD000;
	s28 =	simm.s32 $0x2  }
0x5: {  	s29 =	simm.s32 $0x4;
	s30 =	simm.s32 $0x6;
	s9 =	smul.u32 $0xA0, s11  }
0x6: {  	s31 =	simm.s32 $0x8;
	s0 =	sand.u32 $0x1, s0;
	s15 =	smul.u32 $0x50000, s11  }
0x7: {  	s1 =	sshll.u32 s11, $0x1;
	[smem:$0x7FF] =	sst s2;
	s10 =	smul.u32 $0x50, s0  }
0x8: {  	s1 =	sor.u32 s0, s1;
	s7 =	ssub.s32 $0x2, s0;
	s0 =	smul.u32 $0x28000, s0  }
0x9: {  	s4 =	sadd.s32 $0x2E800, s5;
	s14 =	sadd.s32 $0xF4C00, s5;
	s3 =	smul.u32 $0x500, s1  }
0xa: {  	_ =	strace $0x8000004D;
	s1 =	smul.u32 $0x28000, s1;
	s8 =	sshrl.u32 s7, $0x1  }
0xb: {  	s26 =	sadd.s32 s15, s14;
	s7 =	ssub.s32 s7, s8;
	s10 =	sadd.s32 s10, s9  }
0xc: {  	s6 =	sadd.s32 s3, s5;
	s3 =	sadd.s32 $0x7600, s5;
	s5 =	sadd.s32 $0x5F4C00, s5  }
0xd: {  	s21 =	sadd.s32 $0x27000, s1;
	s7 =	smax.u32 s7, $0x1;
	s1 =	sadd.s32 $0x27800, s1  }
0xe: {  	s23 =	sshll.u32 s10, $0xB;
	s20 =	sadd.s32 $0xEAC00, s6;
	s6 =	sadd.s32 $0xE0C00, s6  }
0xf: {  	[dreg:$0x5] =	wrdreg s7;
	s22 =	sadd.s32 s14, s21;
	s9 =	sadd.s32 s5, s21  }
0x10: {  	s10 =	sadd.s32 s14, s1;
	s12 =	sadd.s32 s23, s14;
	s11 =	sadd.s32 s5, s1  }
0x11: {  	s25 =	sadd.s32 s23, s5;
	s5 =	sadd.s32 s15, s5;
	s14 =	sadd.s32 s0, s26  }
0x12: {  	s15 =	simm.s32 $0x9;
	s23 =	simm.s32 $0x1;
	[dreg:$0x3] =	wrdreg s20  }
0x13: {  	s26 =	simm.s32 $0x7;
	s1 =	simm.s32 $0x0;
	[dreg:$0x4] =	wrdreg s6  }
0x14: {  	[dreg:$0x6] =	wrdreg s22;
	s24 =	sadd.s32 $0x800, s12;
	s12 =	sadd.s32 $0x800, s25  }
0x15: {  	s13 =	sadd.s32 s0, s5;
	s20 =	simm.s32 $0x9000;
	s22 =	simm.s32 $0x11000  }
0x16: {  	s25 =	simm.s32 $0x5;
	[dreg:$0x2] =	wrdreg s24;
	s24 =	simm.s32 $0x3  }
.LBB2_1:
0x17: {  	s0 =	rddreg [dreg:$0x3]  }
0x18: {  	[tilespmem:s2], [sflag:$0x9] =	stream.linear.gather [hbm4b:s0+s2], $0x2800, $0x38;
	[tilespmem:$0x15000] =	vst v63  }
0x19: {  	_ =	swait.ge [sflag:s15], $0x2800  }
0x1a: {  	[sflag:s15] =	ssyncset.done $0x0  }
0x1b: {  	s6 =	rddreg [dreg:$0x4];
	[sflag:s15] =	ssyncadd.s32 $0xFFFFD800  }
0x1c: {  	[tilespmem:s16], [sflag:$0x9] =	stream.linear.gather [hbm4b:s6+s2], $0x2800, $0x38;
	[tilespmem:$0x15000] =	vst v63  }
0x1d: {  	_ =	swait.ge [sflag:s15], $0x2800  }
0x1e: {  	[sflag:s15] =	ssyncset.done $0x0  }
0x1f: {  	[sflag:s15] =	ssyncadd.s32 $0xFFFFD800  }
0x20: {  	[tilespmem:s18], [sflag:$0x1] =	stream.indirect.gather [hbm4b:s3+s17], $0x80, s2, s17, $0xb8;
	[tilespmem:$0x15000] =	vst v63  }
0x21: {  	_ = 	snop  }
0x22: {  	[tilespmem:s19], [sflag:$0x3] =	stream.indirect.gather [hbm4b:s4+s17], $0x80, s16, s17, $0xb8;
	[tilespmem:$0x15000] =	vst v63  }
0x23: {  	_ = 	snop  }
0x24: {  	[tilespmem:s20], [sflag:$0x2] =	stream.indirect.gather [hbm4b:s3+s17], $0x80, s17, s17, $0xb8;
	[tilespmem:$0x15000] =	vst v63  }
0x25: {  	s7 =	simm.s32 $0x2880  }
0x26: {  	[tilespmem:s22], [sflag:$0x4] =	stream.indirect.gather [hbm4b:s4+s17], $0x80, s7, s17, $0xb8;
	[tilespmem:$0x15000] =	vst v63  }
0x27: {  	_ =	swait.ge [sflag:s23], $0x4000  }
0x28: {  	[sflag:s23] =	ssyncset.done $0x0  }
0x29: {  	s8 =	sadd.s32 $0x0, s14;
	[sflag:s23] =	ssyncadd.s32 $0xFFFFC000  }
0x2a: {  	[hbm4b:s8+s2] =	stream.linear.scatter [tilespmem:s18], [sflag:$0x5], $0x4000, $0x38;
	[tilespmem:$0x15000] =	vst v63  }
0x2b: {  	_ =	swait.ge [sflag:s24], $0x4000  }
0x2c: {  	[sflag:s24] =	ssyncset.done $0x0  }
0x2d: {  	s21 =	sadd.s32 $0x0, s13;
	[sflag:s24] =	ssyncadd.s32 $0xFFFFC000  }
0x2e: {  	[hbm4b:s21+s2] =	stream.linear.scatter [tilespmem:s19], [sflag:$0x7], $0x4000, $0x38;
	[tilespmem:$0x15000] =	vst v63  }
0x2f: {  	_ =	swait.ge [sflag:s25], $0x4000  }
0x30: {  	[sflag:s25] =	ssyncset.done $0x0  }
0x31: {  	s5 =	simm.s32 $0x100;
	[sflag:s25] =	ssyncadd.s32 $0xFFFFC000  }
0x32: {  	[tilespmem:s18], [sflag:$0x1] =	stream.indirect.gather [hbm4b:s3+s17], $0x80, s5, s17, $0xb8;
	[tilespmem:$0x15000] =	vst v63  }
0x33: {  	_ =	swait.ge [sflag:s26], $0x4000  }
0x34: {  	[sflag:s26] =	ssyncset.done $0x0  }
0x35: {  	s6 =	simm.s32 $0x2900;
	[sflag:s26] =	ssyncadd.s32 $0xFFFFC000  }
0x36: {  	[tilespmem:s19], [sflag:$0x3] =	stream.indirect.gather [hbm4b:s4+s17], $0x80, s6, s17, $0xb8;
	[tilespmem:$0x15000] =	vst v63  }
0x37: {  	_ =	swait.ge [sflag:s28], $0x4000  }
0x38: {  	s7 =	rddreg [dreg:$0x2];
	[sflag:s28] =	ssyncset.done $0x0  }
0x39: {  	[sflag:s28] =	ssyncadd.s32 $0xFFFFC000;
	s0 =	sadd.s32 $0x0, s7  }
0x3a: {  	[hbm4b:s0+s2] =	stream.linear.scatter [tilespmem:s20], [sflag:$0x6], $0x4000, $0x38;
	[tilespmem:$0x15000] =	vst v63  }
0x3b: {  	_ =	swait.ge [sflag:s29], $0x4000  }
0x3c: {  	[sflag:s29] =	ssyncset.done $0x0  }
0x3d: {  	s8 =	sadd.s32 $0x0, s12;
	[sflag:s29] =	ssyncadd.s32 $0xFFFFC000  }
0x3e: {  	[hbm4b:s8+s2] =	stream.linear.scatter [tilespmem:s22], [sflag:$0x8], $0x4000, $0x38;
	[tilespmem:$0x15000] =	vst v63  }
0x3f: {  	_ =	swait.ge [sflag:s30], $0x4000  }
0x40: {  	[sflag:s30] =	ssyncset.done $0x0  }
0x41: {  	s21 =	simm.s32 $0x180;
	[sflag:s30] =	ssyncadd.s32 $0xFFFFC000  }
0x42: {  	[tilespmem:s20], [sflag:$0x2] =	stream.indirect.gather [hbm4b:s3+s17], $0x80, s21, s17, $0xb8;
	[tilespmem:$0x15000] =	vst v63  }
0x43: {  	_ =	swait.ge [sflag:s31], $0x4000  }
0x44: {  	s5 =	simm.s32 $0x2A80;
	s6 =	simm.s32 $0x280;
	[sflag:s31] =	ssyncset.done $0x0  }
0x45: {  	s0 =	simm.s32 $0x2980;
	s21 =	simm.s32 $0x1000;
	[sflag:s31] =	ssyncadd.s32 $0xFFFFC000  }
.LBB2_2:
0x46: {  	[tilespmem:s22], [sflag:$0x4] =	stream.indirect.gather [hbm4b:s4+s17], $0x80, s0, s17, $0xb8;
	[tilespmem:$0x15000] =	vst v63  }
0x47: {  	_ =	swait.ge [sflag:s23], $0x4000  }
0x48: {  	s7 =	smov.u32 s21;
	[sflag:s23] =	ssyncset.done $0x0  }
0x49: {  	s8 =	sadd.s32 s7, s14;
	[sflag:s23] =	ssyncadd.s32 $0xFFFFC000  }
0x4a: {  	[hbm4b:s8+s2] =	stream.linear.scatter [tilespmem:s18], [sflag:$0x5], $0x4000, $0x38;
	[tilespmem:$0x15000] =	vst v63  }
0x4b: {  	_ =	swait.ge [sflag:s24], $0x4000  }
0x4c: {  	[sflag:s24] =	ssyncset.done $0x0  }
0x4d: {  	s8 =	sadd.s32 s7, s13;
	[sflag:s24] =	ssyncadd.s32 $0xFFFFC000  }
0x4e: {  	[hbm4b:s8+s2] =	stream.linear.scatter [tilespmem:s19], [sflag:$0x7], $0x4000, $0x38;
	[tilespmem:$0x15000] =	vst v63  }
0x4f: {  	_ =	swait.ge [sflag:s25], $0x4000  }
0x50: {  	[sflag:s25] =	ssyncset.done $0x0  }
0x51: {  	s8 =	sadd.s32 $0xFFFFFF80, s6;
	[sflag:s25] =	ssyncadd.s32 $0xFFFFC000  }
0x52: {  	[tilespmem:s18], [sflag:$0x1] =	stream.indirect.gather [hbm4b:s3+s17], $0x80, s8, s17, $0xb8;
	[tilespmem:$0x15000] =	vst v63  }
0x53: {  	_ =	swait.ge [sflag:s26], $0x4000  }
0x54: {  	[sflag:s26] =	ssyncset.done $0x0  }
0x55: {  	s8 =	sadd.s32 $0xFFFFFF80, s5;
	[sflag:s26] =	ssyncadd.s32 $0xFFFFC000  }
0x56: {  	[tilespmem:s19], [sflag:$0x3] =	stream.indirect.gather [hbm4b:s4+s17], $0x80, s8, s17, $0xb8;
	[tilespmem:$0x15000] =	vst v63  }
0x57: {  	_ =	swait.ge [sflag:s28], $0x4000  }
0x58: {  	s8 =	rddreg [dreg:$0x2];
	[sflag:s28] =	ssyncset.done $0x0  }
0x59: {  	[sflag:s28] =	ssyncadd.s32 $0xFFFFC000;
	s8 =	sadd.s32 s7, s8  }
0x5a: {  	[hbm4b:s8+s2] =	stream.linear.scatter [tilespmem:s20], [sflag:$0x6], $0x4000, $0x38;
	[tilespmem:$0x15000] =	vst v63  }
0x5b: {  	_ =	swait.ge [sflag:s29], $0x4000  }
0x5c: {  	[sflag:s29] =	ssyncset.done $0x0  }
0x5d: {  	s7 =	sadd.s32 s7, s12;
	[sflag:s29] =	ssyncadd.s32 $0xFFFFC000  }
0x5e: {  	[hbm4b:s7+s2] =	stream.linear.scatter [tilespmem:s22], [sflag:$0x8], $0x4000, $0x38;
	[tilespmem:$0x15000] =	vst v63  }
0x5f: {  	_ =	swait.ge [sflag:s30], $0x4000  }
0x60: {  	p0 =	sne.s32 s21, $0x26000;
	[sflag:s30] =	ssyncset.done $0x0  }
.Ltmp0:
0x61: {  	[sflag:s30] =	ssyncadd.s32 $0xFFFFC000;
	(pc) =	sbr.rel @p0 .LBB2_2-.Ltmp0, $4  }
0x62: {  	[tilespmem:s20], [sflag:$0x2] =	stream.indirect.gather [hbm4b:s3+s17], $0x80, s6, s17, $0xb8;
	[tilespmem:$0x15000] =	vst v63  }
0x63: {  	_ =	swait.ge [sflag:s31], $0x4000  }
0x64: {  	s0 =	smov.u32 s5;
	s21 =	sadd.s32 $0x1000, s21;
	[sflag:s31] =	ssyncset.done $0x0  }
0x65: {  	s5 =	sadd.s32 $0x100, s5;
	s6 =	sadd.s32 $0x100, s6;
	[sflag:s31] =	ssyncadd.s32 $0xFFFFC000  }
0x66: {  	[tilespmem:s22], [sflag:$0x4] =	stream.indirect.gather [hbm4b:s4+s17], $0x80, s0, s17, $0xb8;
	[tilespmem:$0x15000] =	vst v63  }
0x67: {  	_ =	swait.ge [sflag:s23], $0x4000  }
0x68: {  	[sflag:s23] =	ssyncset.done $0x0  }
0x69: {  	s8 =	rddreg [dreg:$0x6];
	[sflag:s23] =	ssyncadd.s32 $0xFFFFC000  }
0x6a: {  	[hbm4b:s8+s2] =	stream.linear.scatter [tilespmem:s18], [sflag:$0x5], $0x4000, $0x38;
	[tilespmem:$0x15000] =	vst v63  }
0x6b: {  	_ =	swait.ge [sflag:s24], $0x4000  }
0x6c: {  	[sflag:s24] =	ssyncset.done $0x0  }
0x6d: {  	[sflag:s24] =	ssyncadd.s32 $0xFFFFC000  }
0x6e: {  	[hbm4b:s9+s2] =	stream.linear.scatter [tilespmem:s19], [sflag:$0x7], $0x4000, $0x38;
	[tilespmem:$0x15000] =	vst v63  }
0x6f: {  	_ =	swait.ge [sflag:s28], $0x4000  }
0x70: {  	[sflag:s28] =	ssyncset.done $0x0  }
0x71: {  	[sflag:s28] =	ssyncadd.s32 $0xFFFFC000  }
0x72: {  	[hbm4b:s10+s2] =	stream.linear.scatter [tilespmem:s20], [sflag:$0x6], $0x4000, $0x38;
	[tilespmem:$0x15000] =	vst v63  }
0x73: {  	_ =	swait.ge [sflag:s29], $0x4000  }
0x74: {  	[sflag:s29] =	ssyncset.done $0x0  }
0x75: {  	[sflag:s29] =	ssyncadd.s32 $0xFFFFC000  }
0x76: {  	[hbm4b:s11+s2] =	stream.linear.scatter [tilespmem:s22], [sflag:$0x8], $0x4000, $0x38;
	[tilespmem:$0x15000] =	vst v63  }
0x77: {  	_ =	swait.ge [sflag:s25], $0x4000  }
0x78: {  	[sflag:s25] =	ssyncset.done $0x0  }
0x79: {  	[sflag:s25] =	ssyncadd.s32 $0xFFFFC000  }
0x7a: {  	_ =	swait.ge [sflag:s26], $0x4000  }
0x7b: {  	[sflag:s26] =	ssyncset.done $0x0  }
0x7c: {  	[sflag:s26] =	ssyncadd.s32 $0xFFFFC000  }
0x7d: {  	_ =	swait.ge [sflag:s30], $0x4000  }
0x7e: {  	[sflag:s30] =	ssyncset.done $0x0  }
0x7f: {  	[sflag:s30] =	ssyncadd.s32 $0xFFFFC000  }
0x80: {  	_ =	swait.ge [sflag:s31], $0x4000  }
0x81: {  	s1 =	sadd.s32 $0x1, s1;
	s21 =	rddreg [dreg:$0x5]  }
0x82: {  	p0 =	sne.s32 s1, s21  }
.Ltmp1:
0x83: {  	_ = 	snop;
	(pc) =	sbr.rel @p0 .LBB2_1-.Ltmp1, $3  }
0x84: {  	_ =	sdelay $0x1  }
0x85: {  	[sflag:s31] =	ssyncset.done $0x0  }
0x86: {  	[sflag:s31] =	ssyncadd.s32 $0xFFFFC000  }
0x87: {  	_ =	sfence.sel $0x180000  }
0x88: {  	[bflag:$0x0] =	sbarrier.arrive $0xFFFF  }
0x89: {  	_ =	strace $0x9000004D  }
0x8a: {  	s0 =	stileid.u32;
	[bflag:$0x2] =	sbarrier.arrive $0xFFFF  }
0x8b: {  	p0 =	sne.s32 s0, $0x0;
	s0 =	rddreg [dreg:$0x1]  }
0x8c: {  	s0 =	sadd.s32 @!p0 $0x100000, s0  }
0x8d: {  	[sflag:s0] =	ssyncadd.tile.s32 @!p0 $0x1;
	_ =	shalt  }
.Lfunc_end2:
_tile_overlayer_lowered:
.L_overlay_start_2:
0x8e: {  	(tag) =	ssettag $0x2  }
0x8f: {  	s0 =	rddreg [dreg:$0x0];
	s2 =	stileid.u32  }
0x90: {  	s1 =	rddreg [dreg:$0x1];
	p0 =	sne.s32 s2, $0x0  }
0x91: {  	s3 =	rddreg [dreg:$0x2];
	[bflag:$0x3] =	sbarrier.arrive $0xFFFF;
	s2 =	simm.s32 @!p0 $0x1C09  }
0x92: {  	[timem:s3], [sflag:s2] =	dma.local @!p0 [hbm:s0], s1  }
0x93: {  	s0 =	simm.s32 @!p0 $0x9  }
0x94: {  	_ =	swait.ge @!p0 [sflag:s0], s1  }
0x95: {  	s1 =	ssub.s32 @!p0 $0x0, s1;
	[sflag:s0] =	ssyncset.done @!p0 $0x0  }
0x96: {  	[sflag:s0] =	ssyncadd.s32 @!p0 s1  }
0x97: {  	[bflag:$0x3] =	sbarrier.arrive $0xFFFF  }
0x98: {  	_ =	shalt  }

// kernel: kernel.9.cloned.1.call-start
scs
__scs_entry_jumppad:
0x0: {  	(pc) =	sbr.rel $0x88, $3  }
0x1: {  	(tag) =	ssettag $0x0;
	lr =	simm.s32 $0x1  }
0x2: {  	[smem:$0x3F8C] =	sst lr;
	_ =	strace $0xD0000000  }
0x3: {  	_ = 	snop  }
0x4: {  	_ = 	snop  }
0x5: {  	_ = 	snop  }
0x6: {  	_ = 	snop  }
0x7: {  	_ = 	snop  }
__scs_overlays_trampoline_lowered:
0x8: {  	[smem:$0x3F9B] =	sst s0  }
0x9: {  	[smem:$0x3F9C] =	sst s1  }
0xa: {  	[smem:$0x3F9D] =	sst s2  }
0xb: {  	[smem:$0x3F9E] =	sst s3  }
0xc: {  	[smem:$0x3F9F] =	sst s4  }
0xd: {  	[smem:$0x3FA0] =	sst s5  }
0xe: {  	[smem:$0x3FA1] =	sst s6  }
0xf: {  	[smem:$0x3FA2] =	sst s7  }
0x10: {  	[smem:$0x3FA3] =	sst s8  }
0x11: {  	[smem:$0x3FA4] =	sst s9;
	s0 =	simm.s32 @!p0 $0x0  }
0x12: {  	s1 =	sld [smem:$0x3F8A];
	s0 =	simm.s32 @p0 $0x1  }
0x13: {  	[smem:$0x3FA5] =	sst s0;
	s0 =	simm.s32 @!p1 $0x0  }
0x14: {  	s2 =	sld [smem:$0x3F89];
	s0 =	simm.s32 @p1 $0x1  }
0x15: {  	[smem:$0x3FA6] =	sst s0;
	s0 =	simm.s32 @!p2 $0x0  }
0x16: {  	s3 =	sld [smem:$0x3FDB];
	s0 =	simm.s32 @p2 $0x1  }
0x17: {  	s4 =	simm.s32 $0x1BF5;
	[smem:$0x3FA8] =	sst s0  }
0x18: {  	s0 =	sld [smem:$0x3F8B];
	_ =	swait.ge [sflag:s4], $0x0  }
0x19: {  	s7 =	sld [smem:$0x3F8C]  }
0x1a: {  	s8 =	sadd.s32 $0xFFFFE003, lr  }
0x1b: {  	s9 =	sadd.s32 $0xFFFFFEF7, lr;
	s5 =	simm.s32 $0xFFFFFFFF;
	p2 =	slt.u32 s8, $0xFFFFF086  }
0x1c: {  	p1 =	slt.u32 s9, $0xF7A;
	s5 =	simm.s32 @!p2 $0x0  }
0x1d: {  	s5 =	simm.s32 @p1 $0x1;
	p0 =	seq.s32 s7, s2  }
0x1e: {  	s7 =	smul.u32 @!p0 $0xF7A, s2;
	p2 =	seq.s32 @!p0 s5, $0x0  }
0x1f: {  	s9 =	smul.u32 $0xF7A, s1;
	s8 =	simm.s32 @!p0 $0x1BF5;
	p2 =	por !p2, p0  }
0x20: {  	[sflag:s8] =	ssyncset.s32 @!p0 $0xFFFFF086;
	s6 =	sadd.s32 @!p0 s3, s7;
	s7 =	simm.s32 @!p0 $0x108  }
0x21: {  	s3 =	sadd.s32 s3, s9;
	s6 =	sadd.s32 @!p0 $0x88, s6;
	s7 =	simm.s32 @p2 $0x1082  }
0x22: {  	[simem:s7], [sflag:s8] =	dma.local @!p0 [hbm:s6], $0xF7A  }
0x23: {  	s9 =	sor.u32 $0xD0000000, s2;
	s6 =	simm.s32 $0x108;
	_ =	swait.ge @!p0 [sflag:s8], $0x0  }
0x24: {  	s3 =	sadd.s32 $0x88, s3;
	s6 =	simm.s32 @!p1 $0x1082;
	[sflag:s4] =	ssyncset.s32 $0xFFFFF086  }
0x25: {  	[simem:s6], [sflag:s4] =	dma.local [hbm:s3], $0xF7A  }
0x26: {  	[smem:$0x3F8C] =	sst s1;
	(tag) =	ssettag s2;
	_ =	strace s9  }
0x27: {  	s1 =	sld [smem:$0x3F9C]  }
0x28: {  	s2 =	sld [smem:$0x3F9D]  }
0x29: {  	s4 =	sld [smem:$0x3F9F]  }
0x2a: {  	p0 =	seq.s32 s5, $0x0;
	s5 =	sld [smem:$0x3FA0]  }
0x2b: {  	s6 =	sld [smem:$0x3FA1]  }
0x2c: {  	s7 =	sld [smem:$0x3FA2]  }
0x2d: {  	s3 =	simm.s32 $0x108;
	s8 =	sld [smem:$0x3FA3]  }
0x2e: {  	s3 =	simm.s32 @!p0 $0x1082;
	s9 =	sld [smem:$0x3FA4]  }
0x2f: {  	lr =	sadd.s32 s0, s3;
	s0 =	sld [smem:$0x3F9B]  }
0x30: {  	s3 =	sld [smem:$0x3F9E]  }
0x31: {  	[smem:$0x3FA7] =	sst s10  }
0x32: {  	s10 =	sld [smem:$0x3FA5];
	_ =	sdelay $0x3  }
0x33: {  	p0 =	seq.s32 s10, $0x1;
	s10 =	sld [smem:$0x3FA7];
	_ =	sdelay $0x3  }
0x34: {  	[smem:$0x3FA7] =	sst s10  }
0x35: {  	s10 =	sld [smem:$0x3FA6];
	_ =	sdelay $0x3  }
0x36: {  	p1 =	seq.s32 s10, $0x1;
	s10 =	sld [smem:$0x3FA7];
	_ =	sdelay $0x3  }
0x37: {  	[smem:$0x3FA7] =	sst s10  }
0x38: {  	s10 =	sld [smem:$0x3FA8]  }
0x39: {  	_ = 	snop;
	(pc) =	sbr.ind lr, $3  }
0x3a: {  	_ = 	snop  }
0x3b: {  	_ = 	snop  }
0x3c: {  	p2 =	seq.s32 s10, $0x1;
	s10 =	sld [smem:$0x3FA7]  }
0x3d: {  	_ =	shalt  }
0x3e: {  	_ =	shalt  }
0x3f: {  	_ =	shalt  }
0x40: {  	_ =	shalt  }
0x41: {  	_ =	shalt  }
0x42: {  	_ =	shalt  }
0x43: {  	_ =	shalt  }
0x44: {  	_ =	shalt  }
0x45: {  	_ =	shalt  }
0x46: {  	_ =	shalt  }
0x47: {  	_ =	shalt  }
0x48: {  	_ =	shalt  }
0x49: {  	_ =	shalt  }
0x4a: {  	_ =	shalt  }
0x4b: {  	_ =	shalt  }
0x4c: {  	_ =	shalt  }
0x4d: {  	_ =	shalt  }
0x4e: {  	_ =	shalt  }
0x4f: {  	_ =	shalt  }
0x50: {  	_ =	shalt  }
0x51: {  	_ =	shalt  }
0x52: {  	_ =	shalt  }
0x53: {  	_ =	shalt  }
0x54: {  	_ =	shalt  }
0x55: {  	_ =	shalt  }
0x56: {  	_ =	shalt  }
0x57: {  	_ =	shalt  }
0x58: {  	_ =	shalt  }
0x59: {  	_ =	shalt  }
0x5a: {  	_ =	shalt  }
0x5b: {  	_ =	shalt  }
0x5c: {  	_ =	shalt  }
0x5d: {  	_ =	shalt  }
0x5e: {  	_ =	shalt  }
0x5f: {  	_ =	shalt  }
0x60: {  	_ =	shalt  }
0x61: {  	_ =	shalt  }
0x62: {  	_ =	shalt  }
0x63: {  	_ =	shalt  }
0x64: {  	_ =	shalt  }
0x65: {  	_ =	shalt  }
0x66: {  	_ =	shalt  }
0x67: {  	_ =	shalt  }
0x68: {  	_ =	shalt  }
0x69: {  	_ =	shalt  }
0x6a: {  	_ =	shalt  }
0x6b: {  	_ =	shalt  }
0x6c: {  	_ =	shalt  }
0x6d: {  	_ =	shalt  }
0x6e: {  	_ =	shalt  }
0x6f: {  	_ =	shalt  }
0x70: {  	_ =	shalt  }
0x71: {  	_ =	shalt  }
0x72: {  	_ =	shalt  }
0x73: {  	_ =	shalt  }
0x74: {  	_ =	shalt  }
0x75: {  	_ =	shalt  }
0x76: {  	_ =	shalt  }
0x77: {  	_ =	shalt  }
0x78: {  	_ =	shalt  }
0x79: {  	_ =	shalt  }
0x7a: {  	_ =	shalt  }
0x7b: {  	_ =	shalt  }
0x7c: {  	_ =	shalt  }
0x7d: {  	_ =	shalt  }
0x7e: {  	_ =	shalt  }
0x7f: {  	_ =	shalt  }
0x80: {  	_ =	shalt  }
0x81: {  	_ =	shalt  }
0x82: {  	_ =	shalt  }
0x83: {  	_ =	shalt  }
0x84: {  	_ =	shalt  }
0x85: {  	_ =	shalt  }
0x86: {  	_ =	shalt  }
0x87: {  	_ =	shalt  }
.Lfunc_end0:
.L_simem_size_0:
called_computation_lowered:
.L_overlay_start_0:
0x88: {  	s2 =	sld [smem:$0x3FD9]  }
0x89: {  	s3 =	sld [smem:$0x3FFE];
	_ =	sdelay $0x1  }
0x8a: {  	s1 =	srdreg.scid  }
0x8b: {  	s0 =	sand.u32 $0x1, s1  }
0x8c: {  	s17 =	sshll.u32 s0, $0xA;
	s2 =	sadd.s32 s3, s2  }
0x8d: {  	s2 =	sadd.s32 s2, s17  }
0x8e: {  	[smem:$0x3FB3] =	sst s2  }
0x8f: {  	_ = 	snop  }
0x90: {  	s2 =	sld [smem:$0x3FD0];
	(tm) =	ssettm $0x1  }
0x91: {  	s18 =	sld [smem:$0x3FFB];
	_ =	sdelay $0x3  }
0x92: {  	_ =	strace s18  }
0x93: {  	s3 =	sld [smem:$0x3FFC];
	_ =	sdelay $0x3  }
0x94: {  	_ =	strace s3  }
0x95: {  	s3 =	sld [smem:$0x3FFD];
	_ =	sdelay $0x3  }
0x96: {  	_ =	strace s3  }
0x97: {  	_ =	strace $0x8FFFFFFF  }
0x98: {  	s19 =	sld [smem:$0x3FDB];
	_ =	sdelay $0x1  }
0x99: {  	s4 =	simm.s32 $_scs_section_size  }
0x9a: {  	s5 =	simm.s32 $_size__tile_overlayer_lowered;
	s6 =	simm.s32 $_tile_overlayer_lowered  }
0x9b: {  	s22 =	simm.s32 $0x1BFF;
	s21 =	sshll.u32 s6, $0x1;
	s3 =	sadd.s32 s4, s19  }
0x9c: {  	s7 =	simm.s32 $0x0;
	s20 =	sshll.u32 s5, $0x1;
	s5 =	sadd.s32 s21, s3  }
0x9d: {  	[timem:s7], [sflag:s22] =	dma.local [hbm:s5], s20  }
0x9e: {  	_ =	swait.ge [sflag:s22], s20  }
0x9f: {  	s4 =	ssub.s32 $0x0, s20;
	[sflag:s22] =	ssyncset.done $0x0  }
0xa0: {  	[sflag:s22] =	ssyncadd.s32 s4;
	_ =	sdelay $0x1  }
0xa1: {  	s23 =	simm.s32 $0x1B8B  }
0xa2: {  	_ =	swait.ge [sflag:s23], $0x1  }
0xa3: {  	[sflag:s23] =	ssyncset.done $0x0  }
0xa4: {  	s25 =	simm.s32 $0x1B8E;
	s24 =	sld [smem:$0x3FFE];
	[sflag:s23] =	ssyncadd.s32 $0xFFFFFFFF  }
0xa5: {  	s26 =	simm.s32 $execute0_lowered;
	[smem:$0x3FD2] =	sst s25  }
0xa6: {  	s5 =	sshll.u32 s26, $0x1;
	_ =	strace $0x80000046;
	[dreg:$0x1] =	wrdreg $0xFFFFFFFF  }
0xa7: {  	s28 =	simm.s32 $_size_execute0_lowered;
	s3 =	sadd.s32 s3, s5;
	[dreg:$0x0] =	wrdreg $0x0  }
0xa8: {  	s5 =	sshll.u32 s28, $0x1;
	[dreg:$0x2] =	wrdreg s3  }
0xa9: {  	[dreg:$0x3] =	wrdreg s5  }
0xaa: {  	[dreg:$0x4] =	wrdreg $0xC0  }
0xab: {  	_ =	task [dreg:s7], $0x5FFFF  }
0xac: {  	[dreg:$0x1] =	wrdreg $0xFFFFFFFF  }
0xad: {  	[dreg:$0x0] =	wrdreg $0x60  }
0xae: {  	[dreg:$0x2] =	wrdreg s24  }
0xaf: {  	[dreg:$0x3] =	wrdreg s2  }
0xb0: {  	[dreg:$0x4] =	wrdreg $0x24800  }
0xb1: {  	[dreg:$0x5] =	wrdreg $0x164800  }
0xb2: {  	[dreg:$0x6] =	wrdreg $0x9  }
0xb3: {  	_ =	task.clear_ibuf [dreg:s7], $0x7FFFF;
	_ =	strace $0x90000046  }
0xb4: {  	s29 =	simm.s32 $0x9;
	_ =	strace $0x80000048  }
0xb5: {  	_ =	swait.ge [sflag:s29], $0x1  }
0xb6: {  	[sflag:s29] =	ssyncadd.s32 $0xFFFFFFFF  }
0xb7: {  	_ =	strace $0x90000048  }
0xb8: {  	_ =	sfence  }
0xb9: {  	s30 =	sld [smem:$0x0];
	_ =	sdelay $0x2  }
0xba: {  	s31 =	sshll.u32 s1, $0xD;
	s1 =	sshrl.u32 s1, $0x2  }
0xbb: {  	s3 =	sand.u32 $0x4000, s31;
	s1 =	sadd.s32 s1, s30  }
0xbc: {  	s0 =	sor.u32 s3, s0;
	s1 =	sshll.u32 s1, $0x11  }
0xbd: {  	s0 =	sor.u32 s1, s0  }
0xbe: {  	s0 =	sadd.s32 $0x8F2B, s0  }
0xbf: {  	[sflag:s0] =	ssyncadd.remote.s32 $0x1  }
0xc0: {  	_ =	sfence.sel $0xFFFF  }
0xc1: {  	[dreg:$0x0] =	wrdreg $0xFFFFFFFF;
	(pc) =	sbr.abs _section_cstart, $3  }
0xc2: {  	[dreg:$0x1] =	wrdreg $0xFFFFFFFF  }
0xc3: {  	_ =	task.clear_ibuf [dreg:s7], $0x2FFFF;
	_ =	strace $0x9FFFFFFF  }
0xc4: {  	(tm) =	ssettm $0x7FFFFFFF  }
0xc5: {  	_ =	shalt  }
tec
execute0_lowered:
.L_overlay_start_1:
0x0: {  	(tag) =	ssettag $0x1  }
0x1: {  	s0 =	rddreg [dreg:$0x0]  }
0x2: {  	s3 =	rddreg [dreg:$0x1]  }
0x3: {  	s1 =	rddreg [dreg:$0x2]  }
0x4: {  	s2 =	rddreg [dreg:$0x3];
	s4 =	simm.s32 $0x0  }
0x5: {  	s20 =	stileid.u32;
	s8 =	srdreg.scid;
	s28 =	simm.s32 $0x1  }
0x6: {  	s29 =	simm.s32 $0x2400;
	s30 =	simm.s32 $0x2;
	s31 =	simm.s32 $0x1F00  }
0x7: {  	[smem:$0x7FF] =	sst s4;
	s5 =	sadd.s32 $0x11600, s0;
	s9 =	smul.u32 $0x2800, s20  }
0x8: {  	s6 =	sadd.s32 $0x7600, s0;
	s7 =	sadd.s32 $0x1B600, s0;
	s10 =	smul.u32 $0x50000, s20  }
0x9: {  	s11 =	sand.u32 $0x1, s8;
	s8 =	sadd.s32 $0x42800, s0;
	s13 =	smul.u32 $0x280, s20  }
0xa: {  	s14 =	smul.u32 $0xA00, s20;
	_ =	strace $0x80000047;
	s21 =	ssub.s32 $0x2, s11  }
0xb: {  	p0 =	seq.s32 s11, $0x0;
	s11 =	simm.s32 $0x0;
	s0 =	sadd.s32 s9, s0  }
0xc: {  	s12 =	sshrl.u32 s21, $0x1;
	s10 =	sshrl.u32 s10, $0x2;
	s15 =	sshrl.u32 s13, $0x3  }
0xd: {  	s24 =	sshrl.u32 s14, $0x2;
	s25 =	sadd.s32 s13, s2;
	s12 =	ssub.s32 s21, s12  }
0xe: {  	s9 =	sadd.s32 s10, s1;
	s10 =	smul.u32 $0x5000, s20;
	s22 =	sadd.s32 $0x91A00, s0  }
0xf: {  	s0 =	sadd.s32 $0x69A00, s0;
	s23 =	sadd.s32 s3, s15;
	s15 =	sadd.s32 s24, s2  }
0x10: {  	s20 =	simm.s32 $0x2000;
	s21 =	simm.s32 $0x3;
	[dreg:$0x5] =	wrdreg s22  }
.Ltmp0:
0x11: {  	s24 =	simm.s32 $0x16700;
	[dreg:$0x6] =	wrdreg s0;
	(pc) =	sbr.rel .LBB2_1-.Ltmp0, $4  }
0x12: {  	s26 =	sshrl.u32 s25, $0x3;
	[dreg:$0x7] =	wrdreg s23;
	s14 =	smax.u32 s12, $0x1  }
0x13: {  	s16 =	sadd.s32 $0x80, s15;
	s17 =	sadd.s32 $0x100, s15;
	s18 =	sadd.s32 $0x180, s15  }
0x14: {  	s19 =	sadd.s32 $0x200, s15;
	s22 =	simm.s32 $0x1000;
	s23 =	simm.s32 $0x80  }
0x15: {  	v0 =	vimm.f32 $0.0e+00;
	v1 =	vimm.f32 $1.000000000e+00;
	[dreg:$0x8] =	wrdreg s26;
	s26 =	simm.s32 $0x1A700;
	s0 =	simm.s32 $0x1F80  }
.LBB2_14:
0x16: {  	s11 =	sadd.s32 $0x1, s11  }
0x17: {  	p1 =	sne.s32 s11, s14  }
.Ltmp1:
0x18: {  	_ = 	snop;
	(pc) =	sbr.rel @!p1 .LBB2_15-.Ltmp1, $1  }
0x19: {  	_ =	sdelay $0x3  }
.LBB2_1:
0x1a: {  	s4 =	simm.s32 $0x0  }
0x1b: {  	s3 =	sand.u32 $0xE00, s4  }
0x1c: {  	s13 =	sand.u32 $0x70, s4;
	s3 =	sshrl.u32 s3, $0x2  }
0x1d: {  	s12 =	simm.s32 $0x40;
	s25 =	sor.u32 s13, s3;
	s13 =	simm.s32 $0x0  }
.LBB2_2:
0x1e: {  	p1 =	sne.s32 s12, $0xFC0  }
0x1f: {  	[tilespmem:s25+$0x2000] =	vst v0;
	s13 =	sadd.s32 $0x10, s13;
	s3 =	smov.u32 s12;
	s12 =	sadd.s32 $0x40, s12  }
.Ltmp2:
0x20: {  	(pc) =	sbr.rel @p1 .LBB2_2-.Ltmp2, $4  }
0x21: {  	_ = 	snop  }
0x22: {  	s3 =	sand.u32 $0xE00, s3  }
0x23: {  	s25 =	sand.u32 $0x70, s13;
	s3 =	sshrl.u32 s3, $0x2  }
0x24: {  	s25 =	sor.u32 s25, s3  }
0x25: {  	[tilespmem:s25+$0x2000] =	vst v0  }
0x26: {  	[tilespmem:$0x2400] =	vst v1  }
0x27: {  	[tilespmem:$0x2410] =	vst v1  }
0x28: {  	[tilespmem:$0x2420] =	vst v1  }
0x29: {  	[tilespmem:$0x2430] =	vst v1  }
0x2a: {  	[tilespmem:$0x2440] =	vst v1  }
0x2b: {  	[tilespmem:$0x2450] =	vst v1  }
0x2c: {  	[tilespmem:$0x2460] =	vst v1  }
0x2d: {  	s3 =	sadd.s32 $0x0, s9;
	[tilespmem:$0x2470] =	vst v1  }
0x2e: {  	[spmem:s3] =	stream.linear.scatter [tilespmem:s20], [sflag:$0x3], $0x400, $0x38;
	[tilespmem:$0x1E700] =	vst v63  }
0x2f: {  	s12 =	simm.s32 $0x1000;
	_ =	swait.ge [sflag:s21], $0x400  }
.LBB2_4:
0x30: {  	s3 =	sshra.s32 s12, $0x2;
	[sflag:s21] =	ssyncset.done $0x0;
	p1 =	seq.s32 s12, $0x4F000  }
.Ltmp3:
0x31: {  	s3 =	sadd.s32 s3, s9;
	[sflag:s21] =	ssyncadd.s32 $0xFFFFFC00;
	(pc) =	sbr.rel @!p1 .LBB2_4-.Ltmp3, $3  }
0x32: {  	[spmem:s3] =	stream.linear.scatter [tilespmem:s20], [sflag:$0x3], $0x400, $0x38;
	[tilespmem:$0x1E700] =	vst v63  }
0x33: {  	s12 =	sadd.s32 $0x1000, s12;
	_ =	sdelay $0x1  }
0x34: {  	_ =	swait.ge [sflag:s21], $0x400  }
0x35: {  	[sflag:s21] =	ssyncset.done $0x0  }
0x36: {  	[sflag:s21] =	ssyncadd.s32 $0xFFFFFC00  }
0x37: {  	[spmem:s15] =	stream.linear.scatter [tilespmem:s20], [sflag:$0x3], $0x80, $0x38;
	[tilespmem:$0x1E700] =	vst v63  }
0x38: {  	_ =	swait.ge [sflag:s21], $0x80  }
0x39: {  	[sflag:s21] =	ssyncset.done $0x0  }
0x3a: {  	[sflag:s21] =	ssyncadd.s32 $0xFFFFFF80  }
0x3b: {  	[spmem:s16] =	stream.linear.scatter [tilespmem:s20], [sflag:$0x3], $0x80, $0x38;
	[tilespmem:$0x1E700] =	vst v63  }
0x3c: {  	_ =	swait.ge [sflag:s21], $0x80  }
0x3d: {  	[sflag:s21] =	ssyncset.done $0x0  }
0x3e: {  	[sflag:s21] =	ssyncadd.s32 $0xFFFFFF80  }
0x3f: {  	[spmem:s17] =	stream.linear.scatter [tilespmem:s20], [sflag:$0x3], $0x80, $0x38;
	[tilespmem:$0x1E700] =	vst v63  }
0x40: {  	_ =	swait.ge [sflag:s21], $0x80  }
0x41: {  	[sflag:s21] =	ssyncset.done $0x0  }
0x42: {  	[sflag:s21] =	ssyncadd.s32 $0xFFFFFF80  }
0x43: {  	[spmem:s18] =	stream.linear.scatter [tilespmem:s20], [sflag:$0x3], $0x80, $0x38;
	[tilespmem:$0x1E700] =	vst v63  }
0x44: {  	_ =	swait.ge [sflag:s21], $0x80  }
0x45: {  	[sflag:s21] =	ssyncset.done $0x0  }
0x46: {  	[sflag:s21] =	ssyncadd.s32 $0xFFFFFF80  }
0x47: {  	[spmem:s19] =	stream.linear.scatter [tilespmem:s20], [sflag:$0x3], $0x80, $0x38;
	[tilespmem:$0x1E700] =	vst v63  }
.Ltmp4:
0x48: {  	_ =	swait.ge [sflag:s21], $0x80;
	(pc) =	sbr.rel @!p0 .LBB2_10-.Ltmp4, $4  }
0x49: {  	[sflag:s21] =	ssyncset.done $0x0  }
0x4a: {  	[sflag:s21] =	ssyncadd.s32 $0xFFFFFF80  }
0x4b: {  	[bflag:$0x0] =	sbarrier.arrive $0xFFFF  }
0x4c: {  	s12 =	simm.s32 $0x0;
	s13 =	simm.s32 $0x0;
	s25 =	simm.s32 $0x0  }
.LBB2_6:
0x4d: {  	s3 =	sshll.u32 s13, $0xC  }
0x4e: {  	s3 =	sadd.s32 s10, s3  }
0x4f: {  	s3 =	sshrl.u32 s3, $0x3  }
0x50: {  	s25 =	sadd.s32 s5, s3  }
0x51: {  	[tilespmem:s12], [sflag:$0x3] =	stream.linear.gather [hbm4b:s25+s12], $0x1000, $0x38;
	[tilespmem:$0x1E700] =	vst v63  }
0x52: {  	_ =	swait.ge [sflag:s21], $0x1000  }
0x53: {  	[sflag:s21] =	ssyncset.done $0x0  }
0x54: {  	s3 =	sadd.s32 s6, s3;
	[sflag:s21] =	ssyncadd.s32 $0xFFFFF000  }
0x55: {  	[tilespmem:s22], [sflag:$0x3] =	stream.linear.gather [hbm4b:s3+s12], $0x1000, $0x38;
	[tilespmem:$0x1E700] =	vst v63  }
0x56: {  	_ =	swait.ge [sflag:s21], $0x1000  }
0x57: {  	[sflag:s21] =	ssyncset.done $0x0  }
0x58: {  	[sflag:s21] =	ssyncadd.s32 $0xFFFFF000  }
0x59: {  	[tilespmem:s24], [sflag:$0x1] =	stream.indirect.gather [hbm4b:s7+s23], $0x80, s12, s23, $0xb8;
	[tilespmem:$0x1E700] =	vst v63  }
0x5a: {  	_ = 	snop  }
0x5b: {  	[tilespmem:s26], [sflag:$0x2] =	stream.indirect.gather [hbm4b:s7+s23], $0x80, s23, s23, $0xb8;
	[tilespmem:$0x1E700] =	vst v63  }
0x5c: {  	_ =	swait.ge [sflag:s28], $0x4000  }
0x5d: {  	[sflag:s28] =	ssyncset.done $0x0  }
0x5e: {  	s25 =	simm.s32 $0x1000;
	[sflag:s28] =	ssyncadd.s32 $0xFFFFC000  }
0x5f: {  	[spmem:s1] =	stream.indirect.scatter.add.f32 [tilespmem:s24], [sflag:$0x3], $0x80, s25, s23, $0xb8;
	[tilespmem:$0x1E700] =	vst v63  }
0x60: {  	_ =	swait.ge [sflag:s21], $0x4000  }
0x61: {  	[sflag:s21] =	ssyncset.done $0x0  }
0x62: {  	[sflag:s21] =	ssyncadd.s32 $0xFFFFC000  }
0x63: {  	[spmem:s2] =	stream.indirect.scatter.add.f32 [tilespmem:s29], [sflag:$0x3], $0x1, s25, s23, $0xb8;
	[tilespmem:$0x1E700] =	vst v63  }
0x64: {  	_ =	swait.ge [sflag:s21], $0x80  }
0x65: {  	[sflag:s21] =	ssyncset.done $0x0  }
0x66: {  	s4 =	simm.s32 $0x100;
	[sflag:s21] =	ssyncadd.s32 $0xFFFFFF80  }
0x67: {  	[tilespmem:s24], [sflag:$0x1] =	stream.indirect.gather [hbm4b:s7+s23], $0x80, s4, s23, $0xb8;
	[tilespmem:$0x1E700] =	vst v63  }
0x68: {  	_ =	swait.ge [sflag:s30], $0x4000  }
0x69: {  	[sflag:s30] =	ssyncset.done $0x0  }
0x6a: {  	s25 =	simm.s32 $0x1080;
	[sflag:s30] =	ssyncadd.s32 $0xFFFFC000  }
0x6b: {  	[spmem:s1] =	stream.indirect.scatter.add.f32 [tilespmem:s26], [sflag:$0x3], $0x80, s25, s23, $0xb8;
	[tilespmem:$0x1E700] =	vst v63  }
0x6c: {  	_ =	swait.ge [sflag:s21], $0x4000  }
0x6d: {  	[sflag:s21] =	ssyncset.done $0x0  }
0x6e: {  	[sflag:s21] =	ssyncadd.s32 $0xFFFFC000  }
0x6f: {  	[spmem:s2] =	stream.indirect.scatter.add.f32 [tilespmem:s29], [sflag:$0x3], $0x1, s25, s23, $0xb8;
	[tilespmem:$0x1E700] =	vst v63  }
0x70: {  	_ =	swait.ge [sflag:s21], $0x80  }
0x71: {  	[sflag:s21] =	ssyncset.done $0x0  }
0x72: {  	s3 =	simm.s32 $0x180;
	s25 =	simm.s32 $0x400;
	[sflag:s21] =	ssyncadd.s32 $0xFFFFFF80  }
.LBB2_7:
0x73: {  	[tilespmem:s26], [sflag:$0x2] =	stream.indirect.gather [hbm4b:s7+s23], $0x80, s3, s23, $0xb8;
	[tilespmem:$0x1E700] =	vst v63  }
0x74: {  	s3 =	smov.u32 s25  }
0x75: {  	p1 =	sne.s32 s25, $0x3800;
	s25 =	sadd.s32 $0x400, s25;
	_ =	swait.ge [sflag:s28], $0x4000  }
0x76: {  	s3 =	sshra.s32 s3, $0x2;
	[sflag:s28] =	ssyncset.done $0x0  }
0x77: {  	s4 =	sadd.s32 $0x1000, s3;
	[sflag:s28] =	ssyncadd.s32 $0xFFFFC000  }
0x78: {  	[spmem:s1] =	stream.indirect.scatter.add.f32 [tilespmem:s24], [sflag:$0x3], $0x80, s4, s23, $0xb8;
	[tilespmem:$0x1E700] =	vst v63  }
0x79: {  	_ =	swait.ge [sflag:s21], $0x4000  }
0x7a: {  	[sflag:s21] =	ssyncset.done $0x0  }
0x7b: {  	[sflag:s21] =	ssyncadd.s32 $0xFFFFC000  }
0x7c: {  	[spmem:s2] =	stream.indirect.scatter.add.f32 [tilespmem:s29], [sflag:$0x3], $0x1, s4, s23, $0xb8;
	[tilespmem:$0x1E700] =	vst v63  }
0x7d: {  	_ =	swait.ge [sflag:s21], $0x80  }
0x7e: {  	[sflag:s21] =	ssyncset.done $0x0  }
0x7f: {  	s4 =	sadd.s32 $0x100, s3;
	[sflag:s21] =	ssyncadd.s32 $0xFFFFFF80  }
0x80: {  	[tilespmem:s24], [sflag:$0x1] =	stream.indirect.gather [hbm4b:s7+s23], $0x80, s4, s23, $0xb8;
	[tilespmem:$0x1E700] =	vst v63  }
0x81: {  	_ =	swait.ge [sflag:s30], $0x4000  }
0x82: {  	[sflag:s30] =	ssyncset.done $0x0  }
0x83: {  	s4 =	sadd.s32 $0x1080, s3;
	[sflag:s30] =	ssyncadd.s32 $0xFFFFC000  }
0x84: {  	[spmem:s1] =	stream.indirect.scatter.add.f32 [tilespmem:s26], [sflag:$0x3], $0x80, s4, s23, $0xb8;
	[tilespmem:$0x1E700] =	vst v63  }
0x85: {  	_ =	swait.ge [sflag:s21], $0x4000  }
0x86: {  	[sflag:s21] =	ssyncset.done $0x0  }
.Ltmp5:
0x87: {  	[sflag:s21] =	ssyncadd.s32 $0xFFFFC000;
	(pc) =	sbr.rel @p1 .LBB2_7-.Ltmp5, $4  }
0x88: {  	[spmem:s2] =	stream.indirect.scatter.add.f32 [tilespmem:s29], [sflag:$0x3], $0x1, s4, s23, $0xb8;
	[tilespmem:$0x1E700] =	vst v63  }
0x89: {  	_ =	swait.ge [sflag:s21], $0x80  }
0x8a: {  	[sflag:s21] =	ssyncset.done $0x0  }
0x8b: {  	s3 =	sadd.s32 $0x180, s3;
	[sflag:s21] =	ssyncadd.s32 $0xFFFFFF80  }
0x8c: {  	[tilespmem:s26], [sflag:$0x2] =	stream.indirect.gather [hbm4b:s7+s23], $0x80, s3, s23, $0xb8;
	[tilespmem:$0x1E700] =	vst v63  }
0x8d: {  	_ =	swait.ge [sflag:s28], $0x4000  }
0x8e: {  	[sflag:s28] =	ssyncset.done $0x0  }
0x8f: {  	[sflag:s28] =	ssyncadd.s32 $0xFFFFC000  }
0x90: {  	[spmem:s1] =	stream.indirect.scatter.add.f32 [tilespmem:s24], [sflag:$0x3], $0x80, s31, s23, $0xb8;
	[tilespmem:$0x1E700] =	vst v63  }
0x91: {  	_ =	swait.ge [sflag:s21], $0x4000  }
0x92: {  	[sflag:s21] =	ssyncset.done $0x0  }
0x93: {  	[sflag:s21] =	ssyncadd.s32 $0xFFFFC000  }
0x94: {  	[spmem:s2] =	stream.indirect.scatter.add.f32 [tilespmem:s29], [sflag:$0x3], $0x1, s31, s23, $0xb8;
	[tilespmem:$0x1E700] =	vst v63  }
0x95: {  	_ =	swait.ge [sflag:s21], $0x80  }
0x96: {  	[sflag:s21] =	ssyncset.done $0x0  }
0x97: {  	[sflag:s21] =	ssyncadd.s32 $0xFFFFFF80  }
0x98: {  	_ =	swait.ge [sflag:s30], $0x4000  }
0x99: {  	[sflag:s30] =	ssyncset.done $0x0  }
0x9a: {  	[sflag:s30] =	ssyncadd.s32 $0xFFFFC000  }
0x9b: {  	[spmem:s1] =	stream.indirect.scatter.add.f32 [tilespmem:s26], [sflag:$0x3], $0x80, s0, s23, $0xb8;
	[tilespmem:$0x1E700] =	vst v63  }
0x9c: {  	s13 =	sadd.s32 $0x1, s13;
	_ =	swait.ge [sflag:s21], $0x4000  }
0x9d: {  	p1 =	sne.s32 s13, $0x5;
	[sflag:s21] =	ssyncset.done $0x0  }
.Ltmp6:
0x9e: {  	[sflag:s21] =	ssyncadd.s32 $0xFFFFC000;
	(pc) =	sbr.rel @p1 .LBB2_6-.Ltmp6, $4  }
0x9f: {  	[spmem:s2] =	stream.indirect.scatter.add.f32 [tilespmem:s29], [sflag:$0x3], $0x1, s0, s23, $0xb8;
	[tilespmem:$0x1E700] =	vst v63  }
0xa0: {  	_ =	swait.ge [sflag:s21], $0x80  }
0xa1: {  	[sflag:s21] =	ssyncset.done $0x0  }
0xa2: {  	[sflag:s21] =	ssyncadd.s32 $0xFFFFFF80  }
0xa3: {  	s3 =	stileid.u32  }
0xa4: {  	[bflag:$0x0] =	sbarrier.arrive $0xFFFF;
	s3 =	sshll.u32 s3, $0x6  }
0xa5: {  	s4 =	sshrl.u32 s9, $0x3;
	s12 =	rddreg [dreg:$0x6];
	s3 =	sor.u32 $0x1C03, s3  }
0xa6: {  	[hbm:s12], [sflag:s3] =	dma.local [spmem:s4], $0x2800  }
0xa7: {  	_ =	swait.ge [sflag:s21], $0x2800  }
0xa8: {  	[sflag:s21] =	ssyncset.done $0x0;
	s13 =	rddreg [dreg:$0x7]  }
.Ltmp7:
0xa9: {  	s25 =	rddreg [dreg:$0x8];
	[sflag:s21] =	ssyncadd.s32 $0xFFFFD800;
	(pc) =	sbr.rel .LBB2_14-.Ltmp7, $4  }
0xaa: {  	[hbm:s13], [sflag:s3] =	dma.local [spmem:s25], $0x50  }
0xab: {  	_ =	swait.ge [sflag:s21], $0x50  }
0xac: {  	[sflag:s21] =	ssyncset.done $0x0  }
0xad: {  	[sflag:s21] =	ssyncadd.s32 $0xFFFFFFB0  }
.LBB2_10:
0xae: {  	s3 =	sshll.u32 s25, $0xC  }
0xaf: {  	s3 =	sadd.s32 s10, s3  }
0xb0: {  	s3 =	sshrl.u32 s3, $0x3  }
0xb1: {  	s4 =	sadd.s32 s5, s3  }
0xb2: {  	[tilespmem:s12], [sflag:$0x3] =	stream.linear.gather [hbm4b:s4+s12], $0x1000, $0x38;
	[tilespmem:$0x1E700] =	vst v63  }
0xb3: {  	_ =	swait.ge [sflag:s21], $0x1000  }
0xb4: {  	[sflag:s21] =	ssyncset.done $0x0  }
0xb5: {  	s3 =	sadd.s32 s6, s3;
	[sflag:s21] =	ssyncadd.s32 $0xFFFFF000  }
0xb6: {  	[tilespmem:s22], [sflag:$0x3] =	stream.linear.gather [hbm4b:s3+s12], $0x1000, $0x38;
	[tilespmem:$0x1E700] =	vst v63  }
0xb7: {  	_ =	swait.ge [sflag:s21], $0x1000  }
0xb8: {  	[sflag:s21] =	ssyncset.done $0x0  }
0xb9: {  	[sflag:s21] =	ssyncadd.s32 $0xFFFFF000  }
0xba: {  	[tilespmem:s24], [sflag:$0x1] =	stream.indirect.gather [hbm4b:s8+s23], $0x80, s12, s23, $0xb8;
	[tilespmem:$0x1E700] =	vst v63  }
0xbb: {  	_ = 	snop  }
0xbc: {  	[tilespmem:s26], [sflag:$0x2] =	stream.indirect.gather [hbm4b:s8+s23], $0x80, s23, s23, $0xb8;
	[tilespmem:$0x1E700] =	vst v63  }
0xbd: {  	_ =	swait.ge [sflag:s28], $0x4000  }
0xbe: {  	[sflag:s28] =	ssyncset.done $0x0  }
0xbf: {  	s13 =	simm.s32 $0x1000;
	[sflag:s28] =	ssyncadd.s32 $0xFFFFC000  }
0xc0: {  	[spmem:s1] =	stream.indirect.scatter.add.f32 [tilespmem:s24], [sflag:$0x3], $0x80, s13, s23, $0xb8;
	[tilespmem:$0x1E700] =	vst v63  }
0xc1: {  	_ =	swait.ge [sflag:s21], $0x4000  }
0xc2: {  	[sflag:s21] =	ssyncset.done $0x0  }
0xc3: {  	s4 =	simm.s32 $0x100;
	[sflag:s21] =	ssyncadd.s32 $0xFFFFC000  }
0xc4: {  	[tilespmem:s24], [sflag:$0x1] =	stream.indirect.gather [hbm4b:s8+s23], $0x80, s4, s23, $0xb8;
	[tilespmem:$0x1E700] =	vst v63  }
0xc5: {  	_ =	swait.ge [sflag:s30], $0x4000  }
0xc6: {  	[sflag:s30] =	ssyncset.done $0x0  }
0xc7: {  	s13 =	simm.s32 $0x1080;
	[sflag:s30] =	ssyncadd.s32 $0xFFFFC000  }
0xc8: {  	[spmem:s1] =	stream.indirect.scatter.add.f32 [tilespmem:s26], [sflag:$0x3], $0x80, s13, s23, $0xb8;
	[tilespmem:$0x1E700] =	vst v63  }
0xc9: {  	_ =	swait.ge [sflag:s21], $0x4000  }
0xca: {  	[sflag:s21] =	ssyncset.done $0x0  }
0xcb: {  	s3 =	simm.s32 $0x180;
	s13 =	simm.s32 $0x400;
	[sflag:s21] =	ssyncadd.s32 $0xFFFFC000  }
.LBB2_11:
0xcc: {  	[tilespmem:s26], [sflag:$0x2] =	stream.indirect.gather [hbm4b:s8+s23], $0x80, s3, s23, $0xb8;
	[tilespmem:$0x1E700] =	vst v63  }
0xcd: {  	s3 =	smov.u32 s13  }
0xce: {  	p1 =	sne.s32 s13, $0x3800;
	s13 =	sadd.s32 $0x400, s13;
	_ =	swait.ge [sflag:s28], $0x4000  }
0xcf: {  	s3 =	sshra.s32 s3, $0x2;
	[sflag:s28] =	ssyncset.done $0x0  }
0xd0: {  	s4 =	sadd.s32 $0x1000, s3;
	[sflag:s28] =	ssyncadd.s32 $0xFFFFC000  }
0xd1: {  	[spmem:s1] =	stream.indirect.scatter.add.f32 [tilespmem:s24], [sflag:$0x3], $0x80, s4, s23, $0xb8;
	[tilespmem:$0x1E700] =	vst v63  }
0xd2: {  	_ =	swait.ge [sflag:s21], $0x4000  }
0xd3: {  	[sflag:s21] =	ssyncset.done $0x0  }
0xd4: {  	s4 =	sadd.s32 $0x100, s3;
	[sflag:s21] =	ssyncadd.s32 $0xFFFFC000  }
0xd5: {  	[tilespmem:s24], [sflag:$0x1] =	stream.indirect.gather [hbm4b:s8+s23], $0x80, s4, s23, $0xb8;
	[tilespmem:$0x1E700] =	vst v63  }
0xd6: {  	_ =	swait.ge [sflag:s30], $0x4000  }
0xd7: {  	[sflag:s30] =	ssyncset.done $0x0  }
.Ltmp8:
0xd8: {  	s4 =	sadd.s32 $0x1080, s3;
	[sflag:s30] =	ssyncadd.s32 $0xFFFFC000;
	(pc) =	sbr.rel @p1 .LBB2_11-.Ltmp8, $4  }
0xd9: {  	[spmem:s1] =	stream.indirect.scatter.add.f32 [tilespmem:s26], [sflag:$0x3], $0x80, s4, s23, $0xb8;
	[tilespmem:$0x1E700] =	vst v63  }
0xda: {  	_ =	swait.ge [sflag:s21], $0x4000  }
0xdb: {  	[sflag:s21] =	ssyncset.done $0x0  }
0xdc: {  	s3 =	sadd.s32 $0x180, s3;
	[sflag:s21] =	ssyncadd.s32 $0xFFFFC000  }
0xdd: {  	[tilespmem:s26], [sflag:$0x2] =	stream.indirect.gather [hbm4b:s8+s23], $0x80, s3, s23, $0xb8;
	[tilespmem:$0x1E700] =	vst v63  }
0xde: {  	_ =	swait.ge [sflag:s28], $0x4000  }
0xdf: {  	[sflag:s28] =	ssyncset.done $0x0  }
0xe0: {  	[sflag:s28] =	ssyncadd.s32 $0xFFFFC000  }
0xe1: {  	[spmem:s1] =	stream.indirect.scatter.add.f32 [tilespmem:s24], [sflag:$0x3], $0x80, s31, s23, $0xb8;
	[tilespmem:$0x1E700] =	vst v63  }
0xe2: {  	_ =	swait.ge [sflag:s21], $0x4000  }
0xe3: {  	[sflag:s21] =	ssyncset.done $0x0  }
0xe4: {  	[sflag:s21] =	ssyncadd.s32 $0xFFFFC000  }
0xe5: {  	s25 =	sadd.s32 $0x1, s25;
	_ =	swait.ge [sflag:s30], $0x4000  }
0xe6: {  	p1 =	sne.s32 s25, $0x5;
	[sflag:s30] =	ssyncset.done $0x0  }
.Ltmp9:
0xe7: {  	[sflag:s30] =	ssyncadd.s32 $0xFFFFC000;
	(pc) =	sbr.rel @p1 .LBB2_10-.Ltmp9, $4  }
0xe8: {  	[spmem:s1] =	stream.indirect.scatter.add.f32 [tilespmem:s26], [sflag:$0x3], $0x80, s0, s23, $0xb8;
	[tilespmem:$0x1E700] =	vst v63  }
0xe9: {  	_ =	swait.ge [sflag:s21], $0x4000  }
0xea: {  	[sflag:s21] =	ssyncset.done $0x0  }
0xeb: {  	[sflag:s21] =	ssyncadd.s32 $0xFFFFC000  }
0xec: {  	s3 =	stileid.u32  }
0xed: {  	[bflag:$0x0] =	sbarrier.arrive $0xFFFF;
	s4 =	sshrl.u32 s9, $0x3;
	s3 =	sshll.u32 s3, $0x6  }
.Ltmp10:
0xee: {  	s12 =	rddreg [dreg:$0x5];
	s3 =	sor.u32 $0x1C03, s3;
	(pc) =	sbr.rel .LBB2_14-.Ltmp10, $4  }
0xef: {  	[hbm:s12], [sflag:s3] =	dma.local [spmem:s4], $0x2800  }
0xf0: {  	_ =	swait.ge [sflag:s21], $0x2800  }
0xf1: {  	[sflag:s21] =	ssyncset.done $0x0  }
0xf2: {  	[sflag:s21] =	ssyncadd.s32 $0xFFFFD800  }
.LBB2_15:
0xf3: {  	_ =	sfence.sel $0x180000  }
0xf4: {  	[bflag:$0x0] =	sbarrier.arrive $0xFFFF  }
0xf5: {  	_ =	strace $0x90000047  }
0xf6: {  	s0 =	stileid.u32;
	[bflag:$0x2] =	sbarrier.arrive $0xFFFF  }
0xf7: {  	p0 =	sne.s32 s0, $0x0;
	s0 =	rddreg [dreg:$0x4]  }
0xf8: {  	s0 =	sadd.s32 @!p0 $0x100000, s0  }
0xf9: {  	[sflag:s0] =	ssyncadd.tile.s32 @!p0 $0x1;
	_ =	shalt  }
.Lfunc_end2:
_tile_overlayer_lowered:
.L_overlay_start_2:
0xfa: {  	(tag) =	ssettag $0x2  }
0xfb: {  	s0 =	rddreg [dreg:$0x0];
	s2 =	stileid.u32  }
0xfc: {  	s1 =	rddreg [dreg:$0x1];
	p0 =	sne.s32 s2, $0x0  }
0xfd: {  	s3 =	rddreg [dreg:$0x2];
	[bflag:$0x3] =	sbarrier.arrive $0xFFFF;
	s2 =	simm.s32 @!p0 $0x1C03  }
0xfe: {  	[timem:s3], [sflag:s2] =	dma.local @!p0 [hbm:s0], s1  }
0xff: {  	s0 =	simm.s32 @!p0 $0x3  }
0x100: {  	_ =	swait.ge @!p0 [sflag:s0], s1  }
0x101: {  	s1 =	ssub.s32 @!p0 $0x0, s1;
	[sflag:s0] =	ssyncset.done @!p0 $0x0  }
0x102: {  	[sflag:s0] =	ssyncadd.s32 @!p0 s1  }
0x103: {  	[bflag:$0x3] =	sbarrier.arrive $0xFFFF  }
0x104: {  	_ =	shalt  }

</sc_bundles>
